<compile_context>
chip_gen: v7x
topology: tpu7x:2x2x1
jax: 0.10.2.dev20260603
libtpu: 0.0.44.dev20260713+nightly
codegen_flags: <defaults>
</compile_context>

<pallas_src>
import functools
import math

import jax
import jax.numpy as jnp
from jax import lax
from jax.experimental import pallas as pl
from jax.experimental.pallas import tpu as pltpu
from jax.experimental.pallas import tpu_sc as plsc

D_MODEL = 64
ROWS = 4096
COLS = 200
NUM_CORES = 2
NUM_SUBCORES = 16
NW = NUM_CORES * NUM_SUBCORES
RPW = ROWS // NW
SPLIT = 104
NBUF = 4
SCALE = math.sqrt(D_MODEL)

_mesh = plsc.VectorSubcoreMesh(core_axis_name="c", subcore_axis_name="s")


@functools.partial(
    pl.kernel,
    mesh=_mesh,
    compiler_params=pltpu.CompilerParams(use_tc_tiling_on_sc=False),
    out_type=jax.ShapeDtypeStruct((ROWS, COLS, D_MODEL), jnp.float32),
    scratch_types=[
        pltpu.VMEM((RPW, COLS), jnp.int32),
        pltpu.VMEM((NBUF, COLS, D_MODEL), jnp.float32),
        pltpu.VMEM((NBUF, COLS, D_MODEL), jnp.float32),
        pltpu.SemaphoreType.DMA((NBUF,)),
        pltpu.SemaphoreType.DMA((NBUF,)),
    ],
)
def _emb_lookup(x_hbm, lut_hbm, out_hbm, idx_v, gbuf, sbuf, gsem, ssem):
    wid = lax.axis_index("s") * NUM_CORES + lax.axis_index("c")
    base = wid * RPW

    pltpu.sync_copy(x_hbm.at[pl.ds(base, RPW)], idx_v)

    def fire_gathers(r, b):
        pltpu.async_copy(
            lut_hbm.at[idx_v.at[r, pl.ds(0, SPLIT)]],
            gbuf.at[b, pl.ds(0, SPLIT)], gsem.at[b])
        pltpu.async_copy(
            lut_hbm.at[idx_v.at[r, pl.ds(SPLIT, COLS - SPLIT)]],
            gbuf.at[b, pl.ds(SPLIT, COLS - SPLIT)], gsem.at[b])

    def wait_gathers(r, b):
        pltpu.make_async_copy(
            lut_hbm.at[idx_v.at[r, pl.ds(0, SPLIT)]],
            gbuf.at[b, pl.ds(0, SPLIT)], gsem.at[b]).wait()
        pltpu.make_async_copy(
            lut_hbm.at[idx_v.at[r, pl.ds(SPLIT, COLS - SPLIT)]],
            gbuf.at[b, pl.ds(SPLIT, COLS - SPLIT)], gsem.at[b]).wait()

    for b in range(NBUF):
        fire_gathers(b, b)

    def row_body(it, carry):
        r0 = it * NBUF
        for b in range(NBUF):
            r = r0 + b
            wait_gathers(r, b)

            @pl.when(r >= NBUF)
            def _():
                pltpu.make_async_copy(
                    sbuf.at[b], out_hbm.at[base + r - NBUF],
                    ssem.at[b]).wait()

            def scale_body(p4, c2):
                p0 = p4 * 4
                for dp in range(4):
                    for c in range(D_MODEL // 16):
                        sl = pl.ds(c * 16, 16)
                        sbuf[b, p0 + dp, sl] = gbuf[b, p0 + dp, sl] * SCALE
                return c2

            lax.fori_loop(0, COLS // 4, scale_body, 0)

            @pl.when(r + NBUF < RPW)
            def _():
                fire_gathers(r + NBUF, b)

            pltpu.async_copy(sbuf.at[b], out_hbm.at[base + r], ssem.at[b])
        return carry

    lax.fori_loop(0, RPW // NBUF, row_body, 0)

    for b in range(NBUF):
        r = RPW - NBUF + b
        pltpu.make_async_copy(
            sbuf.at[b], out_hbm.at[base + r], ssem.at[b]).wait()


def kernel(x, lut):
    return _emb_lookup(x.astype(jnp.int32), lut)

# --- scband reference (transcript-rebuilt; emitter-appended) ---
"""Pipeline reference for scband-embeddings-26302379720812 (READ-ONLY COPY).

The authoritative reference and input builder live on the scoring server;
editing this copy changes nothing except your own understanding.
"""

import jax, jax.numpy as jnp
import numpy as np
import math

D_MODEL = 64
VOCAB = 1000000

def setup_inputs(seed: int = 0) -> dict:
    key = jax.random.key(seed)
    k_idx, k_tab = jax.random.split(key)
    x = jax.random.randint(k_idx, (4096, 200), 0, VOCAB, dtype=jnp.int64 if jax.config.jax_enable_x64 else jnp.int32)
    lut = jax.random.normal(k_tab, (VOCAB, D_MODEL), dtype=jnp.float32)
    return {"x": x, "lut": lut}

def reference(x, lut):
    # Faithful translation of Embeddings.forward: self.lut(x) * math.sqrt(self.d_model)
    emb = jnp.take(lut, x, axis=0)
    return emb * math.sqrt(D_MODEL)

if __name__ == "__main__":
    import jax
    _d = setup_inputs()
    print(jax.jit(kernel)(*tuple(_d.values())))

</pallas_src>

<mosaic_0001>
#map = affine_map<(d0, d1) -> (0, 0)>
#map1 = affine_map<(d0, d1) -> (0, 0, 0)>
module attributes {stable_mosaic.version = 14 : i64} {
  func.func @_emb_lookup(%arg0: i32, %arg1: i32, %arg2: memref<4096x200xi32, #tpu.memory_space<hbm>>, %arg3: memref<1000000x64xf32, #tpu.memory_space<hbm>>, %arg4: memref<4096x200x64xf32, #tpu.memory_space<hbm>>, %arg5: memref<128x200xi32, #tpu.memory_space<vmem>>, %arg6: memref<4x200x64xf32, #tpu.memory_space<vmem>>, %arg7: memref<4x200x64xf32, #tpu.memory_space<vmem>>, %arg8: memref<4x!tpu.dma_semaphore, #tpu.memory_space<semaphore_mem>>, %arg9: memref<4x!tpu.dma_semaphore, #tpu.memory_space<semaphore_mem>>) attributes {dimension_semantics = [#tpu.dimension_semantics<core_parallel>, #tpu.dimension_semantics<subcore_parallel>], iteration_bounds = array<i64: 2, 16>, scalar_prefetch = 0 : i64, scratch_operands = 5 : i64, tpu.core_type = #tpu.core_type<sc_vector_subcore>, window_params = [{transform_indices = #map}, {transform_indices = #map}, {transform_indices = #map1}]} {
    %mul3A = arith.constant 2 : i32
    %mul3A_0 = arith.muli %arg1, %mul3A : i32
    %add3A = arith.addi %mul3A_0, %arg0 : i32
    %mul3A_1 = arith.constant 128 : i32
    %mul3A_2 = arith.muli %add3A, %mul3A_1 : i32
    "tpu.region"() ({
      %run_scoped3A = tpu.sem_alloc : memref<!tpu.dma_semaphore, #tpu.memory_space<semaphore_mem>>
      %dma_start3A_214 = arith.constant 0 : i32
      %dma_start3A_215 = tpu.memref_slice %arg2[%mul3A_2, %dma_start3A_214] : memref<4096x200xi32, #tpu.memory_space<hbm>> -> memref<128x200xi32, #tpu.memory_space<hbm>>
      %dma_start3A_216 = arith.constant 0 : i32
      %dma_start3A_217 = tpu.memref_slice %arg2[%mul3A_2, %dma_start3A_216] : memref<4096x200xi32, #tpu.memory_space<hbm>> -> memref<128x200xi32, #tpu.memory_space<hbm>>
      tpu.enqueue_dma source(%dma_start3A_217 : memref<128x200xi32, #tpu.memory_space<hbm>>) target(%arg5 : memref<128x200xi32, #tpu.memory_space<vmem>>) target_semaphore(%run_scoped3A : memref<!tpu.dma_semaphore, #tpu.memory_space<semaphore_mem>>)
      %dma_wait3A_218 = arith.constant 0 : i32
      %dma_wait3A_219 = tpu.memref_slice %arg2[%mul3A_2, %dma_wait3A_218] : memref<4096x200xi32, #tpu.memory_space<hbm>> -> memref<128x200xi32, #tpu.memory_space<hbm>>
      %dma_wait3A_220 = arith.constant 0 : i32
      %dma_wait3A_221 = tpu.memref_slice %arg2[%mul3A_2, %dma_wait3A_220] : memref<4096x200xi32, #tpu.memory_space<hbm>> -> memref<128x200xi32, #tpu.memory_space<hbm>>
      tpu.wait_dma2 semaphore(%run_scoped3A : memref<!tpu.dma_semaphore, #tpu.memory_space<semaphore_mem>>) src(%dma_wait3A_221 : memref<128x200xi32, #tpu.memory_space<hbm>>) dst(%arg5 : memref<128x200xi32, #tpu.memory_space<vmem>>)
      tpu.yield
    }) : () -> ()
    %dma_start3A = arith.constant 0 : i32
    %dma_start3A_3 = arith.constant 0 : i32
    %dma_start3A_4 = arith.constant 0 : i32
    %dma_start3A_5 = arith.constant 0 : i32
    %dma_start3A_6 = arith.constant 0 : i32
    %dma_start3A_7 = tpu.memref_slice %arg6[%dma_start3A_3, %dma_start3A_5, %dma_start3A_6] : memref<4x200x64xf32, #tpu.memory_space<vmem>> -> memref<1x104x64xf32, #tpu.memory_space<vmem>>
    %dma_start3A_8 = tpu.memref_squeeze %dma_start3A_7 : memref<1x104x64xf32, #tpu.memory_space<vmem>> -> memref<104x64xf32, #tpu.memory_space<vmem>>
    %dma_start3A_9 = arith.constant 0 : i32
    %dma_start3A_10 = tpu.memref_slice %arg5[%dma_start3A, %dma_start3A_9] : memref<128x200xi32, #tpu.memory_space<vmem>> -> memref<1x104xi32, #tpu.memory_space<vmem>>
    %dma_start3A_11 = tpu.memref_squeeze %dma_start3A_10 : memref<1x104xi32, #tpu.memory_space<vmem>> -> memref<104xi32, #tpu.memory_space<vmem>>
    %dma_start3A_12 = arith.constant 0 : i32
    %dma_start3A_13 = arith.constant 0 : i32
    %dma_start3A_14 = tpu.memref_slice %arg3[%dma_start3A_12, %dma_start3A_13] : memref<1000000x64xf32, #tpu.memory_space<hbm>> -> memref<1000000x64xf32, #tpu.memory_space<hbm>>
    %dma_start3A_15 = tpu.memref_slice %arg8[%dma_start3A_4] : memref<4x!tpu.dma_semaphore, #tpu.memory_space<semaphore_mem>> -> memref<1x!tpu.dma_semaphore, #tpu.memory_space<semaphore_mem>>
    %dma_start3A_16 = tpu.memref_squeeze %dma_start3A_15 : memref<1x!tpu.dma_semaphore, #tpu.memory_space<semaphore_mem>> -> memref<!tpu.dma_semaphore, #tpu.memory_space<semaphore_mem>>
    tpu.enqueue_indirect_dma source(%dma_start3A_14 : memref<1000000x64xf32, #tpu.memory_space<hbm>>) target(%dma_start3A_8 : memref<104x64xf32, #tpu.memory_space<vmem>>) offsets(%dma_start3A_11 : memref<104xi32, #tpu.memory_space<vmem>>) semaphore(%dma_start3A_16 : memref<!tpu.dma_semaphore, #tpu.memory_space<semaphore_mem>>)
    %dma_start3A_17 = arith.constant 0 : i32
    %dma_start3A_18 = arith.constant 0 : i32
    %dma_start3A_19 = arith.constant 0 : i32
    %dma_start3A_20 = arith.constant 104 : i32
    %dma_start3A_21 = arith.constant 0 : i32
    %dma_start3A_22 = tpu.memref_slice %arg6[%dma_start3A_18, %dma_start3A_20, %dma_start3A_21] : memref<4x200x64xf32, #tpu.memory_space<vmem>> -> memref<1x96x64xf32, #tpu.memory_space<vmem>>
    %dma_start3A_23 = tpu.memref_squeeze %dma_start3A_22 : memref<1x96x64xf32, #tpu.memory_space<vmem>> -> memref<96x64xf32, #tpu.memory_space<vmem>>
    %dma_start3A_24 = arith.constant 104 : i32
    %dma_start3A_25 = tpu.memref_slice %arg5[%dma_start3A_17, %dma_start3A_24] : memref<128x200xi32, #tpu.memory_space<vmem>> -> memref<1x96xi32, #tpu.memory_space<vmem>>
    %dma_start3A_26 = tpu.memref_squeeze %dma_start3A_25 : memref<1x96xi32, #tpu.memory_space<vmem>> -> memref<96xi32, #tpu.memory_space<vmem>>
    %dma_start3A_27 = arith.constant 0 : i32
    %dma_start3A_28 = arith.constant 0 : i32
    %dma_start3A_29 = tpu.memref_slice %arg3[%dma_start3A_27, %dma_start3A_28] : memref<1000000x64xf32, #tpu.memory_space<hbm>> -> memref<1000000x64xf32, #tpu.memory_space<hbm>>
    %dma_start3A_30 = tpu.memref_slice %arg8[%dma_start3A_19] : memref<4x!tpu.dma_semaphore, #tpu.memory_space<semaphore_mem>> -> memref<1x!tpu.dma_semaphore, #tpu.memory_space<semaphore_mem>>
    %dma_start3A_31 = tpu.memref_squeeze %dma_start3A_30 : memref<1x!tpu.dma_semaphore, #tpu.memory_space<semaphore_mem>> -> memref<!tpu.dma_semaphore, #tpu.memory_space<semaphore_mem>>
    tpu.enqueue_indirect_dma source(%dma_start3A_29 : memref<1000000x64xf32, #tpu.memory_space<hbm>>) target(%dma_start3A_23 : memref<96x64xf32, #tpu.memory_space<vmem>>) offsets(%dma_start3A_26 : memref<96xi32, #tpu.memory_space<vmem>>) semaphore(%dma_start3A_31 : memref<!tpu.dma_semaphore, #tpu.memory_space<semaphore_mem>>)
    %dma_start3A_32 = arith.constant 1 : i32
    %dma_start3A_33 = arith.constant 1 : i32
    %dma_start3A_34 = arith.constant 1 : i32
    %dma_start3A_35 = arith.constant 0 : i32
    %dma_start3A_36 = arith.constant 0 : i32
    %dma_start3A_37 = tpu.memref_slice %arg6[%dma_start3A_33, %dma_start3A_35, %dma_start3A_36] : memref<4x200x64xf32, #tpu.memory_space<vmem>> -> memref<1x104x64xf32, #tpu.memory_space<vmem>>
    %dma_start3A_38 = tpu.memref_squeeze %dma_start3A_37 : memref<1x104x64xf32, #tpu.memory_space<vmem>> -> memref<104x64xf32, #tpu.memory_space<vmem>>
    %dma_start3A_39 = arith.constant 0 : i32
    %dma_start3A_40 = tpu.memref_slice %arg5[%dma_start3A_32, %dma_start3A_39] : memref<128x200xi32, #tpu.memory_space<vmem>> -> memref<1x104xi32, #tpu.memory_space<vmem>>
    %dma_start3A_41 = tpu.memref_squeeze %dma_start3A_40 : memref<1x104xi32, #tpu.memory_space<vmem>> -> memref<104xi32, #tpu.memory_space<vmem>>
    %dma_start3A_42 = arith.constant 0 : i32
    %dma_start3A_43 = arith.constant 0 : i32
    %dma_start3A_44 = tpu.memref_slice %arg3[%dma_start3A_42, %dma_start3A_43] : memref<1000000x64xf32, #tpu.memory_space<hbm>> -> memref<1000000x64xf32, #tpu.memory_space<hbm>>
    %dma_start3A_45 = tpu.memref_slice %arg8[%dma_start3A_34] : memref<4x!tpu.dma_semaphore, #tpu.memory_space<semaphore_mem>> -> memref<1x!tpu.dma_semaphore, #tpu.memory_space<semaphore_mem>>
    %dma_start3A_46 = tpu.memref_squeeze %dma_start3A_45 : memref<1x!tpu.dma_semaphore, #tpu.memory_space<semaphore_mem>> -> memref<!tpu.dma_semaphore, #tpu.memory_space<semaphore_mem>>
    tpu.enqueue_indirect_dma source(%dma_start3A_44 : memref<1000000x64xf32, #tpu.memory_space<hbm>>) target(%dma_start3A_38 : memref<104x64xf32, #tpu.memory_space<vmem>>) offsets(%dma_start3A_41 : memref<104xi32, #tpu.memory_space<vmem>>) semaphore(%dma_start3A_46 : memref<!tpu.dma_semaphore, #tpu.memory_space<semaphore_mem>>)
    %dma_start3A_47 = arith.constant 1 : i32
    %dma_start3A_48 = arith.constant 1 : i32
    %dma_start3A_49 = arith.constant 1 : i32
    %dma_start3A_50 = arith.constant 104 : i32
    %dma_start3A_51 = arith.constant 0 : i32
    %dma_start3A_52 = tpu.memref_slice %arg6[%dma_start3A_48, %dma_start3A_50, %dma_start3A_51] : memref<4x200x64xf32, #tpu.memory_space<vmem>> -> memref<1x96x64xf32, #tpu.memory_space<vmem>>
    %dma_start3A_53 = tpu.memref_squeeze %dma_start3A_52 : memref<1x96x64xf32, #tpu.memory_space<vmem>> -> memref<96x64xf32, #tpu.memory_space<vmem>>
    %dma_start3A_54 = arith.constant 104 : i32
    %dma_start3A_55 = tpu.memref_slice %arg5[%dma_start3A_47, %dma_start3A_54] : memref<128x200xi32, #tpu.memory_space<vmem>> -> memref<1x96xi32, #tpu.memory_space<vmem>>
    %dma_start3A_56 = tpu.memref_squeeze %dma_start3A_55 : memref<1x96xi32, #tpu.memory_space<vmem>> -> memref<96xi32, #tpu.memory_space<vmem>>
    %dma_start3A_57 = arith.constant 0 : i32
    %dma_start3A_58 = arith.constant 0 : i32
    %dma_start3A_59 = tpu.memref_slice %arg3[%dma_start3A_57, %dma_start3A_58] : memref<1000000x64xf32, #tpu.memory_space<hbm>> -> memref<1000000x64xf32, #tpu.memory_space<hbm>>
    %dma_start3A_60 = tpu.memref_slice %arg8[%dma_start3A_49] : memref<4x!tpu.dma_semaphore, #tpu.memory_space<semaphore_mem>> -> memref<1x!tpu.dma_semaphore, #tpu.memory_space<semaphore_mem>>
    %dma_start3A_61 = tpu.memref_squeeze %dma_start3A_60 : memref<1x!tpu.dma_semaphore, #tpu.memory_space<semaphore_mem>> -> memref<!tpu.dma_semaphore, #tpu.memory_space<semaphore_mem>>
    tpu.enqueue_indirect_dma source(%dma_start3A_59 : memref<1000000x64xf32, #tpu.memory_space<hbm>>) target(%dma_start3A_53 : memref<96x64xf32, #tpu.memory_space<vmem>>) offsets(%dma_start3A_56 : memref<96xi32, #tpu.memory_space<vmem>>) semaphore(%dma_start3A_61 : memref<!tpu.dma_semaphore, #tpu.memory_space<semaphore_mem>>)
    %dma_start3A_62 = arith.constant 2 : i32
    %dma_start3A_63 = arith.constant 2 : i32
    %dma_start3A_64 = arith.constant 2 : i32
    %dma_start3A_65 = arith.constant 0 : i32
    %dma_start3A_66 = arith.constant 0 : i32
    %dma_start3A_67 = tpu.memref_slice %arg6[%dma_start3A_63, %dma_start3A_65, %dma_start3A_66] : memref<4x200x64xf32, #tpu.memory_space<vmem>> -> memref<1x104x64xf32, #tpu.memory_space<vmem>>
    %dma_start3A_68 = tpu.memref_squeeze %dma_start3A_67 : memref<1x104x64xf32, #tpu.memory_space<vmem>> -> memref<104x64xf32, #tpu.memory_space<vmem>>
    %dma_start3A_69 = arith.constant 0 : i32
    %dma_start3A_70 = tpu.memref_slice %arg5[%dma_start3A_62, %dma_start3A_69] : memref<128x200xi32, #tpu.memory_space<vmem>> -> memref<1x104xi32, #tpu.memory_space<vmem>>
    %dma_start3A_71 = tpu.memref_squeeze %dma_start3A_70 : memref<1x104xi32, #tpu.memory_space<vmem>> -> memref<104xi32, #tpu.memory_space<vmem>>
    %dma_start3A_72 = arith.constant 0 : i32
    %dma_start3A_73 = arith.constant 0 : i32
    %dma_start3A_74 = tpu.memref_slice %arg3[%dma_start3A_72, %dma_start3A_73] : memref<1000000x64xf32, #tpu.memory_space<hbm>> -> memref<1000000x64xf32, #tpu.memory_space<hbm>>
    %dma_start3A_75 = tpu.memref_slice %arg8[%dma_start3A_64] : memref<4x!tpu.dma_semaphore, #tpu.memory_space<semaphore_mem>> -> memref<1x!tpu.dma_semaphore, #tpu.memory_space<semaphore_mem>>
    %dma_start3A_76 = tpu.memref_squeeze %dma_start3A_75 : memref<1x!tpu.dma_semaphore, #tpu.memory_space<semaphore_mem>> -> memref<!tpu.dma_semaphore, #tpu.memory_space<semaphore_mem>>
    tpu.enqueue_indirect_dma source(%dma_start3A_74 : memref<1000000x64xf32, #tpu.memory_space<hbm>>) target(%dma_start3A_68 : memref<104x64xf32, #tpu.memory_space<vmem>>) offsets(%dma_start3A_71 : memref<104xi32, #tpu.memory_space<vmem>>) semaphore(%dma_start3A_76 : memref<!tpu.dma_semaphore, #tpu.memory_space<semaphore_mem>>)
    %dma_start3A_77 = arith.constant 2 : i32
    %dma_start3A_78 = arith.constant 2 : i32
    %dma_start3A_79 = arith.constant 2 : i32
    %dma_start3A_80 = arith.constant 104 : i32
    %dma_start3A_81 = arith.constant 0 : i32
    %dma_start3A_82 = tpu.memref_slice %arg6[%dma_start3A_78, %dma_start3A_80, %dma_start3A_81] : memref<4x200x64xf32, #tpu.memory_space<vmem>> -> memref<1x96x64xf32, #tpu.memory_space<vmem>>
    %dma_start3A_83 = tpu.memref_squeeze %dma_start3A_82 : memref<1x96x64xf32, #tpu.memory_space<vmem>> -> memref<96x64xf32, #tpu.memory_space<vmem>>
    %dma_start3A_84 = arith.constant 104 : i32
    %dma_start3A_85 = tpu.memref_slice %arg5[%dma_start3A_77, %dma_start3A_84] : memref<128x200xi32, #tpu.memory_space<vmem>> -> memref<1x96xi32, #tpu.memory_space<vmem>>
    %dma_start3A_86 = tpu.memref_squeeze %dma_start3A_85 : memref<1x96xi32, #tpu.memory_space<vmem>> -> memref<96xi32, #tpu.memory_space<vmem>>
    %dma_start3A_87 = arith.constant 0 : i32
    %dma_start3A_88 = arith.constant 0 : i32
    %dma_start3A_89 = tpu.memref_slice %arg3[%dma_start3A_87, %dma_start3A_88] : memref<1000000x64xf32, #tpu.memory_space<hbm>> -> memref<1000000x64xf32, #tpu.memory_space<hbm>>
    %dma_start3A_90 = tpu.memref_slice %arg8[%dma_start3A_79] : memref<4x!tpu.dma_semaphore, #tpu.memory_space<semaphore_mem>> -> memref<1x!tpu.dma_semaphore, #tpu.memory_space<semaphore_mem>>
    %dma_start3A_91 = tpu.memref_squeeze %dma_start3A_90 : memref<1x!tpu.dma_semaphore, #tpu.memory_space<semaphore_mem>> -> memref<!tpu.dma_semaphore, #tpu.memory_space<semaphore_mem>>
    tpu.enqueue_indirect_dma source(%dma_start3A_89 : memref<1000000x64xf32, #tpu.memory_space<hbm>>) target(%dma_start3A_83 : memref<96x64xf32, #tpu.memory_space<vmem>>) offsets(%dma_start3A_86 : memref<96xi32, #tpu.memory_space<vmem>>) semaphore(%dma_start3A_91 : memref<!tpu.dma_semaphore, #tpu.memory_space<semaphore_mem>>)
    %dma_start3A_92 = arith.constant 3 : i32
    %dma_start3A_93 = arith.constant 3 : i32
    %dma_start3A_94 = arith.constant 3 : i32
    %dma_start3A_95 = arith.constant 0 : i32
    %dma_start3A_96 = arith.constant 0 : i32
    %dma_start3A_97 = tpu.memref_slice %arg6[%dma_start3A_93, %dma_start3A_95, %dma_start3A_96] : memref<4x200x64xf32, #tpu.memory_space<vmem>> -> memref<1x104x64xf32, #tpu.memory_space<vmem>>
    %dma_start3A_98 = tpu.memref_squeeze %dma_start3A_97 : memref<1x104x64xf32, #tpu.memory_space<vmem>> -> memref<104x64xf32, #tpu.memory_space<vmem>>
    %dma_start3A_99 = arith.constant 0 : i32
    %dma_start3A_100 = tpu.memref_slice %arg5[%dma_start3A_92, %dma_start3A_99] : memref<128x200xi32, #tpu.memory_space<vmem>> -> memref<1x104xi32, #tpu.memory_space<vmem>>
    %dma_start3A_101 = tpu.memref_squeeze %dma_start3A_100 : memref<1x104xi32, #tpu.memory_space<vmem>> -> memref<104xi32, #tpu.memory_space<vmem>>
    %dma_start3A_102 = arith.constant 0 : i32
    %dma_start3A_103 = arith.constant 0 : i32
    %dma_start3A_104 = tpu.memref_slice %arg3[%dma_start3A_102, %dma_start3A_103] : memref<1000000x64xf32, #tpu.memory_space<hbm>> -> memref<1000000x64xf32, #tpu.memory_space<hbm>>
    %dma_start3A_105 = tpu.memref_slice %arg8[%dma_start3A_94] : memref<4x!tpu.dma_semaphore, #tpu.memory_space<semaphore_mem>> -> memref<1x!tpu.dma_semaphore, #tpu.memory_space<semaphore_mem>>
    %dma_start3A_106 = tpu.memref_squeeze %dma_start3A_105 : memref<1x!tpu.dma_semaphore, #tpu.memory_space<semaphore_mem>> -> memref<!tpu.dma_semaphore, #tpu.memory_space<semaphore_mem>>
    tpu.enqueue_indirect_dma source(%dma_start3A_104 : memref<1000000x64xf32, #tpu.memory_space<hbm>>) target(%dma_start3A_98 : memref<104x64xf32, #tpu.memory_space<vmem>>) offsets(%dma_start3A_101 : memref<104xi32, #tpu.memory_space<vmem>>) semaphore(%dma_start3A_106 : memref<!tpu.dma_semaphore, #tpu.memory_space<semaphore_mem>>)
    %dma_start3A_107 = arith.constant 3 : i32
    %dma_start3A_108 = arith.constant 3 : i32
    %dma_start3A_109 = arith.constant 3 : i32
    %dma_start3A_110 = arith.constant 104 : i32
    %dma_start3A_111 = arith.constant 0 : i32
    %dma_start3A_112 = tpu.memref_slice %arg6[%dma_start3A_108, %dma_start3A_110, %dma_start3A_111] : memref<4x200x64xf32, #tpu.memory_space<vmem>> -> memref<1x96x64xf32, #tpu.memory_space<vmem>>
    %dma_start3A_113 = tpu.memref_squeeze %dma_start3A_112 : memref<1x96x64xf32, #tpu.memory_space<vmem>> -> memref<96x64xf32, #tpu.memory_space<vmem>>
    %dma_start3A_114 = arith.constant 104 : i32
    %dma_start3A_115 = tpu.memref_slice %arg5[%dma_start3A_107, %dma_start3A_114] : memref<128x200xi32, #tpu.memory_space<vmem>> -> memref<1x96xi32, #tpu.memory_space<vmem>>
    %dma_start3A_116 = tpu.memref_squeeze %dma_start3A_115 : memref<1x96xi32, #tpu.memory_space<vmem>> -> memref<96xi32, #tpu.memory_space<vmem>>
    %dma_start3A_117 = arith.constant 0 : i32
    %dma_start3A_118 = arith.constant 0 : i32
    %dma_start3A_119 = tpu.memref_slice %arg3[%dma_start3A_117, %dma_start3A_118] : memref<1000000x64xf32, #tpu.memory_space<hbm>> -> memref<1000000x64xf32, #tpu.memory_space<hbm>>
    %dma_start3A_120 = tpu.memref_slice %arg8[%dma_start3A_109] : memref<4x!tpu.dma_semaphore, #tpu.memory_space<semaphore_mem>> -> memref<1x!tpu.dma_semaphore, #tpu.memory_space<semaphore_mem>>
    %dma_start3A_121 = tpu.memref_squeeze %dma_start3A_120 : memref<1x!tpu.dma_semaphore, #tpu.memory_space<semaphore_mem>> -> memref<!tpu.dma_semaphore, #tpu.memory_space<semaphore_mem>>
    tpu.enqueue_indirect_dma source(%dma_start3A_119 : memref<1000000x64xf32, #tpu.memory_space<hbm>>) target(%dma_start3A_113 : memref<96x64xf32, #tpu.memory_space<vmem>>) offsets(%dma_start3A_116 : memref<96xi32, #tpu.memory_space<vmem>>) semaphore(%dma_start3A_121 : memref<!tpu.dma_semaphore, #tpu.memory_space<semaphore_mem>>)
    %scan3A = arith.constant 0 : i32
    %scan3A_122 = arith.constant 0 : i32
    %scan3A_123 = arith.constant 32 : i32
    %scan3A_124 = arith.addi %scan3A_122, %scan3A_123 : i32
    %scan3A_125 = arith.constant 1 : i32
    scf.for %scan3A_214 = %scan3A_122 to %scan3A_124 step %scan3A_125  : i32 {
      %mul3A_215 = arith.constant 4 : i32
      %mul3A_216 = arith.muli %scan3A_214, %mul3A_215 : i32
      %add3A_217 = arith.constant 0 : i32
      %add3A_218 = arith.addi %mul3A_216, %add3A_217 : i32
      %dma_wait3A_219 = arith.constant 0 : i32
      %dma_wait3A_220 = arith.constant 0 : i32
      %dma_wait3A_221 = arith.constant 0 : i32
      %dma_wait3A_222 = arith.constant 0 : i32
      %dma_wait3A_223 = tpu.memref_slice %arg6[%dma_wait3A_219, %dma_wait3A_221, %dma_wait3A_222] : memref<4x200x64xf32, #tpu.memory_space<vmem>> -> memref<1x104x64xf32, #tpu.memory_space<vmem>>
      %dma_wait3A_224 = tpu.memref_squeeze %dma_wait3A_223 : memref<1x104x64xf32, #tpu.memory_space<vmem>> -> memref<104x64xf32, #tpu.memory_space<vmem>>
      %dma_wait3A_225 = arith.constant 0 : i32
      %dma_wait3A_226 = tpu.memref_slice %arg5[%add3A_218, %dma_wait3A_225] : memref<128x200xi32, #tpu.memory_space<vmem>> -> memref<1x104xi32, #tpu.memory_space<vmem>>
      %dma_wait3A_227 = tpu.memref_squeeze %dma_wait3A_226 : memref<1x104xi32, #tpu.memory_space<vmem>> -> memref<104xi32, #tpu.memory_space<vmem>>
      %dma_wait3A_228 = arith.constant 0 : i32
      %dma_wait3A_229 = arith.constant 0 : i32
      %dma_wait3A_230 = tpu.memref_slice %arg3[%dma_wait3A_228, %dma_wait3A_229] : memref<1000000x64xf32, #tpu.memory_space<hbm>> -> memref<1000000x64xf32, #tpu.memory_space<hbm>>
      %dma_wait3A_231 = tpu.memref_slice %arg8[%dma_wait3A_220] : memref<4x!tpu.dma_semaphore, #tpu.memory_space<semaphore_mem>> -> memref<1x!tpu.dma_semaphore, #tpu.memory_space<semaphore_mem>>
      %dma_wait3A_232 = tpu.memref_squeeze %dma_wait3A_231 : memref<1x!tpu.dma_semaphore, #tpu.memory_space<semaphore_mem>> -> memref<!tpu.dma_semaphore, #tpu.memory_space<semaphore_mem>>
      tpu.wait_indirect_dma semaphore(%dma_wait3A_232 : memref<!tpu.dma_semaphore, #tpu.memory_space<semaphore_mem>>) src(%dma_wait3A_230 : memref<1000000x64xf32, #tpu.memory_space<hbm>>) dst(%dma_wait3A_224 : memref<104x64xf32, #tpu.memory_space<vmem>>)
      %dma_wait3A_233 = arith.constant 0 : i32
      %dma_wait3A_234 = arith.constant 0 : i32
      %dma_wait3A_235 = arith.constant 104 : i32
      %dma_wait3A_236 = arith.constant 0 : i32
      %dma_wait3A_237 = tpu.memref_slice %arg6[%dma_wait3A_233, %dma_wait3A_235, %dma_wait3A_236] : memref<4x200x64xf32, #tpu.memory_space<vmem>> -> memref<1x96x64xf32, #tpu.memory_space<vmem>>
      %dma_wait3A_238 = tpu.memref_squeeze %dma_wait3A_237 : memref<1x96x64xf32, #tpu.memory_space<vmem>> -> memref<96x64xf32, #tpu.memory_space<vmem>>
      %dma_wait3A_239 = arith.constant 104 : i32
      %dma_wait3A_240 = tpu.memref_slice %arg5[%add3A_218, %dma_wait3A_239] : memref<128x200xi32, #tpu.memory_space<vmem>> -> memref<1x96xi32, #tpu.memory_space<vmem>>
      %dma_wait3A_241 = tpu.memref_squeeze %dma_wait3A_240 : memref<1x96xi32, #tpu.memory_space<vmem>> -> memref<96xi32, #tpu.memory_space<vmem>>
      %dma_wait3A_242 = arith.constant 0 : i32
      %dma_wait3A_243 = arith.constant 0 : i32
      %dma_wait3A_244 = tpu.memref_slice %arg3[%dma_wait3A_242, %dma_wait3A_243] : memref<1000000x64xf32, #tpu.memory_space<hbm>> -> memref<1000000x64xf32, #tpu.memory_space<hbm>>
      %dma_wait3A_245 = tpu.memref_slice %arg8[%dma_wait3A_234] : memref<4x!tpu.dma_semaphore, #tpu.memory_space<semaphore_mem>> -> memref<1x!tpu.dma_semaphore, #tpu.memory_space<semaphore_mem>>
      %dma_wait3A_246 = tpu.memref_squeeze %dma_wait3A_245 : memref<1x!tpu.dma_semaphore, #tpu.memory_space<semaphore_mem>> -> memref<!tpu.dma_semaphore, #tpu.memory_space<semaphore_mem>>
      tpu.wait_indirect_dma semaphore(%dma_wait3A_246 : memref<!tpu.dma_semaphore, #tpu.memory_space<semaphore_mem>>) src(%dma_wait3A_244 : memref<1000000x64xf32, #tpu.memory_space<hbm>>) dst(%dma_wait3A_238 : memref<96x64xf32, #tpu.memory_space<vmem>>)
      %ge3A = arith.constant 4 : i32
      %ge3A_247 = arith.cmpi sge, %add3A_218, %ge3A : i32
      %convert_element_type3A = arith.extui %ge3A_247 : i1 to i32
      %cond3A = arith.constant 0 : i32
      %cond3A_248 = arith.cmpi ne, %convert_element_type3A, %cond3A : i32
      scf.if %cond3A_248 {
        %add3A_489 = arith.addi %mul3A_2, %add3A_218 : i32
        %sub3A = arith.constant 4 : i32
        %sub3A_490 = arith.subi %add3A_489, %sub3A : i32
        %dma_wait3A_491 = arith.constant 0 : i32
        %dma_wait3A_492 = arith.constant 0 : i32
        %dma_wait3A_493 = arith.constant 0 : i32
        %dma_wait3A_494 = arith.constant 0 : i32
        %dma_wait3A_495 = tpu.memref_slice %arg7[%dma_wait3A_491, %dma_wait3A_493, %dma_wait3A_494] : memref<4x200x64xf32, #tpu.memory_space<vmem>> -> memref<1x200x64xf32, #tpu.memory_space<vmem>>
        %dma_wait3A_496 = tpu.memref_squeeze %dma_wait3A_495 : memref<1x200x64xf32, #tpu.memory_space<vmem>> -> memref<200x64xf32, #tpu.memory_space<vmem>>
        %dma_wait3A_497 = arith.constant 0 : i32
        %dma_wait3A_498 = arith.constant 0 : i32
        %dma_wait3A_499 = tpu.memref_slice %arg4[%sub3A_490, %dma_wait3A_497, %dma_wait3A_498] : memref<4096x200x64xf32, #tpu.memory_space<hbm>> -> memref<1x200x64xf32, #tpu.memory_space<hbm>>
        %dma_wait3A_500 = tpu.memref_squeeze %dma_wait3A_499 : memref<1x200x64xf32, #tpu.memory_space<hbm>> -> memref<200x64xf32, #tpu.memory_space<hbm>>
        %dma_wait3A_501 = tpu.memref_slice %arg9[%dma_wait3A_492] : memref<4x!tpu.dma_semaphore, #tpu.memory_space<semaphore_mem>> -> memref<1x!tpu.dma_semaphore, #tpu.memory_space<semaphore_mem>>
        %dma_wait3A_502 = tpu.memref_squeeze %dma_wait3A_501 : memref<1x!tpu.dma_semaphore, #tpu.memory_space<semaphore_mem>> -> memref<!tpu.dma_semaphore, #tpu.memory_space<semaphore_mem>>
        %dma_wait3A_503 = arith.constant 0 : i32
        %dma_wait3A_504 = arith.constant 0 : i32
        %dma_wait3A_505 = tpu.memref_slice %arg4[%sub3A_490, %dma_wait3A_503, %dma_wait3A_504] : memref<4096x200x64xf32, #tpu.memory_space<hbm>> -> memref<1x200x64xf32, #tpu.memory_space<hbm>>
        %dma_wait3A_506 = tpu.memref_squeeze %dma_wait3A_505 : memref<1x200x64xf32, #tpu.memory_space<hbm>> -> memref<200x64xf32, #tpu.memory_space<hbm>>
        %dma_wait3A_507 = arith.constant 0 : i32
        %dma_wait3A_508 = arith.constant 0 : i32
        %dma_wait3A_509 = tpu.memref_slice %arg7[%dma_wait3A_491, %dma_wait3A_507, %dma_wait3A_508] : memref<4x200x64xf32, #tpu.memory_space<vmem>> -> memref<1x200x64xf32, #tpu.memory_space<vmem>>
        %dma_wait3A_510 = tpu.memref_squeeze %dma_wait3A_509 : memref<1x200x64xf32, #tpu.memory_space<vmem>> -> memref<200x64xf32, #tpu.memory_space<vmem>>
        tpu.wait_dma2 semaphore(%dma_wait3A_502 : memref<!tpu.dma_semaphore, #tpu.memory_space<semaphore_mem>>) src(%dma_wait3A_510 : memref<200x64xf32, #tpu.memory_space<vmem>>) dst(%dma_wait3A_506 : memref<200x64xf32, #tpu.memory_space<hbm>>)
      } else {
      }
      %scan3A_249 = arith.constant 0 : i32
      %scan3A_250 = arith.constant 0 : i32
      %scan3A_251 = arith.constant 50 : i32
      %scan3A_252 = arith.addi %scan3A_250, %scan3A_251 : i32
      %scan3A_253 = arith.constant 1 : i32
      scf.for %scan3A_489 = %scan3A_250 to %scan3A_252 step %scan3A_253  : i32 {
        %mul3A_490 = arith.constant 4 : i32
        %mul3A_491 = arith.muli %scan3A_489, %mul3A_490 : i32
        %add3A_492 = arith.constant 0 : i32
        %add3A_493 = arith.addi %mul3A_491, %add3A_492 : i32
        %get3A = arith.constant 0 : i32
        %get3A_494 = arith.index_cast %get3A : i32 to index
        %get3A_495 = arith.index_cast %add3A_493 : i32 to index
        %get3A_496 = arith.constant 0 : index
        %get3A_497 = tpu.vector_load %arg6[%get3A_494, %get3A_495, %get3A_496] {strides = array<i32>} : memref<4x200x64xf32, #tpu.memory_space<vmem>>, vector<1x1x16xf32>,
        %get3A_498 = vector.shape_cast %get3A_497 : vector<1x1x16xf32> to vector<16xf32>
        %mul3A_499 = arith.constant 8.000000e+00 : f32
        %mul3A_500 = vector.broadcast %mul3A_499 : f32 to vector<16xf32>
        %mul3A_501 = arith.mulf %get3A_498, %mul3A_500 : vector<16xf32>
        %add3A_502 = arith.constant 0 : i32
        %add3A_503 = arith.addi %mul3A_491, %add3A_502 : i32
        %swap3A = arith.constant 0 : i32
        %swap3A_504 = arith.index_cast %swap3A : i32 to index
        %swap3A_505 = arith.index_cast %add3A_503 : i32 to index
        %swap3A_506 = arith.constant 0 : index
        %swap3A_507 = tpu.vector_load %arg7[%swap3A_504, %swap3A_505, %swap3A_506] {strides = array<i32>} : memref<4x200x64xf32, #tpu.memory_space<vmem>>, vector<1x1x16xf32>,
        %swap3A_508 = vector.shape_cast %swap3A_507 : vector<1x1x16xf32> to vector<16xf32>
        %swap3A_509 = vector.shape_cast %mul3A_501 : vector<16xf32> to vector<1x1x16xf32>
        tpu.vector_store %arg7[%swap3A_504, %swap3A_505, %swap3A_506], %swap3A_509 {strides = array<i32>} : memref<4x200x64xf32, #tpu.memory_space<vmem>>, vector<1x1x16xf32>,
        %add3A_510 = arith.constant 0 : i32
        %add3A_511 = arith.addi %mul3A_491, %add3A_510 : i32
        %get3A_512 = arith.constant 0 : i32
        %get3A_513 = arith.index_cast %get3A_512 : i32 to index
        %get3A_514 = arith.index_cast %add3A_511 : i32 to index
        %get3A_515 = arith.constant 16 : index
        %get3A_516 = tpu.vector_load %arg6[%get3A_513, %get3A_514, %get3A_515] {strides = array<i32>} : memref<4x200x64xf32, #tpu.memory_space<vmem>>, vector<1x1x16xf32>,
        %get3A_517 = vector.shape_cast %get3A_516 : vector<1x1x16xf32> to vector<16xf32>
        %mul3A_518 = arith.constant 8.000000e+00 : f32
        %mul3A_519 = vector.broadcast %mul3A_518 : f32 to vector<16xf32>
        %mul3A_520 = arith.mulf %get3A_517, %mul3A_519 : vector<16xf32>
        %add3A_521 = arith.constant 0 : i32
        %add3A_522 = arith.addi %mul3A_491, %add3A_521 : i32
        %swap3A_523 = arith.constant 0 : i32
        %swap3A_524 = arith.index_cast %swap3A_523 : i32 to index
        %swap3A_525 = arith.index_cast %add3A_522 : i32 to index
        %swap3A_526 = arith.constant 16 : index
        %swap3A_527 = tpu.vector_load %arg7[%swap3A_524, %swap3A_525, %swap3A_526] {strides = array<i32>} : memref<4x200x64xf32, #tpu.memory_space<vmem>>, vector<1x1x16xf32>,
        %swap3A_528 = vector.shape_cast %swap3A_527 : vector<1x1x16xf32> to vector<16xf32>
        %swap3A_529 = vector.shape_cast %mul3A_520 : vector<16xf32> to vector<1x1x16xf32>
        tpu.vector_store %arg7[%swap3A_524, %swap3A_525, %swap3A_526], %swap3A_529 {strides = array<i32>} : memref<4x200x64xf32, #tpu.memory_space<vmem>>, vector<1x1x16xf32>,
        %add3A_530 = arith.constant 0 : i32
        %add3A_531 = arith.addi %mul3A_491, %add3A_530 : i32
        %get3A_532 = arith.constant 0 : i32
        %get3A_533 = arith.index_cast %get3A_532 : i32 to index
        %get3A_534 = arith.index_cast %add3A_531 : i32 to index
        %get3A_535 = arith.constant 32 : index
        %get3A_536 = tpu.vector_load %arg6[%get3A_533, %get3A_534, %get3A_535] {strides = array<i32>} : memref<4x200x64xf32, #tpu.memory_space<vmem>>, vector<1x1x16xf32>,
        %get3A_537 = vector.shape_cast %get3A_536 : vector<1x1x16xf32> to vector<16xf32>
        %mul3A_538 = arith.constant 8.000000e+00 : f32
        %mul3A_539 = vector.broadcast %mul3A_538 : f32 to vector<16xf32>
        %mul3A_540 = arith.mulf %get3A_537, %mul3A_539 : vector<16xf32>
        %add3A_541 = arith.constant 0 : i32
        %add3A_542 = arith.addi %mul3A_491, %add3A_541 : i32
        %swap3A_543 = arith.constant 0 : i32
        %swap3A_544 = arith.index_cast %swap3A_543 : i32 to index
        %swap3A_545 = arith.index_cast %add3A_542 : i32 to index
        %swap3A_546 = arith.constant 32 : index
        %swap3A_547 = tpu.vector_load %arg7[%swap3A_544, %swap3A_545, %swap3A_546] {strides = array<i32>} : memref<4x200x64xf32, #tpu.memory_space<vmem>>, vector<1x1x16xf32>,
        %swap3A_548 = vector.shape_cast %swap3A_547 : vector<1x1x16xf32> to vector<16xf32>
        %swap3A_549 = vector.shape_cast %mul3A_540 : vector<16xf32> to vector<1x1x16xf32>
        tpu.vector_store %arg7[%swap3A_544, %swap3A_545, %swap3A_546], %swap3A_549 {strides = array<i32>} : memref<4x200x64xf32, #tpu.memory_space<vmem>>, vector<1x1x16xf32>,
        %add3A_550 = arith.constant 0 : i32
        %add3A_551 = arith.addi %mul3A_491, %add3A_550 : i32
        %get3A_552 = arith.constant 0 : i32
        %get3A_553 = arith.index_cast %get3A_552 : i32 to index
        %get3A_554 = arith.index_cast %add3A_551 : i32 to index
        %get3A_555 = arith.constant 48 : index
        %get3A_556 = tpu.vector_load %arg6[%get3A_553, %get3A_554, %get3A_555] {strides = array<i32>} : memref<4x200x64xf32, #tpu.memory_space<vmem>>, vector<1x1x16xf32>,
        %get3A_557 = vector.shape_cast %get3A_556 : vector<1x1x16xf32> to vector<16xf32>
        %mul3A_558 = arith.constant 8.000000e+00 : f32
        %mul3A_559 = vector.broadcast %mul3A_558 : f32 to vector<16xf32>
        %mul3A_560 = arith.mulf %get3A_557, %mul3A_559 : vector<16xf32>
        %add3A_561 = arith.constant 0 : i32
        %add3A_562 = arith.addi %mul3A_491, %add3A_561 : i32
        %swap3A_563 = arith.constant 0 : i32
        %swap3A_564 = arith.index_cast %swap3A_563 : i32 to index
        %swap3A_565 = arith.index_cast %add3A_562 : i32 to index
        %swap3A_566 = arith.constant 48 : index
        %swap3A_567 = tpu.vector_load %arg7[%swap3A_564, %swap3A_565, %swap3A_566] {strides = array<i32>} : memref<4x200x64xf32, #tpu.memory_space<vmem>>, vector<1x1x16xf32>,
        %swap3A_568 = vector.shape_cast %swap3A_567 : vector<1x1x16xf32> to vector<16xf32>
        %swap3A_569 = vector.shape_cast %mul3A_560 : vector<16xf32> to vector<1x1x16xf32>
        tpu.vector_store %arg7[%swap3A_564, %swap3A_565, %swap3A_566], %swap3A_569 {strides = array<i32>} : memref<4x200x64xf32, #tpu.memory_space<vmem>>, vector<1x1x16xf32>,
        %add3A_570 = arith.constant 1 : i32
        %add3A_571 = arith.addi %mul3A_491, %add3A_570 : i32
        %get3A_572 = arith.constant 0 : i32
        %get3A_573 = arith.index_cast %get3A_572 : i32 to index
        %get3A_574 = arith.index_cast %add3A_571 : i32 to index
        %get3A_575 = arith.constant 0 : index
        %get3A_576 = tpu.vector_load %arg6[%get3A_573, %get3A_574, %get3A_575] {strides = array<i32>} : memref<4x200x64xf32, #tpu.memory_space<vmem>>, vector<1x1x16xf32>,
        %get3A_577 = vector.shape_cast %get3A_576 : vector<1x1x16xf32> to vector<16xf32>
        %mul3A_578 = arith.constant 8.000000e+00 : f32
        %mul3A_579 = vector.broadcast %mul3A_578 : f32 to vector<16xf32>
        %mul3A_580 = arith.mulf %get3A_577, %mul3A_579 : vector<16xf32>
        %add3A_581 = arith.constant 1 : i32
        %add3A_582 = arith.addi %mul3A_491, %add3A_581 : i32
        %swap3A_583 = arith.constant 0 : i32
        %swap3A_584 = arith.index_cast %swap3A_583 : i32 to index
        %swap3A_585 = arith.index_cast %add3A_582 : i32 to index
        %swap3A_586 = arith.constant 0 : index
        %swap3A_587 = tpu.vector_load %arg7[%swap3A_584, %swap3A_585, %swap3A_586] {strides = array<i32>} : memref<4x200x64xf32, #tpu.memory_space<vmem>>, vector<1x1x16xf32>,
        %swap3A_588 = vector.shape_cast %swap3A_587 : vector<1x1x16xf32> to vector<16xf32>
        %swap3A_589 = vector.shape_cast %mul3A_580 : vector<16xf32> to vector<1x1x16xf32>
        tpu.vector_store %arg7[%swap3A_584, %swap3A_585, %swap3A_586], %swap3A_589 {strides = array<i32>} : memref<4x200x64xf32, #tpu.memory_space<vmem>>, vector<1x1x16xf32>,
        %add3A_590 = arith.constant 1 : i32
        %add3A_591 = arith.addi %mul3A_491, %add3A_590 : i32
        %get3A_592 = arith.constant 0 : i32
        %get3A_593 = arith.index_cast %get3A_592 : i32 to index
        %get3A_594 = arith.index_cast %add3A_591 : i32 to index
        %get3A_595 = arith.constant 16 : index
        %get3A_596 = tpu.vector_load %arg6[%get3A_593, %get3A_594, %get3A_595] {strides = array<i32>} : memref<4x200x64xf32, #tpu.memory_space<vmem>>, vector<1x1x16xf32>,
        %get3A_597 = vector.shape_cast %get3A_596 : vector<1x1x16xf32> to vector<16xf32>
        %mul3A_598 = arith.constant 8.000000e+00 : f32
        %mul3A_599 = vector.broadcast %mul3A_598 : f32 to vector<16xf32>
        %mul3A_600 = arith.mulf %get3A_597, %mul3A_599 : vector<16xf32>
        %add3A_601 = arith.constant 1 : i32
        %add3A_602 = arith.addi %mul3A_491, %add3A_601 : i32
        %swap3A_603 = arith.constant 0 : i32
        %swap3A_604 = arith.index_cast %swap3A_603 : i32 to index
        %swap3A_605 = arith.index_cast %add3A_602 : i32 to index
        %swap3A_606 = arith.constant 16 : index
        %swap3A_607 = tpu.vector_load %arg7[%swap3A_604, %swap3A_605, %swap3A_606] {strides = array<i32>} : memref<4x200x64xf32, #tpu.memory_space<vmem>>, vector<1x1x16xf32>,
        %swap3A_608 = vector.shape_cast %swap3A_607 : vector<1x1x16xf32> to vector<16xf32>
        %swap3A_609 = vector.shape_cast %mul3A_600 : vector<16xf32> to vector<1x1x16xf32>
        tpu.vector_store %arg7[%swap3A_604, %swap3A_605, %swap3A_606], %swap3A_609 {strides = array<i32>} : memref<4x200x64xf32, #tpu.memory_space<vmem>>, vector<1x1x16xf32>,
        %add3A_610 = arith.constant 1 : i32
        %add3A_611 = arith.addi %mul3A_491, %add3A_610 : i32
        %get3A_612 = arith.constant 0 : i32
        %get3A_613 = arith.index_cast %get3A_612 : i32 to index
        %get3A_614 = arith.index_cast %add3A_611 : i32 to index
        %get3A_615 = arith.constant 32 : index
        %get3A_616 = tpu.vector_load %arg6[%get3A_613, %get3A_614, %get3A_615] {strides = array<i32>} : memref<4x200x64xf32, #tpu.memory_space<vmem>>, vector<1x1x16xf32>,
        %get3A_617 = vector.shape_cast %get3A_616 : vector<1x1x16xf32> to vector<16xf32>
        %mul3A_618 = arith.constant 8.000000e+00 : f32
        %mul3A_619 = vector.broadcast %mul3A_618 : f32 to vector<16xf32>
        %mul3A_620 = arith.mulf %get3A_617, %mul3A_619 : vector<16xf32>
        %add3A_621 = arith.constant 1 : i32
        %add3A_622 = arith.addi %mul3A_491, %add3A_621 : i32
        %swap3A_623 = arith.constant 0 : i32
        %swap3A_624 = arith.index_cast %swap3A_623 : i32 to index
        %swap3A_625 = arith.index_cast %add3A_622 : i32 to index
        %swap3A_626 = arith.constant 32 : index
        %swap3A_627 = tpu.vector_load %arg7[%swap3A_624, %swap3A_625, %swap3A_626] {strides = array<i32>} : memref<4x200x64xf32, #tpu.memory_space<vmem>>, vector<1x1x16xf32>,
        %swap3A_628 = vector.shape_cast %swap3A_627 : vector<1x1x16xf32> to vector<16xf32>
        %swap3A_629 = vector.shape_cast %mul3A_620 : vector<16xf32> to vector<1x1x16xf32>
        tpu.vector_store %arg7[%swap3A_624, %swap3A_625, %swap3A_626], %swap3A_629 {strides = array<i32>} : memref<4x200x64xf32, #tpu.memory_space<vmem>>, vector<1x1x16xf32>,
        %add3A_630 = arith.constant 1 : i32
        %add3A_631 = arith.addi %mul3A_491, %add3A_630 : i32
        %get3A_632 = arith.constant 0 : i32
        %get3A_633 = arith.index_cast %get3A_632 : i32 to index
        %get3A_634 = arith.index_cast %add3A_631 : i32 to index
        %get3A_635 = arith.constant 48 : index
        %get3A_636 = tpu.vector_load %arg6[%get3A_633, %get3A_634, %get3A_635] {strides = array<i32>} : memref<4x200x64xf32, #tpu.memory_space<vmem>>, vector<1x1x16xf32>,
        %get3A_637 = vector.shape_cast %get3A_636 : vector<1x1x16xf32> to vector<16xf32>
        %mul3A_638 = arith.constant 8.000000e+00 : f32
        %mul3A_639 = vector.broadcast %mul3A_638 : f32 to vector<16xf32>
        %mul3A_640 = arith.mulf %get3A_637, %mul3A_639 : vector<16xf32>
        %add3A_641 = arith.constant 1 : i32
        %add3A_642 = arith.addi %mul3A_491, %add3A_641 : i32
        %swap3A_643 = arith.constant 0 : i32
        %swap3A_644 = arith.index_cast %swap3A_643 : i32 to index
        %swap3A_645 = arith.index_cast %add3A_642 : i32 to index
        %swap3A_646 = arith.constant 48 : index
        %swap3A_647 = tpu.vector_load %arg7[%swap3A_644, %swap3A_645, %swap3A_646] {strides = array<i32>} : memref<4x200x64xf32, #tpu.memory_space<vmem>>, vector<1x1x16xf32>,
        %swap3A_648 = vector.shape_cast %swap3A_647 : vector<1x1x16xf32> to vector<16xf32>
        %swap3A_649 = vector.shape_cast %mul3A_640 : vector<16xf32> to vector<1x1x16xf32>
        tpu.vector_store %arg7[%swap3A_644, %swap3A_645, %swap3A_646], %swap3A_649 {strides = array<i32>} : memref<4x200x64xf32, #tpu.memory_space<vmem>>, vector<1x1x16xf32>,
        %add3A_650 = arith.constant 2 : i32
        %add3A_651 = arith.addi %mul3A_491, %add3A_650 : i32
        %get3A_652 = arith.constant 0 : i32
        %get3A_653 = arith.index_cast %get3A_652 : i32 to index
        %get3A_654 = arith.index_cast %add3A_651 : i32 to index
        %get3A_655 = arith.constant 0 : index
        %get3A_656 = tpu.vector_load %arg6[%get3A_653, %get3A_654, %get3A_655] {strides = array<i32>} : memref<4x200x64xf32, #tpu.memory_space<vmem>>, vector<1x1x16xf32>,
        %get3A_657 = vector.shape_cast %get3A_656 : vector<1x1x16xf32> to vector<16xf32>
        %mul3A_658 = arith.constant 8.000000e+00 : f32
        %mul3A_659 = vector.broadcast %mul3A_658 : f32 to vector<16xf32>
        %mul3A_660 = arith.mulf %get3A_657, %mul3A_659 : vector<16xf32>
        %add3A_661 = arith.constant 2 : i32
        %add3A_662 = arith.addi %mul3A_491, %add3A_661 : i32
        %swap3A_663 = arith.constant 0 : i32
        %swap3A_664 = arith.index_cast %swap3A_663 : i32 to index
        %swap3A_665 = arith.index_cast %add3A_662 : i32 to index
        %swap3A_666 = arith.constant 0 : index
        %swap3A_667 = tpu.vector_load %arg7[%swap3A_664, %swap3A_665, %swap3A_666] {strides = array<i32>} : memref<4x200x64xf32, #tpu.memory_space<vmem>>, vector<1x1x16xf32>,
        %swap3A_668 = vector.shape_cast %swap3A_667 : vector<1x1x16xf32> to vector<16xf32>
        %swap3A_669 = vector.shape_cast %mul3A_660 : vector<16xf32> to vector<1x1x16xf32>
        tpu.vector_store %arg7[%swap3A_664, %swap3A_665, %swap3A_666], %swap3A_669 {strides = array<i32>} : memref<4x200x64xf32, #tpu.memory_space<vmem>>, vector<1x1x16xf32>,
        %add3A_670 = arith.constant 2 : i32
        %add3A_671 = arith.addi %mul3A_491, %add3A_670 : i32
        %get3A_672 = arith.constant 0 : i32
        %get3A_673 = arith.index_cast %get3A_672 : i32 to index
        %get3A_674 = arith.index_cast %add3A_671 : i32 to index
        %get3A_675 = arith.constant 16 : index
        %get3A_676 = tpu.vector_load %arg6[%get3A_673, %get3A_674, %get3A_675] {strides = array<i32>} : memref<4x200x64xf32, #tpu.memory_space<vmem>>, vector<1x1x16xf32>,
        %get3A_677 = vector.shape_cast %get3A_676 : vector<1x1x16xf32> to vector<16xf32>
        %mul3A_678 = arith.constant 8.000000e+00 : f32
        %mul3A_679 = vector.broadcast %mul3A_678 : f32 to vector<16xf32>
        %mul3A_680 = arith.mulf %get3A_677, %mul3A_679 : vector<16xf32>
        %add3A_681 = arith.constant 2 : i32
        %add3A_682 = arith.addi %mul3A_491, %add3A_681 : i32
        %swap3A_683 = arith.constant 0 : i32
        %swap3A_684 = arith.index_cast %swap3A_683 : i32 to index
        %swap3A_685 = arith.index_cast %add3A_682 : i32 to index
        %swap3A_686 = arith.constant 16 : index
        %swap3A_687 = tpu.vector_load %arg7[%swap3A_684, %swap3A_685, %swap3A_686] {strides = array<i32>} : memref<4x200x64xf32, #tpu.memory_space<vmem>>, vector<1x1x16xf32>,
        %swap3A_688 = vector.shape_cast %swap3A_687 : vector<1x1x16xf32> to vector<16xf32>
        %swap3A_689 = vector.shape_cast %mul3A_680 : vector<16xf32> to vector<1x1x16xf32>
        tpu.vector_store %arg7[%swap3A_684, %swap3A_685, %swap3A_686], %swap3A_689 {strides = array<i32>} : memref<4x200x64xf32, #tpu.memory_space<vmem>>, vector<1x1x16xf32>,
        %add3A_690 = arith.constant 2 : i32
        %add3A_691 = arith.addi %mul3A_491, %add3A_690 : i32
        %get3A_692 = arith.constant 0 : i32
        %get3A_693 = arith.index_cast %get3A_692 : i32 to index
        %get3A_694 = arith.index_cast %add3A_691 : i32 to index
        %get3A_695 = arith.constant 32 : index
        %get3A_696 = tpu.vector_load %arg6[%get3A_693, %get3A_694, %get3A_695] {strides = array<i32>} : memref<4x200x64xf32, #tpu.memory_space<vmem>>, vector<1x1x16xf32>,
        %get3A_697 = vector.shape_cast %get3A_696 : vector<1x1x16xf32> to vector<16xf32>
        %mul3A_698 = arith.constant 8.000000e+00 : f32
        %mul3A_699 = vector.broadcast %mul3A_698 : f32 to vector<16xf32>
        %mul3A_700 = arith.mulf %get3A_697, %mul3A_699 : vector<16xf32>
        %add3A_701 = arith.constant 2 : i32
        %add3A_702 = arith.addi %mul3A_491, %add3A_701 : i32
        %swap3A_703 = arith.constant 0 : i32
        %swap3A_704 = arith.index_cast %swap3A_703 : i32 to index
        %swap3A_705 = arith.index_cast %add3A_702 : i32 to index
        %swap3A_706 = arith.constant 32 : index
        %swap3A_707 = tpu.vector_load %arg7[%swap3A_704, %swap3A_705, %swap3A_706] {strides = array<i32>} : memref<4x200x64xf32, #tpu.memory_space<vmem>>, vector<1x1x16xf32>,
        %swap3A_708 = vector.shape_cast %swap3A_707 : vector<1x1x16xf32> to vector<16xf32>
        %swap3A_709 = vector.shape_cast %mul3A_700 : vector<16xf32> to vector<1x1x16xf32>
        tpu.vector_store %arg7[%swap3A_704, %swap3A_705, %swap3A_706], %swap3A_709 {strides = array<i32>} : memref<4x200x64xf32, #tpu.memory_space<vmem>>, vector<1x1x16xf32>,
        %add3A_710 = arith.constant 2 : i32
        %add3A_711 = arith.addi %mul3A_491, %add3A_710 : i32
        %get3A_712 = arith.constant 0 : i32
        %get3A_713 = arith.index_cast %get3A_712 : i32 to index
        %get3A_714 = arith.index_cast %add3A_711 : i32 to index
        %get3A_715 = arith.constant 48 : index
        %get3A_716 = tpu.vector_load %arg6[%get3A_713, %get3A_714, %get3A_715] {strides = array<i32>} : memref<4x200x64xf32, #tpu.memory_space<vmem>>, vector<1x1x16xf32>,
        %get3A_717 = vector.shape_cast %get3A_716 : vector<1x1x16xf32> to vector<16xf32>
        %mul3A_718 = arith.constant 8.000000e+00 : f32
        %mul3A_719 = vector.broadcast %mul3A_718 : f32 to vector<16xf32>
        %mul3A_720 = arith.mulf %get3A_717, %mul3A_719 : vector<16xf32>
        %add3A_721 = arith.constant 2 : i32
        %add3A_722 = arith.addi %mul3A_491, %add3A_721 : i32
        %swap3A_723 = arith.constant 0 : i32
        %swap3A_724 = arith.index_cast %swap3A_723 : i32 to index
        %swap3A_725 = arith.index_cast %add3A_722 : i32 to index
        %swap3A_726 = arith.constant 48 : index
        %swap3A_727 = tpu.vector_load %arg7[%swap3A_724, %swap3A_725, %swap3A_726] {strides = array<i32>} : memref<4x200x64xf32, #tpu.memory_space<vmem>>, vector<1x1x16xf32>,
        %swap3A_728 = vector.shape_cast %swap3A_727 : vector<1x1x16xf32> to vector<16xf32>
        %swap3A_729 = vector.shape_cast %mul3A_720 : vector<16xf32> to vector<1x1x16xf32>
        tpu.vector_store %arg7[%swap3A_724, %swap3A_725, %swap3A_726], %swap3A_729 {strides = array<i32>} : memref<4x200x64xf32, #tpu.memory_space<vmem>>, vector<1x1x16xf32>,
        %add3A_730 = arith.constant 3 : i32
        %add3A_731 = arith.addi %mul3A_491, %add3A_730 : i32
        %get3A_732 = arith.constant 0 : i32
        %get3A_733 = arith.index_cast %get3A_732 : i32 to index
        %get3A_734 = arith.index_cast %add3A_731 : i32 to index
        %get3A_735 = arith.constant 0 : index
        %get3A_736 = tpu.vector_load %arg6[%get3A_733, %get3A_734, %get3A_735] {strides = array<i32>} : memref<4x200x64xf32, #tpu.memory_space<vmem>>, vector<1x1x16xf32>,
        %get3A_737 = vector.shape_cast %get3A_736 : vector<1x1x16xf32> to vector<16xf32>
        %mul3A_738 = arith.constant 8.000000e+00 : f32
        %mul3A_739 = vector.broadcast %mul3A_738 : f32 to vector<16xf32>
        %mul3A_740 = arith.mulf %get3A_737, %mul3A_739 : vector<16xf32>
        %add3A_741 = arith.constant 3 : i32
        %add3A_742 = arith.addi %mul3A_491, %add3A_741 : i32
        %swap3A_743 = arith.constant 0 : i32
        %swap3A_744 = arith.index_cast %swap3A_743 : i32 to index
        %swap3A_745 = arith.index_cast %add3A_742 : i32 to index
        %swap3A_746 = arith.constant 0 : index
        %swap3A_747 = tpu.vector_load %arg7[%swap3A_744, %swap3A_745, %swap3A_746] {strides = array<i32>} : memref<4x200x64xf32, #tpu.memory_space<vmem>>, vector<1x1x16xf32>,
        %swap3A_748 = vector.shape_cast %swap3A_747 : vector<1x1x16xf32> to vector<16xf32>
        %swap3A_749 = vector.shape_cast %mul3A_740 : vector<16xf32> to vector<1x1x16xf32>
        tpu.vector_store %arg7[%swap3A_744, %swap3A_745, %swap3A_746], %swap3A_749 {strides = array<i32>} : memref<4x200x64xf32, #tpu.memory_space<vmem>>, vector<1x1x16xf32>,
        %add3A_750 = arith.constant 3 : i32
        %add3A_751 = arith.addi %mul3A_491, %add3A_750 : i32
        %get3A_752 = arith.constant 0 : i32
        %get3A_753 = arith.index_cast %get3A_752 : i32 to index
        %get3A_754 = arith.index_cast %add3A_751 : i32 to index
        %get3A_755 = arith.constant 16 : index
        %get3A_756 = tpu.vector_load %arg6[%get3A_753, %get3A_754, %get3A_755] {strides = array<i32>} : memref<4x200x64xf32, #tpu.memory_space<vmem>>, vector<1x1x16xf32>,
        %get3A_757 = vector.shape_cast %get3A_756 : vector<1x1x16xf32> to vector<16xf32>
        %mul3A_758 = arith.constant 8.000000e+00 : f32
        %mul3A_759 = vector.broadcast %mul3A_758 : f32 to vector<16xf32>
        %mul3A_760 = arith.mulf %get3A_757, %mul3A_759 : vector<16xf32>
        %add3A_761 = arith.constant 3 : i32
        %add3A_762 = arith.addi %mul3A_491, %add3A_761 : i32
        %swap3A_763 = arith.constant 0 : i32
        %swap3A_764 = arith.index_cast %swap3A_763 : i32 to index
        %swap3A_765 = arith.index_cast %add3A_762 : i32 to index
        %swap3A_766 = arith.constant 16 : index
        %swap3A_767 = tpu.vector_load %arg7[%swap3A_764, %swap3A_765, %swap3A_766] {strides = array<i32>} : memref<4x200x64xf32, #tpu.memory_space<vmem>>, vector<1x1x16xf32>,
        %swap3A_768 = vector.shape_cast %swap3A_767 : vector<1x1x16xf32> to vector<16xf32>
        %swap3A_769 = vector.shape_cast %mul3A_760 : vector<16xf32> to vector<1x1x16xf32>
        tpu.vector_store %arg7[%swap3A_764, %swap3A_765, %swap3A_766], %swap3A_769 {strides = array<i32>} : memref<4x200x64xf32, #tpu.memory_space<vmem>>, vector<1x1x16xf32>,
        %add3A_770 = arith.constant 3 : i32
        %add3A_771 = arith.addi %mul3A_491, %add3A_770 : i32
        %get3A_772 = arith.constant 0 : i32
        %get3A_773 = arith.index_cast %get3A_772 : i32 to index
        %get3A_774 = arith.index_cast %add3A_771 : i32 to index
        %get3A_775 = arith.constant 32 : index
        %get3A_776 = tpu.vector_load %arg6[%get3A_773, %get3A_774, %get3A_775] {strides = array<i32>} : memref<4x200x64xf32, #tpu.memory_space<vmem>>, vector<1x1x16xf32>,
        %get3A_777 = vector.shape_cast %get3A_776 : vector<1x1x16xf32> to vector<16xf32>
        %mul3A_778 = arith.constant 8.000000e+00 : f32
        %mul3A_779 = vector.broadcast %mul3A_778 : f32 to vector<16xf32>
        %mul3A_780 = arith.mulf %get3A_777, %mul3A_779 : vector<16xf32>
        %add3A_781 = arith.constant 3 : i32
        %add3A_782 = arith.addi %mul3A_491, %add3A_781 : i32
        %swap3A_783 = arith.constant 0 : i32
        %swap3A_784 = arith.index_cast %swap3A_783 : i32 to index
        %swap3A_785 = arith.index_cast %add3A_782 : i32 to index
        %swap3A_786 = arith.constant 32 : index
        %swap3A_787 = tpu.vector_load %arg7[%swap3A_784, %swap3A_785, %swap3A_786] {strides = array<i32>} : memref<4x200x64xf32, #tpu.memory_space<vmem>>, vector<1x1x16xf32>,
        %swap3A_788 = vector.shape_cast %swap3A_787 : vector<1x1x16xf32> to vector<16xf32>
        %swap3A_789 = vector.shape_cast %mul3A_780 : vector<16xf32> to vector<1x1x16xf32>
        tpu.vector_store %arg7[%swap3A_784, %swap3A_785, %swap3A_786], %swap3A_789 {strides = array<i32>} : memref<4x200x64xf32, #tpu.memory_space<vmem>>, vector<1x1x16xf32>,
        %add3A_790 = arith.constant 3 : i32
        %add3A_791 = arith.addi %mul3A_491, %add3A_790 : i32
        %get3A_792 = arith.constant 0 : i32
        %get3A_793 = arith.index_cast %get3A_792 : i32 to index
        %get3A_794 = arith.index_cast %add3A_791 : i32 to index
        %get3A_795 = arith.constant 48 : index
        %get3A_796 = tpu.vector_load %arg6[%get3A_793, %get3A_794, %get3A_795] {strides = array<i32>} : memref<4x200x64xf32, #tpu.memory_space<vmem>>, vector<1x1x16xf32>,
        %get3A_797 = vector.shape_cast %get3A_796 : vector<1x1x16xf32> to vector<16xf32>
        %mul3A_798 = arith.constant 8.000000e+00 : f32
        %mul3A_799 = vector.broadcast %mul3A_798 : f32 to vector<16xf32>
        %mul3A_800 = arith.mulf %get3A_797, %mul3A_799 : vector<16xf32>
        %add3A_801 = arith.constant 3 : i32
        %add3A_802 = arith.addi %mul3A_491, %add3A_801 : i32
        %swap3A_803 = arith.constant 0 : i32
        %swap3A_804 = arith.index_cast %swap3A_803 : i32 to index
        %swap3A_805 = arith.index_cast %add3A_802 : i32 to index
        %swap3A_806 = arith.constant 48 : index
        %swap3A_807 = tpu.vector_load %arg7[%swap3A_804, %swap3A_805, %swap3A_806] {strides = array<i32>} : memref<4x200x64xf32, #tpu.memory_space<vmem>>, vector<1x1x16xf32>,
        %swap3A_808 = vector.shape_cast %swap3A_807 : vector<1x1x16xf32> to vector<16xf32>
        %swap3A_809 = vector.shape_cast %mul3A_800 : vector<16xf32> to vector<1x1x16xf32>
        tpu.vector_store %arg7[%swap3A_804, %swap3A_805, %swap3A_806], %swap3A_809 {strides = array<i32>} : memref<4x200x64xf32, #tpu.memory_space<vmem>>, vector<1x1x16xf32>,
      }
      %scan3A_254 = arith.constant 50 : i32
      %add3A_255 = arith.constant 4 : i32
      %add3A_256 = arith.addi %add3A_218, %add3A_255 : i32
      %lt3A = arith.constant 128 : i32
      %lt3A_257 = arith.cmpi slt, %add3A_256, %lt3A : i32
      %convert_element_type3A_258 = arith.extui %lt3A_257 : i1 to i32
      %cond3A_259 = arith.constant 0 : i32
      %cond3A_260 = arith.cmpi ne, %convert_element_type3A_258, %cond3A_259 : i32
      scf.if %cond3A_260 {
        %add3A_489 = arith.constant 4 : i32
        %add3A_490 = arith.addi %add3A_218, %add3A_489 : i32
        %dma_start3A_491 = arith.constant 0 : i32
        %dma_start3A_492 = arith.constant 0 : i32
        %dma_start3A_493 = arith.constant 0 : i32
        %dma_start3A_494 = arith.constant 0 : i32
        %dma_start3A_495 = tpu.memref_slice %arg6[%dma_start3A_491, %dma_start3A_493, %dma_start3A_494] : memref<4x200x64xf32, #tpu.memory_space<vmem>> -> memref<1x104x64xf32, #tpu.memory_space<vmem>>
        %dma_start3A_496 = tpu.memref_squeeze %dma_start3A_495 : memref<1x104x64xf32, #tpu.memory_space<vmem>> -> memref<104x64xf32, #tpu.memory_space<vmem>>
        %dma_start3A_497 = arith.constant 0 : i32
        %dma_start3A_498 = tpu.memref_slice %arg5[%add3A_490, %dma_start3A_497] : memref<128x200xi32, #tpu.memory_space<vmem>> -> memref<1x104xi32, #tpu.memory_space<vmem>>
        %dma_start3A_499 = tpu.memref_squeeze %dma_start3A_498 : memref<1x104xi32, #tpu.memory_space<vmem>> -> memref<104xi32, #tpu.memory_space<vmem>>
        %dma_start3A_500 = arith.constant 0 : i32
        %dma_start3A_501 = arith.constant 0 : i32
        %dma_start3A_502 = tpu.memref_slice %arg3[%dma_start3A_500, %dma_start3A_501] : memref<1000000x64xf32, #tpu.memory_space<hbm>> -> memref<1000000x64xf32, #tpu.memory_space<hbm>>
        %dma_start3A_503 = tpu.memref_slice %arg8[%dma_start3A_492] : memref<4x!tpu.dma_semaphore, #tpu.memory_space<semaphore_mem>> -> memref<1x!tpu.dma_semaphore, #tpu.memory_space<semaphore_mem>>
        %dma_start3A_504 = tpu.memref_squeeze %dma_start3A_503 : memref<1x!tpu.dma_semaphore, #tpu.memory_space<semaphore_mem>> -> memref<!tpu.dma_semaphore, #tpu.memory_space<semaphore_mem>>
        tpu.enqueue_indirect_dma source(%dma_start3A_502 : memref<1000000x64xf32, #tpu.memory_space<hbm>>) target(%dma_start3A_496 : memref<104x64xf32, #tpu.memory_space<vmem>>) offsets(%dma_start3A_499 : memref<104xi32, #tpu.memory_space<vmem>>) semaphore(%dma_start3A_504 : memref<!tpu.dma_semaphore, #tpu.memory_space<semaphore_mem>>)
        %dma_start3A_505 = arith.constant 0 : i32
        %dma_start3A_506 = arith.constant 0 : i32
        %dma_start3A_507 = arith.constant 104 : i32
        %dma_start3A_508 = arith.constant 0 : i32
        %dma_start3A_509 = tpu.memref_slice %arg6[%dma_start3A_505, %dma_start3A_507, %dma_start3A_508] : memref<4x200x64xf32, #tpu.memory_space<vmem>> -> memref<1x96x64xf32, #tpu.memory_space<vmem>>
        %dma_start3A_510 = tpu.memref_squeeze %dma_start3A_509 : memref<1x96x64xf32, #tpu.memory_space<vmem>> -> memref<96x64xf32, #tpu.memory_space<vmem>>
        %dma_start3A_511 = arith.constant 104 : i32
        %dma_start3A_512 = tpu.memref_slice %arg5[%add3A_490, %dma_start3A_511] : memref<128x200xi32, #tpu.memory_space<vmem>> -> memref<1x96xi32, #tpu.memory_space<vmem>>
        %dma_start3A_513 = tpu.memref_squeeze %dma_start3A_512 : memref<1x96xi32, #tpu.memory_space<vmem>> -> memref<96xi32, #tpu.memory_space<vmem>>
        %dma_start3A_514 = arith.constant 0 : i32
        %dma_start3A_515 = arith.constant 0 : i32
        %dma_start3A_516 = tpu.memref_slice %arg3[%dma_start3A_514, %dma_start3A_515] : memref<1000000x64xf32, #tpu.memory_space<hbm>> -> memref<1000000x64xf32, #tpu.memory_space<hbm>>
        %dma_start3A_517 = tpu.memref_slice %arg8[%dma_start3A_506] : memref<4x!tpu.dma_semaphore, #tpu.memory_space<semaphore_mem>> -> memref<1x!tpu.dma_semaphore, #tpu.memory_space<semaphore_mem>>
        %dma_start3A_518 = tpu.memref_squeeze %dma_start3A_517 : memref<1x!tpu.dma_semaphore, #tpu.memory_space<semaphore_mem>> -> memref<!tpu.dma_semaphore, #tpu.memory_space<semaphore_mem>>
        tpu.enqueue_indirect_dma source(%dma_start3A_516 : memref<1000000x64xf32, #tpu.memory_space<hbm>>) target(%dma_start3A_510 : memref<96x64xf32, #tpu.memory_space<vmem>>) offsets(%dma_start3A_513 : memref<96xi32, #tpu.memory_space<vmem>>) semaphore(%dma_start3A_518 : memref<!tpu.dma_semaphore, #tpu.memory_space<semaphore_mem>>)
      } else {
      }
      %add3A_261 = arith.addi %mul3A_2, %add3A_218 : i32
      %dma_start3A_262 = arith.constant 0 : i32
      %dma_start3A_263 = arith.constant 0 : i32
      %dma_start3A_264 = arith.constant 0 : i32
      %dma_start3A_265 = arith.constant 0 : i32
      %dma_start3A_266 = tpu.memref_slice %arg7[%dma_start3A_262, %dma_start3A_264, %dma_start3A_265] : memref<4x200x64xf32, #tpu.memory_space<vmem>> -> memref<1x200x64xf32, #tpu.memory_space<vmem>>
      %dma_start3A_267 = tpu.memref_squeeze %dma_start3A_266 : memref<1x200x64xf32, #tpu.memory_space<vmem>> -> memref<200x64xf32, #tpu.memory_space<vmem>>
      %dma_start3A_268 = arith.constant 0 : i32
      %dma_start3A_269 = arith.constant 0 : i32
      %dma_start3A_270 = tpu.memref_slice %arg4[%add3A_261, %dma_start3A_268, %dma_start3A_269] : memref<4096x200x64xf32, #tpu.memory_space<hbm>> -> memref<1x200x64xf32, #tpu.memory_space<hbm>>
      %dma_start3A_271 = tpu.memref_squeeze %dma_start3A_270 : memref<1x200x64xf32, #tpu.memory_space<hbm>> -> memref<200x64xf32, #tpu.memory_space<hbm>>
      %dma_start3A_272 = tpu.memref_slice %arg9[%dma_start3A_263] : memref<4x!tpu.dma_semaphore, #tpu.memory_space<semaphore_mem>> -> memref<1x!tpu.dma_semaphore, #tpu.memory_space<semaphore_mem>>
      %dma_start3A_273 = tpu.memref_squeeze %dma_start3A_272 : memref<1x!tpu.dma_semaphore, #tpu.memory_space<semaphore_mem>> -> memref<!tpu.dma_semaphore, #tpu.memory_space<semaphore_mem>>
      %dma_start3A_274 = arith.constant 0 : i32
      %dma_start3A_275 = arith.constant 0 : i32
      %dma_start3A_276 = tpu.memref_slice %arg4[%add3A_261, %dma_start3A_274, %dma_start3A_275] : memref<4096x200x64xf32, #tpu.memory_space<hbm>> -> memref<1x200x64xf32, #tpu.memory_space<hbm>>
      %dma_start3A_277 = tpu.memref_squeeze %dma_start3A_276 : memref<1x200x64xf32, #tpu.memory_space<hbm>> -> memref<200x64xf32, #tpu.memory_space<hbm>>
      %dma_start3A_278 = arith.constant 0 : i32
      %dma_start3A_279 = arith.constant 0 : i32
      %dma_start3A_280 = tpu.memref_slice %arg7[%dma_start3A_262, %dma_start3A_278, %dma_start3A_279] : memref<4x200x64xf32, #tpu.memory_space<vmem>> -> memref<1x200x64xf32, #tpu.memory_space<vmem>>
      %dma_start3A_281 = tpu.memref_squeeze %dma_start3A_280 : memref<1x200x64xf32, #tpu.memory_space<vmem>> -> memref<200x64xf32, #tpu.memory_space<vmem>>
      tpu.enqueue_dma source(%dma_start3A_281 : memref<200x64xf32, #tpu.memory_space<vmem>>) target(%dma_start3A_277 : memref<200x64xf32, #tpu.memory_space<hbm>>) target_semaphore(%dma_start3A_273 : memref<!tpu.dma_semaphore, #tpu.memory_space<semaphore_mem>>)
      %add3A_282 = arith.constant 1 : i32
      %add3A_283 = arith.addi %mul3A_216, %add3A_282 : i32
      %dma_wait3A_284 = arith.constant 1 : i32
      %dma_wait3A_285 = arith.constant 1 : i32
      %dma_wait3A_286 = arith.constant 0 : i32
      %dma_wait3A_287 = arith.constant 0 : i32
      %dma_wait3A_288 = tpu.memref_slice %arg6[%dma_wait3A_284, %dma_wait3A_286, %dma_wait3A_287] : memref<4x200x64xf32, #tpu.memory_space<vmem>> -> memref<1x104x64xf32, #tpu.memory_space<vmem>>
      %dma_wait3A_289 = tpu.memref_squeeze %dma_wait3A_288 : memref<1x104x64xf32, #tpu.memory_space<vmem>> -> memref<104x64xf32, #tpu.memory_space<vmem>>
      %dma_wait3A_290 = arith.constant 0 : i32
      %dma_wait3A_291 = tpu.memref_slice %arg5[%add3A_283, %dma_wait3A_290] : memref<128x200xi32, #tpu.memory_space<vmem>> -> memref<1x104xi32, #tpu.memory_space<vmem>>
      %dma_wait3A_292 = tpu.memref_squeeze %dma_wait3A_291 : memref<1x104xi32, #tpu.memory_space<vmem>> -> memref<104xi32, #tpu.memory_space<vmem>>
      %dma_wait3A_293 = arith.constant 0 : i32
      %dma_wait3A_294 = arith.constant 0 : i32
      %dma_wait3A_295 = tpu.memref_slice %arg3[%dma_wait3A_293, %dma_wait3A_294] : memref<1000000x64xf32, #tpu.memory_space<hbm>> -> memref<1000000x64xf32, #tpu.memory_space<hbm>>
      %dma_wait3A_296 = tpu.memref_slice %arg8[%dma_wait3A_285] : memref<4x!tpu.dma_semaphore, #tpu.memory_space<semaphore_mem>> -> memref<1x!tpu.dma_semaphore, #tpu.memory_space<semaphore_mem>>
      %dma_wait3A_297 = tpu.memref_squeeze %dma_wait3A_296 : memref<1x!tpu.dma_semaphore, #tpu.memory_space<semaphore_mem>> -> memref<!tpu.dma_semaphore, #tpu.memory_space<semaphore_mem>>
      tpu.wait_indirect_dma semaphore(%dma_wait3A_297 : memref<!tpu.dma_semaphore, #tpu.memory_space<semaphore_mem>>) src(%dma_wait3A_295 : memref<1000000x64xf32, #tpu.memory_space<hbm>>) dst(%dma_wait3A_289 : memref<104x64xf32, #tpu.memory_space<vmem>>)
      %dma_wait3A_298 = arith.constant 1 : i32
      %dma_wait3A_299 = arith.constant 1 : i32
      %dma_wait3A_300 = arith.constant 104 : i32
      %dma_wait3A_301 = arith.constant 0 : i32
      %dma_wait3A_302 = tpu.memref_slice %arg6[%dma_wait3A_298, %dma_wait3A_300, %dma_wait3A_301] : memref<4x200x64xf32, #tpu.memory_space<vmem>> -> memref<1x96x64xf32, #tpu.memory_space<vmem>>
      %dma_wait3A_303 = tpu.memref_squeeze %dma_wait3A_302 : memref<1x96x64xf32, #tpu.memory_space<vmem>> -> memref<96x64xf32, #tpu.memory_space<vmem>>
      %dma_wait3A_304 = arith.constant 104 : i32
      %dma_wait3A_305 = tpu.memref_slice %arg5[%add3A_283, %dma_wait3A_304] : memref<128x200xi32, #tpu.memory_space<vmem>> -> memref<1x96xi32, #tpu.memory_space<vmem>>
      %dma_wait3A_306 = tpu.memref_squeeze %dma_wait3A_305 : memref<1x96xi32, #tpu.memory_space<vmem>> -> memref<96xi32, #tpu.memory_space<vmem>>
      %dma_wait3A_307 = arith.constant 0 : i32
      %dma_wait3A_308 = arith.constant 0 : i32
      %dma_wait3A_309 = tpu.memref_slice %arg3[%dma_wait3A_307, %dma_wait3A_308] : memref<1000000x64xf32, #tpu.memory_space<hbm>> -> memref<1000000x64xf32, #tpu.memory_space<hbm>>
      %dma_wait3A_310 = tpu.memref_slice %arg8[%dma_wait3A_299] : memref<4x!tpu.dma_semaphore, #tpu.memory_space<semaphore_mem>> -> memref<1x!tpu.dma_semaphore, #tpu.memory_space<semaphore_mem>>
      %dma_wait3A_311 = tpu.memref_squeeze %dma_wait3A_310 : memref<1x!tpu.dma_semaphore, #tpu.memory_space<semaphore_mem>> -> memref<!tpu.dma_semaphore, #tpu.memory_space<semaphore_mem>>
      tpu.wait_indirect_dma semaphore(%dma_wait3A_311 : memref<!tpu.dma_semaphore, #tpu.memory_space<semaphore_mem>>) src(%dma_wait3A_309 : memref<1000000x64xf32, #tpu.memory_space<hbm>>) dst(%dma_wait3A_303 : memref<96x64xf32, #tpu.memory_space<vmem>>)
      %ge3A_312 = arith.constant 4 : i32
      %ge3A_313 = arith.cmpi sge, %add3A_283, %ge3A_312 : i32
      %convert_element_type3A_314 = arith.extui %ge3A_313 : i1 to i32
      %cond3A_315 = arith.constant 0 : i32
      %cond3A_316 = arith.cmpi ne, %convert_element_type3A_314, %cond3A_315 : i32
      scf.if %cond3A_316 {
        %add3A_489 = arith.addi %mul3A_2, %add3A_283 : i32
        %sub3A = arith.constant 4 : i32
        %sub3A_490 = arith.subi %add3A_489, %sub3A : i32
        %dma_wait3A_491 = arith.constant 1 : i32
        %dma_wait3A_492 = arith.constant 1 : i32
        %dma_wait3A_493 = arith.constant 0 : i32
        %dma_wait3A_494 = arith.constant 0 : i32
        %dma_wait3A_495 = tpu.memref_slice %arg7[%dma_wait3A_491, %dma_wait3A_493, %dma_wait3A_494] : memref<4x200x64xf32, #tpu.memory_space<vmem>> -> memref<1x200x64xf32, #tpu.memory_space<vmem>>
        %dma_wait3A_496 = tpu.memref_squeeze %dma_wait3A_495 : memref<1x200x64xf32, #tpu.memory_space<vmem>> -> memref<200x64xf32, #tpu.memory_space<vmem>>
        %dma_wait3A_497 = arith.constant 0 : i32
        %dma_wait3A_498 = arith.constant 0 : i32
        %dma_wait3A_499 = tpu.memref_slice %arg4[%sub3A_490, %dma_wait3A_497, %dma_wait3A_498] : memref<4096x200x64xf32, #tpu.memory_space<hbm>> -> memref<1x200x64xf32, #tpu.memory_space<hbm>>
        %dma_wait3A_500 = tpu.memref_squeeze %dma_wait3A_499 : memref<1x200x64xf32, #tpu.memory_space<hbm>> -> memref<200x64xf32, #tpu.memory_space<hbm>>
        %dma_wait3A_501 = tpu.memref_slice %arg9[%dma_wait3A_492] : memref<4x!tpu.dma_semaphore, #tpu.memory_space<semaphore_mem>> -> memref<1x!tpu.dma_semaphore, #tpu.memory_space<semaphore_mem>>
        %dma_wait3A_502 = tpu.memref_squeeze %dma_wait3A_501 : memref<1x!tpu.dma_semaphore, #tpu.memory_space<semaphore_mem>> -> memref<!tpu.dma_semaphore, #tpu.memory_space<semaphore_mem>>
        %dma_wait3A_503 = arith.constant 0 : i32
        %dma_wait3A_504 = arith.constant 0 : i32
        %dma_wait3A_505 = tpu.memref_slice %arg4[%sub3A_490, %dma_wait3A_503, %dma_wait3A_504] : memref<4096x200x64xf32, #tpu.memory_space<hbm>> -> memref<1x200x64xf32, #tpu.memory_space<hbm>>
        %dma_wait3A_506 = tpu.memref_squeeze %dma_wait3A_505 : memref<1x200x64xf32, #tpu.memory_space<hbm>> -> memref<200x64xf32, #tpu.memory_space<hbm>>
        %dma_wait3A_507 = arith.constant 0 : i32
        %dma_wait3A_508 = arith.constant 0 : i32
        %dma_wait3A_509 = tpu.memref_slice %arg7[%dma_wait3A_491, %dma_wait3A_507, %dma_wait3A_508] : memref<4x200x64xf32, #tpu.memory_space<vmem>> -> memref<1x200x64xf32, #tpu.memory_space<vmem>>
        %dma_wait3A_510 = tpu.memref_squeeze %dma_wait3A_509 : memref<1x200x64xf32, #tpu.memory_space<vmem>> -> memref<200x64xf32, #tpu.memory_space<vmem>>
        tpu.wait_dma2 semaphore(%dma_wait3A_502 : memref<!tpu.dma_semaphore, #tpu.memory_space<semaphore_mem>>) src(%dma_wait3A_510 : memref<200x64xf32, #tpu.memory_space<vmem>>) dst(%dma_wait3A_506 : memref<200x64xf32, #tpu.memory_space<hbm>>)
      } else {
      }
      %scan3A_317 = arith.constant 0 : i32
      %scan3A_318 = arith.constant 0 : i32
      %scan3A_319 = arith.constant 50 : i32
      %scan3A_320 = arith.addi %scan3A_318, %scan3A_319 : i32
      %scan3A_321 = arith.constant 1 : i32
      scf.for %scan3A_489 = %scan3A_318 to %scan3A_320 step %scan3A_321  : i32 {
        %mul3A_490 = arith.constant 4 : i32
        %mul3A_491 = arith.muli %scan3A_489, %mul3A_490 : i32
        %add3A_492 = arith.constant 0 : i32
        %add3A_493 = arith.addi %mul3A_491, %add3A_492 : i32
        %get3A = arith.constant 1 : i32
        %get3A_494 = arith.index_cast %get3A : i32 to index
        %get3A_495 = arith.index_cast %add3A_493 : i32 to index
        %get3A_496 = arith.constant 0 : index
        %get3A_497 = tpu.vector_load %arg6[%get3A_494, %get3A_495, %get3A_496] {strides = array<i32>} : memref<4x200x64xf32, #tpu.memory_space<vmem>>, vector<1x1x16xf32>,
        %get3A_498 = vector.shape_cast %get3A_497 : vector<1x1x16xf32> to vector<16xf32>
        %mul3A_499 = arith.constant 8.000000e+00 : f32
        %mul3A_500 = vector.broadcast %mul3A_499 : f32 to vector<16xf32>
        %mul3A_501 = arith.mulf %get3A_498, %mul3A_500 : vector<16xf32>
        %add3A_502 = arith.constant 0 : i32
        %add3A_503 = arith.addi %mul3A_491, %add3A_502 : i32
        %swap3A = arith.constant 1 : i32
        %swap3A_504 = arith.index_cast %swap3A : i32 to index
        %swap3A_505 = arith.index_cast %add3A_503 : i32 to index
        %swap3A_506 = arith.constant 0 : index
        %swap3A_507 = tpu.vector_load %arg7[%swap3A_504, %swap3A_505, %swap3A_506] {strides = array<i32>} : memref<4x200x64xf32, #tpu.memory_space<vmem>>, vector<1x1x16xf32>,
        %swap3A_508 = vector.shape_cast %swap3A_507 : vector<1x1x16xf32> to vector<16xf32>
        %swap3A_509 = vector.shape_cast %mul3A_501 : vector<16xf32> to vector<1x1x16xf32>
        tpu.vector_store %arg7[%swap3A_504, %swap3A_505, %swap3A_506], %swap3A_509 {strides = array<i32>} : memref<4x200x64xf32, #tpu.memory_space<vmem>>, vector<1x1x16xf32>,
        %add3A_510 = arith.constant 0 : i32
        %add3A_511 = arith.addi %mul3A_491, %add3A_510 : i32
        %get3A_512 = arith.constant 1 : i32
        %get3A_513 = arith.index_cast %get3A_512 : i32 to index
        %get3A_514 = arith.index_cast %add3A_511 : i32 to index
        %get3A_515 = arith.constant 16 : index
        %get3A_516 = tpu.vector_load %arg6[%get3A_513, %get3A_514, %get3A_515] {strides = array<i32>} : memref<4x200x64xf32, #tpu.memory_space<vmem>>, vector<1x1x16xf32>,
        %get3A_517 = vector.shape_cast %get3A_516 : vector<1x1x16xf32> to vector<16xf32>
        %mul3A_518 = arith.constant 8.000000e+00 : f32
        %mul3A_519 = vector.broadcast %mul3A_518 : f32 to vector<16xf32>
        %mul3A_520 = arith.mulf %get3A_517, %mul3A_519 : vector<16xf32>
        %add3A_521 = arith.constant 0 : i32
        %add3A_522 = arith.addi %mul3A_491, %add3A_521 : i32
        %swap3A_523 = arith.constant 1 : i32
        %swap3A_524 = arith.index_cast %swap3A_523 : i32 to index
        %swap3A_525 = arith.index_cast %add3A_522 : i32 to index
        %swap3A_526 = arith.constant 16 : index
        %swap3A_527 = tpu.vector_load %arg7[%swap3A_524, %swap3A_525, %swap3A_526] {strides = array<i32>} : memref<4x200x64xf32, #tpu.memory_space<vmem>>, vector<1x1x16xf32>,
        %swap3A_528 = vector.shape_cast %swap3A_527 : vector<1x1x16xf32> to vector<16xf32>
        %swap3A_529 = vector.shape_cast %mul3A_520 : vector<16xf32> to vector<1x1x16xf32>
        tpu.vector_store %arg7[%swap3A_524, %swap3A_525, %swap3A_526], %swap3A_529 {strides = array<i32>} : memref<4x200x64xf32, #tpu.memory_space<vmem>>, vector<1x1x16xf32>,
        %add3A_530 = arith.constant 0 : i32
        %add3A_531 = arith.addi %mul3A_491, %add3A_530 : i32
        %get3A_532 = arith.constant 1 : i32
        %get3A_533 = arith.index_cast %get3A_532 : i32 to index
        %get3A_534 = arith.index_cast %add3A_531 : i32 to index
        %get3A_535 = arith.constant 32 : index
        %get3A_536 = tpu.vector_load %arg6[%get3A_533, %get3A_534, %get3A_535] {strides = array<i32>} : memref<4x200x64xf32, #tpu.memory_space<vmem>>, vector<1x1x16xf32>,
        %get3A_537 = vector.shape_cast %get3A_536 : vector<1x1x16xf32> to vector<16xf32>
        %mul3A_538 = arith.constant 8.000000e+00 : f32
        %mul3A_539 = vector.broadcast %mul3A_538 : f32 to vector<16xf32>
        %mul3A_540 = arith.mulf %get3A_537, %mul3A_539 : vector<16xf32>
        %add3A_541 = arith.constant 0 : i32
        %add3A_542 = arith.addi %mul3A_491, %add3A_541 : i32
        %swap3A_543 = arith.constant 1 : i32
        %swap3A_544 = arith.index_cast %swap3A_543 : i32 to index
        %swap3A_545 = arith.index_cast %add3A_542 : i32 to index
        %swap3A_546 = arith.constant 32 : index
        %swap3A_547 = tpu.vector_load %arg7[%swap3A_544, %swap3A_545, %swap3A_546] {strides = array<i32>} : memref<4x200x64xf32, #tpu.memory_space<vmem>>, vector<1x1x16xf32>,
        %swap3A_548 = vector.shape_cast %swap3A_547 : vector<1x1x16xf32> to vector<16xf32>
        %swap3A_549 = vector.shape_cast %mul3A_540 : vector<16xf32> to vector<1x1x16xf32>
        tpu.vector_store %arg7[%swap3A_544, %swap3A_545, %swap3A_546], %swap3A_549 {strides = array<i32>} : memref<4x200x64xf32, #tpu.memory_space<vmem>>, vector<1x1x16xf32>,
        %add3A_550 = arith.constant 0 : i32
        %add3A_551 = arith.addi %mul3A_491, %add3A_550 : i32
        %get3A_552 = arith.constant 1 : i32
        %get3A_553 = arith.index_cast %get3A_552 : i32 to index
        %get3A_554 = arith.index_cast %add3A_551 : i32 to index
        %get3A_555 = arith.constant 48 : index
        %get3A_556 = tpu.vector_load %arg6[%get3A_553, %get3A_554, %get3A_555] {strides = array<i32>} : memref<4x200x64xf32, #tpu.memory_space<vmem>>, vector<1x1x16xf32>,
        %get3A_557 = vector.shape_cast %get3A_556 : vector<1x1x16xf32> to vector<16xf32>
        %mul3A_558 = arith.constant 8.000000e+00 : f32
        %mul3A_559 = vector.broadcast %mul3A_558 : f32 to vector<16xf32>
        %mul3A_560 = arith.mulf %get3A_557, %mul3A_559 : vector<16xf32>
        %add3A_561 = arith.constant 0 : i32
        %add3A_562 = arith.addi %mul3A_491, %add3A_561 : i32
        %swap3A_563 = arith.constant 1 : i32
        %swap3A_564 = arith.index_cast %swap3A_563 : i32 to index
        %swap3A_565 = arith.index_cast %add3A_562 : i32 to index
        %swap3A_566 = arith.constant 48 : index
        %swap3A_567 = tpu.vector_load %arg7[%swap3A_564, %swap3A_565, %swap3A_566] {strides = array<i32>} : memref<4x200x64xf32, #tpu.memory_space<vmem>>, vector<1x1x16xf32>,
        %swap3A_568 = vector.shape_cast %swap3A_567 : vector<1x1x16xf32> to vector<16xf32>
        %swap3A_569 = vector.shape_cast %mul3A_560 : vector<16xf32> to vector<1x1x16xf32>
        tpu.vector_store %arg7[%swap3A_564, %swap3A_565, %swap3A_566], %swap3A_569 {strides = array<i32>} : memref<4x200x64xf32, #tpu.memory_space<vmem>>, vector<1x1x16xf32>,
        %add3A_570 = arith.constant 1 : i32
        %add3A_571 = arith.addi %mul3A_491, %add3A_570 : i32
        %get3A_572 = arith.constant 1 : i32
        %get3A_573 = arith.index_cast %get3A_572 : i32 to index
        %get3A_574 = arith.index_cast %add3A_571 : i32 to index
        %get3A_575 = arith.constant 0 : index
        %get3A_576 = tpu.vector_load %arg6[%get3A_573, %get3A_574, %get3A_575] {strides = array<i32>} : memref<4x200x64xf32, #tpu.memory_space<vmem>>, vector<1x1x16xf32>,
        %get3A_577 = vector.shape_cast %get3A_576 : vector<1x1x16xf32> to vector<16xf32>
        %mul3A_578 = arith.constant 8.000000e+00 : f32
        %mul3A_579 = vector.broadcast %mul3A_578 : f32 to vector<16xf32>
        %mul3A_580 = arith.mulf %get3A_577, %mul3A_579 : vector<16xf32>
        %add3A_581 = arith.constant 1 : i32
        %add3A_582 = arith.addi %mul3A_491, %add3A_581 : i32
        %swap3A_583 = arith.constant 1 : i32
        %swap3A_584 = arith.index_cast %swap3A_583 : i32 to index
        %swap3A_585 = arith.index_cast %add3A_582 : i32 to index
        %swap3A_586 = arith.constant 0 : index
        %swap3A_587 = tpu.vector_load %arg7[%swap3A_584, %swap3A_585, %swap3A_586] {strides = array<i32>} : memref<4x200x64xf32, #tpu.memory_space<vmem>>, vector<1x1x16xf32>,
        %swap3A_588 = vector.shape_cast %swap3A_587 : vector<1x1x16xf32> to vector<16xf32>
        %swap3A_589 = vector.shape_cast %mul3A_580 : vector<16xf32> to vector<1x1x16xf32>
        tpu.vector_store %arg7[%swap3A_584, %swap3A_585, %swap3A_586], %swap3A_589 {strides = array<i32>} : memref<4x200x64xf32, #tpu.memory_space<vmem>>, vector<1x1x16xf32>,
        %add3A_590 = arith.constant 1 : i32
        %add3A_591 = arith.addi %mul3A_491, %add3A_590 : i32
        %get3A_592 = arith.constant 1 : i32
        %get3A_593 = arith.index_cast %get3A_592 : i32 to index
        %get3A_594 = arith.index_cast %add3A_591 : i32 to index
        %get3A_595 = arith.constant 16 : index
        %get3A_596 = tpu.vector_load %arg6[%get3A_593, %get3A_594, %get3A_595] {strides = array<i32>} : memref<4x200x64xf32, #tpu.memory_space<vmem>>, vector<1x1x16xf32>,
        %get3A_597 = vector.shape_cast %get3A_596 : vector<1x1x16xf32> to vector<16xf32>
        %mul3A_598 = arith.constant 8.000000e+00 : f32
        %mul3A_599 = vector.broadcast %mul3A_598 : f32 to vector<16xf32>
        %mul3A_600 = arith.mulf %get3A_597, %mul3A_599 : vector<16xf32>
        %add3A_601 = arith.constant 1 : i32
        %add3A_602 = arith.addi %mul3A_491, %add3A_601 : i32
        %swap3A_603 = arith.constant 1 : i32
        %swap3A_604 = arith.index_cast %swap3A_603 : i32 to index
        %swap3A_605 = arith.index_cast %add3A_602 : i32 to index
        %swap3A_606 = arith.constant 16 : index
        %swap3A_607 = tpu.vector_load %arg7[%swap3A_604, %swap3A_605, %swap3A_606] {strides = array<i32>} : memref<4x200x64xf32, #tpu.memory_space<vmem>>, vector<1x1x16xf32>,
        %swap3A_608 = vector.shape_cast %swap3A_607 : vector<1x1x16xf32> to vector<16xf32>
        %swap3A_609 = vector.shape_cast %mul3A_600 : vector<16xf32> to vector<1x1x16xf32>
        tpu.vector_store %arg7[%swap3A_604, %swap3A_605, %swap3A_606], %swap3A_609 {strides = array<i32>} : memref<4x200x64xf32, #tpu.memory_space<vmem>>, vector<1x1x16xf32>,
        %add3A_610 = arith.constant 1 : i32
        %add3A_611 = arith.addi %mul3A_491, %add3A_610 : i32
        %get3A_612 = arith.constant 1 : i32
        %get3A_613 = arith.index_cast %get3A_612 : i32 to index
        %get3A_614 = arith.index_cast %add3A_611 : i32 to index
        %get3A_615 = arith.constant 32 : index
        %get3A_616 = tpu.vector_load %arg6[%get3A_613, %get3A_614, %get3A_615] {strides = array<i32>} : memref<4x200x64xf32, #tpu.memory_space<vmem>>, vector<1x1x16xf32>,
        %get3A_617 = vector.shape_cast %get3A_616 : vector<1x1x16xf32> to vector<16xf32>
        %mul3A_618 = arith.constant 8.000000e+00 : f32
        %mul3A_619 = vector.broadcast %mul3A_618 : f32 to vector<16xf32>
        %mul3A_620 = arith.mulf %get3A_617, %mul3A_619 : vector<16xf32>
        %add3A_621 = arith.constant 1 : i32
        %add3A_622 = arith.addi %mul3A_491, %add3A_621 : i32
        %swap3A_623 = arith.constant 1 : i32
        %swap3A_624 = arith.index_cast %swap3A_623 : i32 to index
        %swap3A_625 = arith.index_cast %add3A_622 : i32 to index
        %swap3A_626 = arith.constant 32 : index
        %swap3A_627 = tpu.vector_load %arg7[%swap3A_624, %swap3A_625, %swap3A_626] {strides = array<i32>} : memref<4x200x64xf32, #tpu.memory_space<vmem>>, vector<1x1x16xf32>,
        %swap3A_628 = vector.shape_cast %swap3A_627 : vector<1x1x16xf32> to vector<16xf32>
        %swap3A_629 = vector.shape_cast %mul3A_620 : vector<16xf32> to vector<1x1x16xf32>
        tpu.vector_store %arg7[%swap3A_624, %swap3A_625, %swap3A_626], %swap3A_629 {strides = array<i32>} : memref<4x200x64xf32, #tpu.memory_space<vmem>>, vector<1x1x16xf32>,
        %add3A_630 = arith.constant 1 : i32
        %add3A_631 = arith.addi %mul3A_491, %add3A_630 : i32
        %get3A_632 = arith.constant 1 : i32
        %get3A_633 = arith.index_cast %get3A_632 : i32 to index
        %get3A_634 = arith.index_cast %add3A_631 : i32 to index
        %get3A_635 = arith.constant 48 : index
        %get3A_636 = tpu.vector_load %arg6[%get3A_633, %get3A_634, %get3A_635] {strides = array<i32>} : memref<4x200x64xf32, #tpu.memory_space<vmem>>, vector<1x1x16xf32>,
        %get3A_637 = vector.shape_cast %get3A_636 : vector<1x1x16xf32> to vector<16xf32>
        %mul3A_638 = arith.constant 8.000000e+00 : f32
        %mul3A_639 = vector.broadcast %mul3A_638 : f32 to vector<16xf32>
        %mul3A_640 = arith.mulf %get3A_637, %mul3A_639 : vector<16xf32>
        %add3A_641 = arith.constant 1 : i32
        %add3A_642 = arith.addi %mul3A_491, %add3A_641 : i32
        %swap3A_643 = arith.constant 1 : i32
        %swap3A_644 = arith.index_cast %swap3A_643 : i32 to index
        %swap3A_645 = arith.index_cast %add3A_642 : i32 to index
        %swap3A_646 = arith.constant 48 : index
        %swap3A_647 = tpu.vector_load %arg7[%swap3A_644, %swap3A_645, %swap3A_646] {strides = array<i32>} : memref<4x200x64xf32, #tpu.memory_space<vmem>>, vector<1x1x16xf32>,
        %swap3A_648 = vector.shape_cast %swap3A_647 : vector<1x1x16xf32> to vector<16xf32>
        %swap3A_649 = vector.shape_cast %mul3A_640 : vector<16xf32> to vector<1x1x16xf32>
        tpu.vector_store %arg7[%swap3A_644, %swap3A_645, %swap3A_646], %swap3A_649 {strides = array<i32>} : memref<4x200x64xf32, #tpu.memory_space<vmem>>, vector<1x1x16xf32>,
        %add3A_650 = arith.constant 2 : i32
        %add3A_651 = arith.addi %mul3A_491, %add3A_650 : i32
        %get3A_652 = arith.constant 1 : i32
        %get3A_653 = arith.index_cast %get3A_652 : i32 to index
        %get3A_654 = arith.index_cast %add3A_651 : i32 to index
        %get3A_655 = arith.constant 0 : index
        %get3A_656 = tpu.vector_load %arg6[%get3A_653, %get3A_654, %get3A_655] {strides = array<i32>} : memref<4x200x64xf32, #tpu.memory_space<vmem>>, vector<1x1x16xf32>,
        %get3A_657 = vector.shape_cast %get3A_656 : vector<1x1x16xf32> to vector<16xf32>
        %mul3A_658 = arith.constant 8.000000e+00 : f32
        %mul3A_659 = vector.broadcast %mul3A_658 : f32 to vector<16xf32>
        %mul3A_660 = arith.mulf %get3A_657, %mul3A_659 : vector<16xf32>
        %add3A_661 = arith.constant 2 : i32
        %add3A_662 = arith.addi %mul3A_491, %add3A_661 : i32
        %swap3A_663 = arith.constant 1 : i32
        %swap3A_664 = arith.index_cast %swap3A_663 : i32 to index
        %swap3A_665 = arith.index_cast %add3A_662 : i32 to index
        %swap3A_666 = arith.constant 0 : index
        %swap3A_667 = tpu.vector_load %arg7[%swap3A_664, %swap3A_665, %swap3A_666] {strides = array<i32>} : memref<4x200x64xf32, #tpu.memory_space<vmem>>, vector<1x1x16xf32>,
        %swap3A_668 = vector.shape_cast %swap3A_667 : vector<1x1x16xf32> to vector<16xf32>
        %swap3A_669 = vector.shape_cast %mul3A_660 : vector<16xf32> to vector<1x1x16xf32>
        tpu.vector_store %arg7[%swap3A_664, %swap3A_665, %swap3A_666], %swap3A_669 {strides = array<i32>} : memref<4x200x64xf32, #tpu.memory_space<vmem>>, vector<1x1x16xf32>,
        %add3A_670 = arith.constant 2 : i32
        %add3A_671 = arith.addi %mul3A_491, %add3A_670 : i32
        %get3A_672 = arith.constant 1 : i32
        %get3A_673 = arith.index_cast %get3A_672 : i32 to index
        %get3A_674 = arith.index_cast %add3A_671 : i32 to index
        %get3A_675 = arith.constant 16 : index
        %get3A_676 = tpu.vector_load %arg6[%get3A_673, %get3A_674, %get3A_675] {strides = array<i32>} : memref<4x200x64xf32, #tpu.memory_space<vmem>>, vector<1x1x16xf32>,
        %get3A_677 = vector.shape_cast %get3A_676 : vector<1x1x16xf32> to vector<16xf32>
        %mul3A_678 = arith.constant 8.000000e+00 : f32
        %mul3A_679 = vector.broadcast %mul3A_678 : f32 to vector<16xf32>
        %mul3A_680 = arith.mulf %get3A_677, %mul3A_679 : vector<16xf32>
        %add3A_681 = arith.constant 2 : i32
        %add3A_682 = arith.addi %mul3A_491, %add3A_681 : i32
        %swap3A_683 = arith.constant 1 : i32
        %swap3A_684 = arith.index_cast %swap3A_683 : i32 to index
        %swap3A_685 = arith.index_cast %add3A_682 : i32 to index
        %swap3A_686 = arith.constant 16 : index
        %swap3A_687 = tpu.vector_load %arg7[%swap3A_684, %swap3A_685, %swap3A_686] {strides = array<i32>} : memref<4x200x64xf32, #tpu.memory_space<vmem>>, vector<1x1x16xf32>,
        %swap3A_688 = vector.shape_cast %swap3A_687 : vector<1x1x16xf32> to vector<16xf32>
        %swap3A_689 = vector.shape_cast %mul3A_680 : vector<16xf32> to vector<1x1x16xf32>
        tpu.vector_store %arg7[%swap3A_684, %swap3A_685, %swap3A_686], %swap3A_689 {strides = array<i32>} : memref<4x200x64xf32, #tpu.memory_space<vmem>>, vector<1x1x16xf32>,
        %add3A_690 = arith.constant 2 : i32
        %add3A_691 = arith.addi %mul3A_491, %add3A_690 : i32
        %get3A_692 = arith.constant 1 : i32
        %get3A_693 = arith.index_cast %get3A_692 : i32 to index
        %get3A_694 = arith.index_cast %add3A_691 : i32 to index
        %get3A_695 = arith.constant 32 : index
        %get3A_696 = tpu.vector_load %arg6[%get3A_693, %get3A_694, %get3A_695] {strides = array<i32>} : memref<4x200x64xf32, #tpu.memory_space<vmem>>, vector<1x1x16xf32>,
        %get3A_697 = vector.shape_cast %get3A_696 : vector<1x1x16xf32> to vector<16xf32>
        %mul3A_698 = arith.constant 8.000000e+00 : f32
        %mul3A_699 = vector.broadcast %mul3A_698 : f32 to vector<16xf32>
        %mul3A_700 = arith.mulf %get3A_697, %mul3A_699 : vector<16xf32>
        %add3A_701 = arith.constant 2 : i32
        %add3A_702 = arith.addi %mul3A_491, %add3A_701 : i32
        %swap3A_703 = arith.constant 1 : i32
        %swap3A_704 = arith.index_cast %swap3A_703 : i32 to index
        %swap3A_705 = arith.index_cast %add3A_702 : i32 to index
        %swap3A_706 = arith.constant 32 : index
        %swap3A_707 = tpu.vector_load %arg7[%swap3A_704, %swap3A_705, %swap3A_706] {strides = array<i32>} : memref<4x200x64xf32, #tpu.memory_space<vmem>>, vector<1x1x16xf32>,
        %swap3A_708 = vector.shape_cast %swap3A_707 : vector<1x1x16xf32> to vector<16xf32>
        %swap3A_709 = vector.shape_cast %mul3A_700 : vector<16xf32> to vector<1x1x16xf32>
        tpu.vector_store %arg7[%swap3A_704, %swap3A_705, %swap3A_706], %swap3A_709 {strides = array<i32>} : memref<4x200x64xf32, #tpu.memory_space<vmem>>, vector<1x1x16xf32>,
        %add3A_710 = arith.constant 2 : i32
        %add3A_711 = arith.addi %mul3A_491, %add3A_710 : i32
        %get3A_712 = arith.constant 1 : i32
        %get3A_713 = arith.index_cast %get3A_712 : i32 to index
        %get3A_714 = arith.index_cast %add3A_711 : i32 to index
        %get3A_715 = arith.constant 48 : index
        %get3A_716 = tpu.vector_load %arg6[%get3A_713, %get3A_714, %get3A_715] {strides = array<i32>} : memref<4x200x64xf32, #tpu.memory_space<vmem>>, vector<1x1x16xf32>,
        %get3A_717 = vector.shape_cast %get3A_716 : vector<1x1x16xf32> to vector<16xf32>
        %mul3A_718 = arith.constant 8.000000e+00 : f32
        %mul3A_719 = vector.broadcast %mul3A_718 : f32 to vector<16xf32>
        %mul3A_720 = arith.mulf %get3A_717, %mul3A_719 : vector<16xf32>
        %add3A_721 = arith.constant 2 : i32
        %add3A_722 = arith.addi %mul3A_491, %add3A_721 : i32
        %swap3A_723 = arith.constant 1 : i32
        %swap3A_724 = arith.index_cast %swap3A_723 : i32 to index
        %swap3A_725 = arith.index_cast %add3A_722 : i32 to index
        %swap3A_726 = arith.constant 48 : index
        %swap3A_727 = tpu.vector_load %arg7[%swap3A_724, %swap3A_725, %swap3A_726] {strides = array<i32>} : memref<4x200x64xf32, #tpu.memory_space<vmem>>, vector<1x1x16xf32>,
        %swap3A_728 = vector.shape_cast %swap3A_727 : vector<1x1x16xf32> to vector<16xf32>
        %swap3A_729 = vector.shape_cast %mul3A_720 : vector<16xf32> to vector<1x1x16xf32>
        tpu.vector_store %arg7[%swap3A_724, %swap3A_725, %swap3A_726], %swap3A_729 {strides = array<i32>} : memref<4x200x64xf32, #tpu.memory_space<vmem>>, vector<1x1x16xf32>,
        %add3A_730 = arith.constant 3 : i32
        %add3A_731 = arith.addi %mul3A_491, %add3A_730 : i32
        %get3A_732 = arith.constant 1 : i32
        %get3A_733 = arith.index_cast %get3A_732 : i32 to index
        %get3A_734 = arith.index_cast %add3A_731 : i32 to index
        %get3A_735 = arith.constant 0 : index
        %get3A_736 = tpu.vector_load %arg6[%get3A_733, %get3A_734, %get3A_735] {strides = array<i32>} : memref<4x200x64xf32, #tpu.memory_space<vmem>>, vector<1x1x16xf32>,
        %get3A_737 = vector.shape_cast %get3A_736 : vector<1x1x16xf32> to vector<16xf32>
        %mul3A_738 = arith.constant 8.000000e+00 : f32
        %mul3A_739 = vector.broadcast %mul3A_738 : f32 to vector<16xf32>
        %mul3A_740 = arith.mulf %get3A_737, %mul3A_739 : vector<16xf32>
        %add3A_741 = arith.constant 3 : i32
        %add3A_742 = arith.addi %mul3A_491, %add3A_741 : i32
        %swap3A_743 = arith.constant 1 : i32
        %swap3A_744 = arith.index_cast %swap3A_743 : i32 to index
        %swap3A_745 = arith.index_cast %add3A_742 : i32 to index
        %swap3A_746 = arith.constant 0 : index
        %swap3A_747 = tpu.vector_load %arg7[%swap3A_744, %swap3A_745, %swap3A_746] {strides = array<i32>} : memref<4x200x64xf32, #tpu.memory_space<vmem>>, vector<1x1x16xf32>,
        %swap3A_748 = vector.shape_cast %swap3A_747 : vector<1x1x16xf32> to vector<16xf32>
        %swap3A_749 = vector.shape_cast %mul3A_740 : vector<16xf32> to vector<1x1x16xf32>
        tpu.vector_store %arg7[%swap3A_744, %swap3A_745, %swap3A_746], %swap3A_749 {strides = array<i32>} : memref<4x200x64xf32, #tpu.memory_space<vmem>>, vector<1x1x16xf32>,
        %add3A_750 = arith.constant 3 : i32
        %add3A_751 = arith.addi %mul3A_491, %add3A_750 : i32
        %get3A_752 = arith.constant 1 : i32
        %get3A_753 = arith.index_cast %get3A_752 : i32 to index
        %get3A_754 = arith.index_cast %add3A_751 : i32 to index
        %get3A_755 = arith.constant 16 : index
        %get3A_756 = tpu.vector_load %arg6[%get3A_753, %get3A_754, %get3A_755] {strides = array<i32>} : memref<4x200x64xf32, #tpu.memory_space<vmem>>, vector<1x1x16xf32>,
        %get3A_757 = vector.shape_cast %get3A_756 : vector<1x1x16xf32> to vector<16xf32>
        %mul3A_758 = arith.constant 8.000000e+00 : f32
        %mul3A_759 = vector.broadcast %mul3A_758 : f32 to vector<16xf32>
        %mul3A_760 = arith.mulf %get3A_757, %mul3A_759 : vector<16xf32>
        %add3A_761 = arith.constant 3 : i32
        %add3A_762 = arith.addi %mul3A_491, %add3A_761 : i32
        %swap3A_763 = arith.constant 1 : i32
        %swap3A_764 = arith.index_cast %swap3A_763 : i32 to index
        %swap3A_765 = arith.index_cast %add3A_762 : i32 to index
        %swap3A_766 = arith.constant 16 : index
        %swap3A_767 = tpu.vector_load %arg7[%swap3A_764, %swap3A_765, %swap3A_766] {strides = array<i32>} : memref<4x200x64xf32, #tpu.memory_space<vmem>>, vector<1x1x16xf32>,
        %swap3A_768 = vector.shape_cast %swap3A_767 : vector<1x1x16xf32> to vector<16xf32>
        %swap3A_769 = vector.shape_cast %mul3A_760 : vector<16xf32> to vector<1x1x16xf32>
        tpu.vector_store %arg7[%swap3A_764, %swap3A_765, %swap3A_766], %swap3A_769 {strides = array<i32>} : memref<4x200x64xf32, #tpu.memory_space<vmem>>, vector<1x1x16xf32>,
        %add3A_770 = arith.constant 3 : i32
        %add3A_771 = arith.addi %mul3A_491, %add3A_770 : i32
        %get3A_772 = arith.constant 1 : i32
        %get3A_773 = arith.index_cast %get3A_772 : i32 to index
        %get3A_774 = arith.index_cast %add3A_771 : i32 to index
        %get3A_775 = arith.constant 32 : index
        %get3A_776 = tpu.vector_load %arg6[%get3A_773, %get3A_774, %get3A_775] {strides = array<i32>} : memref<4x200x64xf32, #tpu.memory_space<vmem>>, vector<1x1x16xf32>,
        %get3A_777 = vector.shape_cast %get3A_776 : vector<1x1x16xf32> to vector<16xf32>
        %mul3A_778 = arith.constant 8.000000e+00 : f32
        %mul3A_779 = vector.broadcast %mul3A_778 : f32 to vector<16xf32>
        %mul3A_780 = arith.mulf %get3A_777, %mul3A_779 : vector<16xf32>
        %add3A_781 = arith.constant 3 : i32
        %add3A_782 = arith.addi %mul3A_491, %add3A_781 : i32
        %swap3A_783 = arith.constant 1 : i32
        %swap3A_784 = arith.index_cast %swap3A_783 : i32 to index
        %swap3A_785 = arith.index_cast %add3A_782 : i32 to index
        %swap3A_786 = arith.constant 32 : index
        %swap3A_787 = tpu.vector_load %arg7[%swap3A_784, %swap3A_785, %swap3A_786] {strides = array<i32>} : memref<4x200x64xf32, #tpu.memory_space<vmem>>, vector<1x1x16xf32>,
        %swap3A_788 = vector.shape_cast %swap3A_787 : vector<1x1x16xf32> to vector<16xf32>
        %swap3A_789 = vector.shape_cast %mul3A_780 : vector<16xf32> to vector<1x1x16xf32>
        tpu.vector_store %arg7[%swap3A_784, %swap3A_785, %swap3A_786], %swap3A_789 {strides = array<i32>} : memref<4x200x64xf32, #tpu.memory_space<vmem>>, vector<1x1x16xf32>,
        %add3A_790 = arith.constant 3 : i32
        %add3A_791 = arith.addi %mul3A_491, %add3A_790 : i32
        %get3A_792 = arith.constant 1 : i32
        %get3A_793 = arith.index_cast %get3A_792 : i32 to index
        %get3A_794 = arith.index_cast %add3A_791 : i32 to index
        %get3A_795 = arith.constant 48 : index
        %get3A_796 = tpu.vector_load %arg6[%get3A_793, %get3A_794, %get3A_795] {strides = array<i32>} : memref<4x200x64xf32, #tpu.memory_space<vmem>>, vector<1x1x16xf32>,
        %get3A_797 = vector.shape_cast %get3A_796 : vector<1x1x16xf32> to vector<16xf32>
        %mul3A_798 = arith.constant 8.000000e+00 : f32
        %mul3A_799 = vector.broadcast %mul3A_798 : f32 to vector<16xf32>
        %mul3A_800 = arith.mulf %get3A_797, %mul3A_799 : vector<16xf32>
        %add3A_801 = arith.constant 3 : i32
        %add3A_802 = arith.addi %mul3A_491, %add3A_801 : i32
        %swap3A_803 = arith.constant 1 : i32
        %swap3A_804 = arith.index_cast %swap3A_803 : i32 to index
        %swap3A_805 = arith.index_cast %add3A_802 : i32 to index
        %swap3A_806 = arith.constant 48 : index
        %swap3A_807 = tpu.vector_load %arg7[%swap3A_804, %swap3A_805, %swap3A_806] {strides = array<i32>} : memref<4x200x64xf32, #tpu.memory_space<vmem>>, vector<1x1x16xf32>,
        %swap3A_808 = vector.shape_cast %swap3A_807 : vector<1x1x16xf32> to vector<16xf32>
        %swap3A_809 = vector.shape_cast %mul3A_800 : vector<16xf32> to vector<1x1x16xf32>
        tpu.vector_store %arg7[%swap3A_804, %swap3A_805, %swap3A_806], %swap3A_809 {strides = array<i32>} : memref<4x200x64xf32, #tpu.memory_space<vmem>>, vector<1x1x16xf32>,
      }
      %scan3A_322 = arith.constant 50 : i32
      %add3A_323 = arith.constant 4 : i32
      %add3A_324 = arith.addi %add3A_283, %add3A_323 : i32
      %lt3A_325 = arith.constant 128 : i32
      %lt3A_326 = arith.cmpi slt, %add3A_324, %lt3A_325 : i32
      %convert_element_type3A_327 = arith.extui %lt3A_326 : i1 to i32
      %cond3A_328 = arith.constant 0 : i32
      %cond3A_329 = arith.cmpi ne, %convert_element_type3A_327, %cond3A_328 : i32
      scf.if %cond3A_329 {
        %add3A_489 = arith.constant 4 : i32
        %add3A_490 = arith.addi %add3A_283, %add3A_489 : i32
        %dma_start3A_491 = arith.constant 1 : i32
        %dma_start3A_492 = arith.constant 1 : i32
        %dma_start3A_493 = arith.constant 0 : i32
        %dma_start3A_494 = arith.constant 0 : i32
        %dma_start3A_495 = tpu.memref_slice %arg6[%dma_start3A_491, %dma_start3A_493, %dma_start3A_494] : memref<4x200x64xf32, #tpu.memory_space<vmem>> -> memref<1x104x64xf32, #tpu.memory_space<vmem>>
        %dma_start3A_496 = tpu.memref_squeeze %dma_start3A_495 : memref<1x104x64xf32, #tpu.memory_space<vmem>> -> memref<104x64xf32, #tpu.memory_space<vmem>>
        %dma_start3A_497 = arith.constant 0 : i32
        %dma_start3A_498 = tpu.memref_slice %arg5[%add3A_490, %dma_start3A_497] : memref<128x200xi32, #tpu.memory_space<vmem>> -> memref<1x104xi32, #tpu.memory_space<vmem>>
        %dma_start3A_499 = tpu.memref_squeeze %dma_start3A_498 : memref<1x104xi32, #tpu.memory_space<vmem>> -> memref<104xi32, #tpu.memory_space<vmem>>
        %dma_start3A_500 = arith.constant 0 : i32
        %dma_start3A_501 = arith.constant 0 : i32
        %dma_start3A_502 = tpu.memref_slice %arg3[%dma_start3A_500, %dma_start3A_501] : memref<1000000x64xf32, #tpu.memory_space<hbm>> -> memref<1000000x64xf32, #tpu.memory_space<hbm>>
        %dma_start3A_503 = tpu.memref_slice %arg8[%dma_start3A_492] : memref<4x!tpu.dma_semaphore, #tpu.memory_space<semaphore_mem>> -> memref<1x!tpu.dma_semaphore, #tpu.memory_space<semaphore_mem>>
        %dma_start3A_504 = tpu.memref_squeeze %dma_start3A_503 : memref<1x!tpu.dma_semaphore, #tpu.memory_space<semaphore_mem>> -> memref<!tpu.dma_semaphore, #tpu.memory_space<semaphore_mem>>
        tpu.enqueue_indirect_dma source(%dma_start3A_502 : memref<1000000x64xf32, #tpu.memory_space<hbm>>) target(%dma_start3A_496 : memref<104x64xf32, #tpu.memory_space<vmem>>) offsets(%dma_start3A_499 : memref<104xi32, #tpu.memory_space<vmem>>) semaphore(%dma_start3A_504 : memref<!tpu.dma_semaphore, #tpu.memory_space<semaphore_mem>>)
        %dma_start3A_505 = arith.constant 1 : i32
        %dma_start3A_506 = arith.constant 1 : i32
        %dma_start3A_507 = arith.constant 104 : i32
        %dma_start3A_508 = arith.constant 0 : i32
        %dma_start3A_509 = tpu.memref_slice %arg6[%dma_start3A_505, %dma_start3A_507, %dma_start3A_508] : memref<4x200x64xf32, #tpu.memory_space<vmem>> -> memref<1x96x64xf32, #tpu.memory_space<vmem>>
        %dma_start3A_510 = tpu.memref_squeeze %dma_start3A_509 : memref<1x96x64xf32, #tpu.memory_space<vmem>> -> memref<96x64xf32, #tpu.memory_space<vmem>>
        %dma_start3A_511 = arith.constant 104 : i32
        %dma_start3A_512 = tpu.memref_slice %arg5[%add3A_490, %dma_start3A_511] : memref<128x200xi32, #tpu.memory_space<vmem>> -> memref<1x96xi32, #tpu.memory_space<vmem>>
        %dma_start3A_513 = tpu.memref_squeeze %dma_start3A_512 : memref<1x96xi32, #tpu.memory_space<vmem>> -> memref<96xi32, #tpu.memory_space<vmem>>
        %dma_start3A_514 = arith.constant 0 : i32
        %dma_start3A_515 = arith.constant 0 : i32
        %dma_start3A_516 = tpu.memref_slice %arg3[%dma_start3A_514, %dma_start3A_515] : memref<1000000x64xf32, #tpu.memory_space<hbm>> -> memref<1000000x64xf32, #tpu.memory_space<hbm>>
        %dma_start3A_517 = tpu.memref_slice %arg8[%dma_start3A_506] : memref<4x!tpu.dma_semaphore, #tpu.memory_space<semaphore_mem>> -> memref<1x!tpu.dma_semaphore, #tpu.memory_space<semaphore_mem>>
        %dma_start3A_518 = tpu.memref_squeeze %dma_start3A_517 : memref<1x!tpu.dma_semaphore, #tpu.memory_space<semaphore_mem>> -> memref<!tpu.dma_semaphore, #tpu.memory_space<semaphore_mem>>
        tpu.enqueue_indirect_dma source(%dma_start3A_516 : memref<1000000x64xf32, #tpu.memory_space<hbm>>) target(%dma_start3A_510 : memref<96x64xf32, #tpu.memory_space<vmem>>) offsets(%dma_start3A_513 : memref<96xi32, #tpu.memory_space<vmem>>) semaphore(%dma_start3A_518 : memref<!tpu.dma_semaphore, #tpu.memory_space<semaphore_mem>>)
      } else {
      }
      %add3A_330 = arith.addi %mul3A_2, %add3A_283 : i32
      %dma_start3A_331 = arith.constant 1 : i32
      %dma_start3A_332 = arith.constant 1 : i32
      %dma_start3A_333 = arith.constant 0 : i32
      %dma_start3A_334 = arith.constant 0 : i32
      %dma_start3A_335 = tpu.memref_slice %arg7[%dma_start3A_331, %dma_start3A_333, %dma_start3A_334] : memref<4x200x64xf32, #tpu.memory_space<vmem>> -> memref<1x200x64xf32, #tpu.memory_space<vmem>>
      %dma_start3A_336 = tpu.memref_squeeze %dma_start3A_335 : memref<1x200x64xf32, #tpu.memory_space<vmem>> -> memref<200x64xf32, #tpu.memory_space<vmem>>
      %dma_start3A_337 = arith.constant 0 : i32
      %dma_start3A_338 = arith.constant 0 : i32
      %dma_start3A_339 = tpu.memref_slice %arg4[%add3A_330, %dma_start3A_337, %dma_start3A_338] : memref<4096x200x64xf32, #tpu.memory_space<hbm>> -> memref<1x200x64xf32, #tpu.memory_space<hbm>>
      %dma_start3A_340 = tpu.memref_squeeze %dma_start3A_339 : memref<1x200x64xf32, #tpu.memory_space<hbm>> -> memref<200x64xf32, #tpu.memory_space<hbm>>
      %dma_start3A_341 = tpu.memref_slice %arg9[%dma_start3A_332] : memref<4x!tpu.dma_semaphore, #tpu.memory_space<semaphore_mem>> -> memref<1x!tpu.dma_semaphore, #tpu.memory_space<semaphore_mem>>
      %dma_start3A_342 = tpu.memref_squeeze %dma_start3A_341 : memref<1x!tpu.dma_semaphore, #tpu.memory_space<semaphore_mem>> -> memref<!tpu.dma_semaphore, #tpu.memory_space<semaphore_mem>>
      %dma_start3A_343 = arith.constant 0 : i32
      %dma_start3A_344 = arith.constant 0 : i32
      %dma_start3A_345 = tpu.memref_slice %arg4[%add3A_330, %dma_start3A_343, %dma_start3A_344] : memref<4096x200x64xf32, #tpu.memory_space<hbm>> -> memref<1x200x64xf32, #tpu.memory_space<hbm>>
      %dma_start3A_346 = tpu.memref_squeeze %dma_start3A_345 : memref<1x200x64xf32, #tpu.memory_space<hbm>> -> memref<200x64xf32, #tpu.memory_space<hbm>>
      %dma_start3A_347 = arith.constant 0 : i32
      %dma_start3A_348 = arith.constant 0 : i32
      %dma_start3A_349 = tpu.memref_slice %arg7[%dma_start3A_331, %dma_start3A_347, %dma_start3A_348] : memref<4x200x64xf32, #tpu.memory_space<vmem>> -> memref<1x200x64xf32, #tpu.memory_space<vmem>>
      %dma_start3A_350 = tpu.memref_squeeze %dma_start3A_349 : memref<1x200x64xf32, #tpu.memory_space<vmem>> -> memref<200x64xf32, #tpu.memory_space<vmem>>
      tpu.enqueue_dma source(%dma_start3A_350 : memref<200x64xf32, #tpu.memory_space<vmem>>) target(%dma_start3A_346 : memref<200x64xf32, #tpu.memory_space<hbm>>) target_semaphore(%dma_start3A_342 : memref<!tpu.dma_semaphore, #tpu.memory_space<semaphore_mem>>)
      %add3A_351 = arith.constant 2 : i32
      %add3A_352 = arith.addi %mul3A_216, %add3A_351 : i32
      %dma_wait3A_353 = arith.constant 2 : i32
      %dma_wait3A_354 = arith.constant 2 : i32
      %dma_wait3A_355 = arith.constant 0 : i32
      %dma_wait3A_356 = arith.constant 0 : i32
      %dma_wait3A_357 = tpu.memref_slice %arg6[%dma_wait3A_353, %dma_wait3A_355, %dma_wait3A_356] : memref<4x200x64xf32, #tpu.memory_space<vmem>> -> memref<1x104x64xf32, #tpu.memory_space<vmem>>
      %dma_wait3A_358 = tpu.memref_squeeze %dma_wait3A_357 : memref<1x104x64xf32, #tpu.memory_space<vmem>> -> memref<104x64xf32, #tpu.memory_space<vmem>>
      %dma_wait3A_359 = arith.constant 0 : i32
      %dma_wait3A_360 = tpu.memref_slice %arg5[%add3A_352, %dma_wait3A_359] : memref<128x200xi32, #tpu.memory_space<vmem>> -> memref<1x104xi32, #tpu.memory_space<vmem>>
      %dma_wait3A_361 = tpu.memref_squeeze %dma_wait3A_360 : memref<1x104xi32, #tpu.memory_space<vmem>> -> memref<104xi32, #tpu.memory_space<vmem>>
      %dma_wait3A_362 = arith.constant 0 : i32
      %dma_wait3A_363 = arith.constant 0 : i32
      %dma_wait3A_364 = tpu.memref_slice %arg3[%dma_wait3A_362, %dma_wait3A_363] : memref<1000000x64xf32, #tpu.memory_space<hbm>> -> memref<1000000x64xf32, #tpu.memory_space<hbm>>
      %dma_wait3A_365 = tpu.memref_slice %arg8[%dma_wait3A_354] : memref<4x!tpu.dma_semaphore, #tpu.memory_space<semaphore_mem>> -> memref<1x!tpu.dma_semaphore, #tpu.memory_space<semaphore_mem>>
      %dma_wait3A_366 = tpu.memref_squeeze %dma_wait3A_365 : memref<1x!tpu.dma_semaphore, #tpu.memory_space<semaphore_mem>> -> memref<!tpu.dma_semaphore, #tpu.memory_space<semaphore_mem>>
      tpu.wait_indirect_dma semaphore(%dma_wait3A_366 : memref<!tpu.dma_semaphore, #tpu.memory_space<semaphore_mem>>) src(%dma_wait3A_364 : memref<1000000x64xf32, #tpu.memory_space<hbm>>) dst(%dma_wait3A_358 : memref<104x64xf32, #tpu.memory_space<vmem>>)
      %dma_wait3A_367 = arith.constant 2 : i32
      %dma_wait3A_368 = arith.constant 2 : i32
      %dma_wait3A_369 = arith.constant 104 : i32
      %dma_wait3A_370 = arith.constant 0 : i32
      %dma_wait3A_371 = tpu.memref_slice %arg6[%dma_wait3A_367, %dma_wait3A_369, %dma_wait3A_370] : memref<4x200x64xf32, #tpu.memory_space<vmem>> -> memref<1x96x64xf32, #tpu.memory_space<vmem>>
      %dma_wait3A_372 = tpu.memref_squeeze %dma_wait3A_371 : memref<1x96x64xf32, #tpu.memory_space<vmem>> -> memref<96x64xf32, #tpu.memory_space<vmem>>
      %dma_wait3A_373 = arith.constant 104 : i32
      %dma_wait3A_374 = tpu.memref_slice %arg5[%add3A_352, %dma_wait3A_373] : memref<128x200xi32, #tpu.memory_space<vmem>> -> memref<1x96xi32, #tpu.memory_space<vmem>>
      %dma_wait3A_375 = tpu.memref_squeeze %dma_wait3A_374 : memref<1x96xi32, #tpu.memory_space<vmem>> -> memref<96xi32, #tpu.memory_space<vmem>>
      %dma_wait3A_376 = arith.constant 0 : i32
      %dma_wait3A_377 = arith.constant 0 : i32
      %dma_wait3A_378 = tpu.memref_slice %arg3[%dma_wait3A_376, %dma_wait3A_377] : memref<1000000x64xf32, #tpu.memory_space<hbm>> -> memref<1000000x64xf32, #tpu.memory_space<hbm>>
      %dma_wait3A_379 = tpu.memref_slice %arg8[%dma_wait3A_368] : memref<4x!tpu.dma_semaphore, #tpu.memory_space<semaphore_mem>> -> memref<1x!tpu.dma_semaphore, #tpu.memory_space<semaphore_mem>>
      %dma_wait3A_380 = tpu.memref_squeeze %dma_wait3A_379 : memref<1x!tpu.dma_semaphore, #tpu.memory_space<semaphore_mem>> -> memref<!tpu.dma_semaphore, #tpu.memory_space<semaphore_mem>>
      tpu.wait_indirect_dma semaphore(%dma_wait3A_380 : memref<!tpu.dma_semaphore, #tpu.memory_space<semaphore_mem>>) src(%dma_wait3A_378 : memref<1000000x64xf32, #tpu.memory_space<hbm>>) dst(%dma_wait3A_372 : memref<96x64xf32, #tpu.memory_space<vmem>>)
      %ge3A_381 = arith.constant 4 : i32
      %ge3A_382 = arith.cmpi sge, %add3A_352, %ge3A_381 : i32
      %convert_element_type3A_383 = arith.extui %ge3A_382 : i1 to i32
      %cond3A_384 = arith.constant 0 : i32
      %cond3A_385 = arith.cmpi ne, %convert_element_type3A_383, %cond3A_384 : i32
      scf.if %cond3A_385 {
        %add3A_489 = arith.addi %mul3A_2, %add3A_352 : i32
        %sub3A = arith.constant 4 : i32
        %sub3A_490 = arith.subi %add3A_489, %sub3A : i32
        %dma_wait3A_491 = arith.constant 2 : i32
        %dma_wait3A_492 = arith.constant 2 : i32
        %dma_wait3A_493 = arith.constant 0 : i32
        %dma_wait3A_494 = arith.constant 0 : i32
        %dma_wait3A_495 = tpu.memref_slice %arg7[%dma_wait3A_491, %dma_wait3A_493, %dma_wait3A_494] : memref<4x200x64xf32, #tpu.memory_space<vmem>> -> memref<1x200x64xf32, #tpu.memory_space<vmem>>
        %dma_wait3A_496 = tpu.memref_squeeze %dma_wait3A_495 : memref<1x200x64xf32, #tpu.memory_space<vmem>> -> memref<200x64xf32, #tpu.memory_space<vmem>>
        %dma_wait3A_497 = arith.constant 0 : i32
        %dma_wait3A_498 = arith.constant 0 : i32
        %dma_wait3A_499 = tpu.memref_slice %arg4[%sub3A_490, %dma_wait3A_497, %dma_wait3A_498] : memref<4096x200x64xf32, #tpu.memory_space<hbm>> -> memref<1x200x64xf32, #tpu.memory_space<hbm>>
        %dma_wait3A_500 = tpu.memref_squeeze %dma_wait3A_499 : memref<1x200x64xf32, #tpu.memory_space<hbm>> -> memref<200x64xf32, #tpu.memory_space<hbm>>
        %dma_wait3A_501 = tpu.memref_slice %arg9[%dma_wait3A_492] : memref<4x!tpu.dma_semaphore, #tpu.memory_space<semaphore_mem>> -> memref<1x!tpu.dma_semaphore, #tpu.memory_space<semaphore_mem>>
        %dma_wait3A_502 = tpu.memref_squeeze %dma_wait3A_501 : memref<1x!tpu.dma_semaphore, #tpu.memory_space<semaphore_mem>> -> memref<!tpu.dma_semaphore, #tpu.memory_space<semaphore_mem>>
        %dma_wait3A_503 = arith.constant 0 : i32
        %dma_wait3A_504 = arith.constant 0 : i32
        %dma_wait3A_505 = tpu.memref_slice %arg4[%sub3A_490, %dma_wait3A_503, %dma_wait3A_504] : memref<4096x200x64xf32, #tpu.memory_space<hbm>> -> memref<1x200x64xf32, #tpu.memory_space<hbm>>
        %dma_wait3A_506 = tpu.memref_squeeze %dma_wait3A_505 : memref<1x200x64xf32, #tpu.memory_space<hbm>> -> memref<200x64xf32, #tpu.memory_space<hbm>>
        %dma_wait3A_507 = arith.constant 0 : i32
        %dma_wait3A_508 = arith.constant 0 : i32
        %dma_wait3A_509 = tpu.memref_slice %arg7[%dma_wait3A_491, %dma_wait3A_507, %dma_wait3A_508] : memref<4x200x64xf32, #tpu.memory_space<vmem>> -> memref<1x200x64xf32, #tpu.memory_space<vmem>>
        %dma_wait3A_510 = tpu.memref_squeeze %dma_wait3A_509 : memref<1x200x64xf32, #tpu.memory_space<vmem>> -> memref<200x64xf32, #tpu.memory_space<vmem>>
        tpu.wait_dma2 semaphore(%dma_wait3A_502 : memref<!tpu.dma_semaphore, #tpu.memory_space<semaphore_mem>>) src(%dma_wait3A_510 : memref<200x64xf32, #tpu.memory_space<vmem>>) dst(%dma_wait3A_506 : memref<200x64xf32, #tpu.memory_space<hbm>>)
      } else {
      }
      %scan3A_386 = arith.constant 0 : i32
      %scan3A_387 = arith.constant 0 : i32
      %scan3A_388 = arith.constant 50 : i32
      %scan3A_389 = arith.addi %scan3A_387, %scan3A_388 : i32
      %scan3A_390 = arith.constant 1 : i32
      scf.for %scan3A_489 = %scan3A_387 to %scan3A_389 step %scan3A_390  : i32 {
        %mul3A_490 = arith.constant 4 : i32
        %mul3A_491 = arith.muli %scan3A_489, %mul3A_490 : i32
        %add3A_492 = arith.constant 0 : i32
        %add3A_493 = arith.addi %mul3A_491, %add3A_492 : i32
        %get3A = arith.constant 2 : i32
        %get3A_494 = arith.index_cast %get3A : i32 to index
        %get3A_495 = arith.index_cast %add3A_493 : i32 to index
        %get3A_496 = arith.constant 0 : index
        %get3A_497 = tpu.vector_load %arg6[%get3A_494, %get3A_495, %get3A_496] {strides = array<i32>} : memref<4x200x64xf32, #tpu.memory_space<vmem>>, vector<1x1x16xf32>,
        %get3A_498 = vector.shape_cast %get3A_497 : vector<1x1x16xf32> to vector<16xf32>
        %mul3A_499 = arith.constant 8.000000e+00 : f32
        %mul3A_500 = vector.broadcast %mul3A_499 : f32 to vector<16xf32>
        %mul3A_501 = arith.mulf %get3A_498, %mul3A_500 : vector<16xf32>
        %add3A_502 = arith.constant 0 : i32
        %add3A_503 = arith.addi %mul3A_491, %add3A_502 : i32
        %swap3A = arith.constant 2 : i32
        %swap3A_504 = arith.index_cast %swap3A : i32 to index
        %swap3A_505 = arith.index_cast %add3A_503 : i32 to index
        %swap3A_506 = arith.constant 0 : index
        %swap3A_507 = tpu.vector_load %arg7[%swap3A_504, %swap3A_505, %swap3A_506] {strides = array<i32>} : memref<4x200x64xf32, #tpu.memory_space<vmem>>, vector<1x1x16xf32>,
        %swap3A_508 = vector.shape_cast %swap3A_507 : vector<1x1x16xf32> to vector<16xf32>
        %swap3A_509 = vector.shape_cast %mul3A_501 : vector<16xf32> to vector<1x1x16xf32>
        tpu.vector_store %arg7[%swap3A_504, %swap3A_505, %swap3A_506], %swap3A_509 {strides = array<i32>} : memref<4x200x64xf32, #tpu.memory_space<vmem>>, vector<1x1x16xf32>,
        %add3A_510 = arith.constant 0 : i32
        %add3A_511 = arith.addi %mul3A_491, %add3A_510 : i32
        %get3A_512 = arith.constant 2 : i32
        %get3A_513 = arith.index_cast %get3A_512 : i32 to index
        %get3A_514 = arith.index_cast %add3A_511 : i32 to index
        %get3A_515 = arith.constant 16 : index
        %get3A_516 = tpu.vector_load %arg6[%get3A_513, %get3A_514, %get3A_515] {strides = array<i32>} : memref<4x200x64xf32, #tpu.memory_space<vmem>>, vector<1x1x16xf32>,
        %get3A_517 = vector.shape_cast %get3A_516 : vector<1x1x16xf32> to vector<16xf32>
        %mul3A_518 = arith.constant 8.000000e+00 : f32
        %mul3A_519 = vector.broadcast %mul3A_518 : f32 to vector<16xf32>
        %mul3A_520 = arith.mulf %get3A_517, %mul3A_519 : vector<16xf32>
        %add3A_521 = arith.constant 0 : i32
        %add3A_522 = arith.addi %mul3A_491, %add3A_521 : i32
        %swap3A_523 = arith.constant 2 : i32
        %swap3A_524 = arith.index_cast %swap3A_523 : i32 to index
        %swap3A_525 = arith.index_cast %add3A_522 : i32 to index
        %swap3A_526 = arith.constant 16 : index
        %swap3A_527 = tpu.vector_load %arg7[%swap3A_524, %swap3A_525, %swap3A_526] {strides = array<i32>} : memref<4x200x64xf32, #tpu.memory_space<vmem>>, vector<1x1x16xf32>,
        %swap3A_528 = vector.shape_cast %swap3A_527 : vector<1x1x16xf32> to vector<16xf32>
        %swap3A_529 = vector.shape_cast %mul3A_520 : vector<16xf32> to vector<1x1x16xf32>
        tpu.vector_store %arg7[%swap3A_524, %swap3A_525, %swap3A_526], %swap3A_529 {strides = array<i32>} : memref<4x200x64xf32, #tpu.memory_space<vmem>>, vector<1x1x16xf32>,
        %add3A_530 = arith.constant 0 : i32
        %add3A_531 = arith.addi %mul3A_491, %add3A_530 : i32
        %get3A_532 = arith.constant 2 : i32
        %get3A_533 = arith.index_cast %get3A_532 : i32 to index
        %get3A_534 = arith.index_cast %add3A_531 : i32 to index
        %get3A_535 = arith.constant 32 : index
        %get3A_536 = tpu.vector_load %arg6[%get3A_533, %get3A_534, %get3A_535] {strides = array<i32>} : memref<4x200x64xf32, #tpu.memory_space<vmem>>, vector<1x1x16xf32>,
        %get3A_537 = vector.shape_cast %get3A_536 : vector<1x1x16xf32> to vector<16xf32>
        %mul3A_538 = arith.constant 8.000000e+00 : f32
        %mul3A_539 = vector.broadcast %mul3A_538 : f32 to vector<16xf32>
        %mul3A_540 = arith.mulf %get3A_537, %mul3A_539 : vector<16xf32>
        %add3A_541 = arith.constant 0 : i32
        %add3A_542 = arith.addi %mul3A_491, %add3A_541 : i32
        %swap3A_543 = arith.constant 2 : i32
        %swap3A_544 = arith.index_cast %swap3A_543 : i32 to index
        %swap3A_545 = arith.index_cast %add3A_542 : i32 to index
        %swap3A_546 = arith.constant 32 : index
        %swap3A_547 = tpu.vector_load %arg7[%swap3A_544, %swap3A_545, %swap3A_546] {strides = array<i32>} : memref<4x200x64xf32, #tpu.memory_space<vmem>>, vector<1x1x16xf32>,
        %swap3A_548 = vector.shape_cast %swap3A_547 : vector<1x1x16xf32> to vector<16xf32>
        %swap3A_549 = vector.shape_cast %mul3A_540 : vector<16xf32> to vector<1x1x16xf32>
        tpu.vector_store %arg7[%swap3A_544, %swap3A_545, %swap3A_546], %swap3A_549 {strides = array<i32>} : memref<4x200x64xf32, #tpu.memory_space<vmem>>, vector<1x1x16xf32>,
        %add3A_550 = arith.constant 0 : i32
        %add3A_551 = arith.addi %mul3A_491, %add3A_550 : i32
        %get3A_552 = arith.constant 2 : i32
        %get3A_553 = arith.index_cast %get3A_552 : i32 to index
        %get3A_554 = arith.index_cast %add3A_551 : i32 to index
        %get3A_555 = arith.constant 48 : index
        %get3A_556 = tpu.vector_load %arg6[%get3A_553, %get3A_554, %get3A_555] {strides = array<i32>} : memref<4x200x64xf32, #tpu.memory_space<vmem>>, vector<1x1x16xf32>,
        %get3A_557 = vector.shape_cast %get3A_556 : vector<1x1x16xf32> to vector<16xf32>
        %mul3A_558 = arith.constant 8.000000e+00 : f32
        %mul3A_559 = vector.broadcast %mul3A_558 : f32 to vector<16xf32>
        %mul3A_560 = arith.mulf %get3A_557, %mul3A_559 : vector<16xf32>
        %add3A_561 = arith.constant 0 : i32
        %add3A_562 = arith.addi %mul3A_491, %add3A_561 : i32
        %swap3A_563 = arith.constant 2 : i32
        %swap3A_564 = arith.index_cast %swap3A_563 : i32 to index
        %swap3A_565 = arith.index_cast %add3A_562 : i32 to index
        %swap3A_566 = arith.constant 48 : index
        %swap3A_567 = tpu.vector_load %arg7[%swap3A_564, %swap3A_565, %swap3A_566] {strides = array<i32>} : memref<4x200x64xf32, #tpu.memory_space<vmem>>, vector<1x1x16xf32>,
        %swap3A_568 = vector.shape_cast %swap3A_567 : vector<1x1x16xf32> to vector<16xf32>
        %swap3A_569 = vector.shape_cast %mul3A_560 : vector<16xf32> to vector<1x1x16xf32>
        tpu.vector_store %arg7[%swap3A_564, %swap3A_565, %swap3A_566], %swap3A_569 {strides = array<i32>} : memref<4x200x64xf32, #tpu.memory_space<vmem>>, vector<1x1x16xf32>,
        %add3A_570 = arith.constant 1 : i32
        %add3A_571 = arith.addi %mul3A_491, %add3A_570 : i32
        %get3A_572 = arith.constant 2 : i32
        %get3A_573 = arith.index_cast %get3A_572 : i32 to index
        %get3A_574 = arith.index_cast %add3A_571 : i32 to index
        %get3A_575 = arith.constant 0 : index
        %get3A_576 = tpu.vector_load %arg6[%get3A_573, %get3A_574, %get3A_575] {strides = array<i32>} : memref<4x200x64xf32, #tpu.memory_space<vmem>>, vector<1x1x16xf32>,
        %get3A_577 = vector.shape_cast %get3A_576 : vector<1x1x16xf32> to vector<16xf32>
        %mul3A_578 = arith.constant 8.000000e+00 : f32
        %mul3A_579 = vector.broadcast %mul3A_578 : f32 to vector<16xf32>
        %mul3A_580 = arith.mulf %get3A_577, %mul3A_579 : vector<16xf32>
        %add3A_581 = arith.constant 1 : i32
        %add3A_582 = arith.addi %mul3A_491, %add3A_581 : i32
        %swap3A_583 = arith.constant 2 : i32
        %swap3A_584 = arith.index_cast %swap3A_583 : i32 to index
        %swap3A_585 = arith.index_cast %add3A_582 : i32 to index
        %swap3A_586 = arith.constant 0 : index
        %swap3A_587 = tpu.vector_load %arg7[%swap3A_584, %swap3A_585, %swap3A_586] {strides = array<i32>} : memref<4x200x64xf32, #tpu.memory_space<vmem>>, vector<1x1x16xf32>,
        %swap3A_588 = vector.shape_cast %swap3A_587 : vector<1x1x16xf32> to vector<16xf32>
        %swap3A_589 = vector.shape_cast %mul3A_580 : vector<16xf32> to vector<1x1x16xf32>
        tpu.vector_store %arg7[%swap3A_584, %swap3A_585, %swap3A_586], %swap3A_589 {strides = array<i32>} : memref<4x200x64xf32, #tpu.memory_space<vmem>>, vector<1x1x16xf32>,
        %add3A_590 = arith.constant 1 : i32
        %add3A_591 = arith.addi %mul3A_491, %add3A_590 : i32
        %get3A_592 = arith.constant 2 : i32
        %get3A_593 = arith.index_cast %get3A_592 : i32 to index
        %get3A_594 = arith.index_cast %add3A_591 : i32 to index
        %get3A_595 = arith.constant 16 : index
        %get3A_596 = tpu.vector_load %arg6[%get3A_593, %get3A_594, %get3A_595] {strides = array<i32>} : memref<4x200x64xf32, #tpu.memory_space<vmem>>, vector<1x1x16xf32>,
        %get3A_597 = vector.shape_cast %get3A_596 : vector<1x1x16xf32> to vector<16xf32>
        %mul3A_598 = arith.constant 8.000000e+00 : f32
        %mul3A_599 = vector.broadcast %mul3A_598 : f32 to vector<16xf32>
        %mul3A_600 = arith.mulf %get3A_597, %mul3A_599 : vector<16xf32>
        %add3A_601 = arith.constant 1 : i32
        %add3A_602 = arith.addi %mul3A_491, %add3A_601 : i32
        %swap3A_603 = arith.constant 2 : i32
        %swap3A_604 = arith.index_cast %swap3A_603 : i32 to index
        %swap3A_605 = arith.index_cast %add3A_602 : i32 to index
        %swap3A_606 = arith.constant 16 : index
        %swap3A_607 = tpu.vector_load %arg7[%swap3A_604, %swap3A_605, %swap3A_606] {strides = array<i32>} : memref<4x200x64xf32, #tpu.memory_space<vmem>>, vector<1x1x16xf32>,
        %swap3A_608 = vector.shape_cast %swap3A_607 : vector<1x1x16xf32> to vector<16xf32>
        %swap3A_609 = vector.shape_cast %mul3A_600 : vector<16xf32> to vector<1x1x16xf32>
        tpu.vector_store %arg7[%swap3A_604, %swap3A_605, %swap3A_606], %swap3A_609 {strides = array<i32>} : memref<4x200x64xf32, #tpu.memory_space<vmem>>, vector<1x1x16xf32>,
        %add3A_610 = arith.constant 1 : i32
        %add3A_611 = arith.addi %mul3A_491, %add3A_610 : i32
        %get3A_612 = arith.constant 2 : i32
        %get3A_613 = arith.index_cast %get3A_612 : i32 to index
        %get3A_614 = arith.index_cast %add3A_611 : i32 to index
        %get3A_615 = arith.constant 32 : index
        %get3A_616 = tpu.vector_load %arg6[%get3A_613, %get3A_614, %get3A_615] {strides = array<i32>} : memref<4x200x64xf32, #tpu.memory_space<vmem>>, vector<1x1x16xf32>,
        %get3A_617 = vector.shape_cast %get3A_616 : vector<1x1x16xf32> to vector<16xf32>
        %mul3A_618 = arith.constant 8.000000e+00 : f32
        %mul3A_619 = vector.broadcast %mul3A_618 : f32 to vector<16xf32>
        %mul3A_620 = arith.mulf %get3A_617, %mul3A_619 : vector<16xf32>
        %add3A_621 = arith.constant 1 : i32
        %add3A_622 = arith.addi %mul3A_491, %add3A_621 : i32
        %swap3A_623 = arith.constant 2 : i32
        %swap3A_624 = arith.index_cast %swap3A_623 : i32 to index
        %swap3A_625 = arith.index_cast %add3A_622 : i32 to index
        %swap3A_626 = arith.constant 32 : index
        %swap3A_627 = tpu.vector_load %arg7[%swap3A_624, %swap3A_625, %swap3A_626] {strides = array<i32>} : memref<4x200x64xf32, #tpu.memory_space<vmem>>, vector<1x1x16xf32>,
        %swap3A_628 = vector.shape_cast %swap3A_627 : vector<1x1x16xf32> to vector<16xf32>
        %swap3A_629 = vector.shape_cast %mul3A_620 : vector<16xf32> to vector<1x1x16xf32>
        tpu.vector_store %arg7[%swap3A_624, %swap3A_625, %swap3A_626], %swap3A_629 {strides = array<i32>} : memref<4x200x64xf32, #tpu.memory_space<vmem>>, vector<1x1x16xf32>,
        %add3A_630 = arith.constant 1 : i32
        %add3A_631 = arith.addi %mul3A_491, %add3A_630 : i32
        %get3A_632 = arith.constant 2 : i32
        %get3A_633 = arith.index_cast %get3A_632 : i32 to index
        %get3A_634 = arith.index_cast %add3A_631 : i32 to index
        %get3A_635 = arith.constant 48 : index
        %get3A_636 = tpu.vector_load %arg6[%get3A_633, %get3A_634, %get3A_635] {strides = array<i32>} : memref<4x200x64xf32, #tpu.memory_space<vmem>>, vector<1x1x16xf32>,
        %get3A_637 = vector.shape_cast %get3A_636 : vector<1x1x16xf32> to vector<16xf32>
        %mul3A_638 = arith.constant 8.000000e+00 : f32
        %mul3A_639 = vector.broadcast %mul3A_638 : f32 to vector<16xf32>
        %mul3A_640 = arith.mulf %get3A_637, %mul3A_639 : vector<16xf32>
        %add3A_641 = arith.constant 1 : i32
        %add3A_642 = arith.addi %mul3A_491, %add3A_641 : i32
        %swap3A_643 = arith.constant 2 : i32
        %swap3A_644 = arith.index_cast %swap3A_643 : i32 to index
        %swap3A_645 = arith.index_cast %add3A_642 : i32 to index
        %swap3A_646 = arith.constant 48 : index
        %swap3A_647 = tpu.vector_load %arg7[%swap3A_644, %swap3A_645, %swap3A_646] {strides = array<i32>} : memref<4x200x64xf32, #tpu.memory_space<vmem>>, vector<1x1x16xf32>,
        %swap3A_648 = vector.shape_cast %swap3A_647 : vector<1x1x16xf32> to vector<16xf32>
        %swap3A_649 = vector.shape_cast %mul3A_640 : vector<16xf32> to vector<1x1x16xf32>
        tpu.vector_store %arg7[%swap3A_644, %swap3A_645, %swap3A_646], %swap3A_649 {strides = array<i32>} : memref<4x200x64xf32, #tpu.memory_space<vmem>>, vector<1x1x16xf32>,
        %add3A_650 = arith.constant 2 : i32
        %add3A_651 = arith.addi %mul3A_491, %add3A_650 : i32
        %get3A_652 = arith.constant 2 : i32
        %get3A_653 = arith.index_cast %get3A_652 : i32 to index
        %get3A_654 = arith.index_cast %add3A_651 : i32 to index
        %get3A_655 = arith.constant 0 : index
        %get3A_656 = tpu.vector_load %arg6[%get3A_653, %get3A_654, %get3A_655] {strides = array<i32>} : memref<4x200x64xf32, #tpu.memory_space<vmem>>, vector<1x1x16xf32>,
        %get3A_657 = vector.shape_cast %get3A_656 : vector<1x1x16xf32> to vector<16xf32>
        %mul3A_658 = arith.constant 8.000000e+00 : f32
        %mul3A_659 = vector.broadcast %mul3A_658 : f32 to vector<16xf32>
        %mul3A_660 = arith.mulf %get3A_657, %mul3A_659 : vector<16xf32>
        %add3A_661 = arith.constant 2 : i32
        %add3A_662 = arith.addi %mul3A_491, %add3A_661 : i32
        %swap3A_663 = arith.constant 2 : i32
        %swap3A_664 = arith.index_cast %swap3A_663 : i32 to index
        %swap3A_665 = arith.index_cast %add3A_662 : i32 to index
        %swap3A_666 = arith.constant 0 : index
        %swap3A_667 = tpu.vector_load %arg7[%swap3A_664, %swap3A_665, %swap3A_666] {strides = array<i32>} : memref<4x200x64xf32, #tpu.memory_space<vmem>>, vector<1x1x16xf32>,
        %swap3A_668 = vector.shape_cast %swap3A_667 : vector<1x1x16xf32> to vector<16xf32>
        %swap3A_669 = vector.shape_cast %mul3A_660 : vector<16xf32> to vector<1x1x16xf32>
        tpu.vector_store %arg7[%swap3A_664, %swap3A_665, %swap3A_666], %swap3A_669 {strides = array<i32>} : memref<4x200x64xf32, #tpu.memory_space<vmem>>, vector<1x1x16xf32>,
        %add3A_670 = arith.constant 2 : i32
        %add3A_671 = arith.addi %mul3A_491, %add3A_670 : i32
        %get3A_672 = arith.constant 2 : i32
        %get3A_673 = arith.index_cast %get3A_672 : i32 to index
        %get3A_674 = arith.index_cast %add3A_671 : i32 to index
        %get3A_675 = arith.constant 16 : index
        %get3A_676 = tpu.vector_load %arg6[%get3A_673, %get3A_674, %get3A_675] {strides = array<i32>} : memref<4x200x64xf32, #tpu.memory_space<vmem>>, vector<1x1x16xf32>,
        %get3A_677 = vector.shape_cast %get3A_676 : vector<1x1x16xf32> to vector<16xf32>
        %mul3A_678 = arith.constant 8.000000e+00 : f32
        %mul3A_679 = vector.broadcast %mul3A_678 : f32 to vector<16xf32>
        %mul3A_680 = arith.mulf %get3A_677, %mul3A_679 : vector<16xf32>
        %add3A_681 = arith.constant 2 : i32
        %add3A_682 = arith.addi %mul3A_491, %add3A_681 : i32
        %swap3A_683 = arith.constant 2 : i32
        %swap3A_684 = arith.index_cast %swap3A_683 : i32 to index
        %swap3A_685 = arith.index_cast %add3A_682 : i32 to index
        %swap3A_686 = arith.constant 16 : index
        %swap3A_687 = tpu.vector_load %arg7[%swap3A_684, %swap3A_685, %swap3A_686] {strides = array<i32>} : memref<4x200x64xf32, #tpu.memory_space<vmem>>, vector<1x1x16xf32>,
        %swap3A_688 = vector.shape_cast %swap3A_687 : vector<1x1x16xf32> to vector<16xf32>
        %swap3A_689 = vector.shape_cast %mul3A_680 : vector<16xf32> to vector<1x1x16xf32>
        tpu.vector_store %arg7[%swap3A_684, %swap3A_685, %swap3A_686], %swap3A_689 {strides = array<i32>} : memref<4x200x64xf32, #tpu.memory_space<vmem>>, vector<1x1x16xf32>,
        %add3A_690 = arith.constant 2 : i32
        %add3A_691 = arith.addi %mul3A_491, %add3A_690 : i32
        %get3A_692 = arith.constant 2 : i32
        %get3A_693 = arith.index_cast %get3A_692 : i32 to index
        %get3A_694 = arith.index_cast %add3A_691 : i32 to index
        %get3A_695 = arith.constant 32 : index
        %get3A_696 = tpu.vector_load %arg6[%get3A_693, %get3A_694, %get3A_695] {strides = array<i32>} : memref<4x200x64xf32, #tpu.memory_space<vmem>>, vector<1x1x16xf32>,
        %get3A_697 = vector.shape_cast %get3A_696 : vector<1x1x16xf32> to vector<16xf32>
        %mul3A_698 = arith.constant 8.000000e+00 : f32
        %mul3A_699 = vector.broadcast %mul3A_698 : f32 to vector<16xf32>
        %mul3A_700 = arith.mulf %get3A_697, %mul3A_699 : vector<16xf32>
        %add3A_701 = arith.constant 2 : i32
        %add3A_702 = arith.addi %mul3A_491, %add3A_701 : i32
        %swap3A_703 = arith.constant 2 : i32
        %swap3A_704 = arith.index_cast %swap3A_703 : i32 to index
        %swap3A_705 = arith.index_cast %add3A_702 : i32 to index
        %swap3A_706 = arith.constant 32 : index
        %swap3A_707 = tpu.vector_load %arg7[%swap3A_704, %swap3A_705, %swap3A_706] {strides = array<i32>} : memref<4x200x64xf32, #tpu.memory_space<vmem>>, vector<1x1x16xf32>,
        %swap3A_708 = vector.shape_cast %swap3A_707 : vector<1x1x16xf32> to vector<16xf32>
        %swap3A_709 = vector.shape_cast %mul3A_700 : vector<16xf32> to vector<1x1x16xf32>
        tpu.vector_store %arg7[%swap3A_704, %swap3A_705, %swap3A_706], %swap3A_709 {strides = array<i32>} : memref<4x200x64xf32, #tpu.memory_space<vmem>>, vector<1x1x16xf32>,
        %add3A_710 = arith.constant 2 : i32
        %add3A_711 = arith.addi %mul3A_491, %add3A_710 : i32
        %get3A_712 = arith.constant 2 : i32
        %get3A_713 = arith.index_cast %get3A_712 : i32 to index
        %get3A_714 = arith.index_cast %add3A_711 : i32 to index
        %get3A_715 = arith.constant 48 : index
        %get3A_716 = tpu.vector_load %arg6[%get3A_713, %get3A_714, %get3A_715] {strides = array<i32>} : memref<4x200x64xf32, #tpu.memory_space<vmem>>, vector<1x1x16xf32>,
        %get3A_717 = vector.shape_cast %get3A_716 : vector<1x1x16xf32> to vector<16xf32>
        %mul3A_718 = arith.constant 8.000000e+00 : f32
        %mul3A_719 = vector.broadcast %mul3A_718 : f32 to vector<16xf32>
        %mul3A_720 = arith.mulf %get3A_717, %mul3A_719 : vector<16xf32>
        %add3A_721 = arith.constant 2 : i32
        %add3A_722 = arith.addi %mul3A_491, %add3A_721 : i32
        %swap3A_723 = arith.constant 2 : i32
        %swap3A_724 = arith.index_cast %swap3A_723 : i32 to index
        %swap3A_725 = arith.index_cast %add3A_722 : i32 to index
        %swap3A_726 = arith.constant 48 : index
        %swap3A_727 = tpu.vector_load %arg7[%swap3A_724, %swap3A_725, %swap3A_726] {strides = array<i32>} : memref<4x200x64xf32, #tpu.memory_space<vmem>>, vector<1x1x16xf32>,
        %swap3A_728 = vector.shape_cast %swap3A_727 : vector<1x1x16xf32> to vector<16xf32>
        %swap3A_729 = vector.shape_cast %mul3A_720 : vector<16xf32> to vector<1x1x16xf32>
        tpu.vector_store %arg7[%swap3A_724, %swap3A_725, %swap3A_726], %swap3A_729 {strides = array<i32>} : memref<4x200x64xf32, #tpu.memory_space<vmem>>, vector<1x1x16xf32>,
        %add3A_730 = arith.constant 3 : i32
        %add3A_731 = arith.addi %mul3A_491, %add3A_730 : i32
        %get3A_732 = arith.constant 2 : i32
        %get3A_733 = arith.index_cast %get3A_732 : i32 to index
        %get3A_734 = arith.index_cast %add3A_731 : i32 to index
        %get3A_735 = arith.constant 0 : index
        %get3A_736 = tpu.vector_load %arg6[%get3A_733, %get3A_734, %get3A_735] {strides = array<i32>} : memref<4x200x64xf32, #tpu.memory_space<vmem>>, vector<1x1x16xf32>,
        %get3A_737 = vector.shape_cast %get3A_736 : vector<1x1x16xf32> to vector<16xf32>
        %mul3A_738 = arith.constant 8.000000e+00 : f32
        %mul3A_739 = vector.broadcast %mul3A_738 : f32 to vector<16xf32>
        %mul3A_740 = arith.mulf %get3A_737, %mul3A_739 : vector<16xf32>
        %add3A_741 = arith.constant 3 : i32
        %add3A_742 = arith.addi %mul3A_491, %add3A_741 : i32
        %swap3A_743 = arith.constant 2 : i32
        %swap3A_744 = arith.index_cast %swap3A_743 : i32 to index
        %swap3A_745 = arith.index_cast %add3A_742 : i32 to index
        %swap3A_746 = arith.constant 0 : index
        %swap3A_747 = tpu.vector_load %arg7[%swap3A_744, %swap3A_745, %swap3A_746] {strides = array<i32>} : memref<4x200x64xf32, #tpu.memory_space<vmem>>, vector<1x1x16xf32>,
        %swap3A_748 = vector.shape_cast %swap3A_747 : vector<1x1x16xf32> to vector<16xf32>
        %swap3A_749 = vector.shape_cast %mul3A_740 : vector<16xf32> to vector<1x1x16xf32>
        tpu.vector_store %arg7[%swap3A_744, %swap3A_745, %swap3A_746], %swap3A_749 {strides = array<i32>} : memref<4x200x64xf32, #tpu.memory_space<vmem>>, vector<1x1x16xf32>,
        %add3A_750 = arith.constant 3 : i32
        %add3A_751 = arith.addi %mul3A_491, %add3A_750 : i32
        %get3A_752 = arith.constant 2 : i32
        %get3A_753 = arith.index_cast %get3A_752 : i32 to index
        %get3A_754 = arith.index_cast %add3A_751 : i32 to index
        %get3A_755 = arith.constant 16 : index
        %get3A_756 = tpu.vector_load %arg6[%get3A_753, %get3A_754, %get3A_755] {strides = array<i32>} : memref<4x200x64xf32, #tpu.memory_space<vmem>>, vector<1x1x16xf32>,
        %get3A_757 = vector.shape_cast %get3A_756 : vector<1x1x16xf32> to vector<16xf32>
        %mul3A_758 = arith.constant 8.000000e+00 : f32
        %mul3A_759 = vector.broadcast %mul3A_758 : f32 to vector<16xf32>
        %mul3A_760 = arith.mulf %get3A_757, %mul3A_759 : vector<16xf32>
        %add3A_761 = arith.constant 3 : i32
        %add3A_762 = arith.addi %mul3A_491, %add3A_761 : i32
        %swap3A_763 = arith.constant 2 : i32
        %swap3A_764 = arith.index_cast %swap3A_763 : i32 to index
        %swap3A_765 = arith.index_cast %add3A_762 : i32 to index
        %swap3A_766 = arith.constant 16 : index
        %swap3A_767 = tpu.vector_load %arg7[%swap3A_764, %swap3A_765, %swap3A_766] {strides = array<i32>} : memref<4x200x64xf32, #tpu.memory_space<vmem>>, vector<1x1x16xf32>,
        %swap3A_768 = vector.shape_cast %swap3A_767 : vector<1x1x16xf32> to vector<16xf32>
        %swap3A_769 = vector.shape_cast %mul3A_760 : vector<16xf32> to vector<1x1x16xf32>
        tpu.vector_store %arg7[%swap3A_764, %swap3A_765, %swap3A_766], %swap3A_769 {strides = array<i32>} : memref<4x200x64xf32, #tpu.memory_space<vmem>>, vector<1x1x16xf32>,
        %add3A_770 = arith.constant 3 : i32
        %add3A_771 = arith.addi %mul3A_491, %add3A_770 : i32
        %get3A_772 = arith.constant 2 : i32
        %get3A_773 = arith.index_cast %get3A_772 : i32 to index
        %get3A_774 = arith.index_cast %add3A_771 : i32 to index
        %get3A_775 = arith.constant 32 : index
        %get3A_776 = tpu.vector_load %arg6[%get3A_773, %get3A_774, %get3A_775] {strides = array<i32>} : memref<4x200x64xf32, #tpu.memory_space<vmem>>, vector<1x1x16xf32>,
        %get3A_777 = vector.shape_cast %get3A_776 : vector<1x1x16xf32> to vector<16xf32>
        %mul3A_778 = arith.constant 8.000000e+00 : f32
        %mul3A_779 = vector.broadcast %mul3A_778 : f32 to vector<16xf32>
        %mul3A_780 = arith.mulf %get3A_777, %mul3A_779 : vector<16xf32>
        %add3A_781 = arith.constant 3 : i32
        %add3A_782 = arith.addi %mul3A_491, %add3A_781 : i32
        %swap3A_783 = arith.constant 2 : i32
        %swap3A_784 = arith.index_cast %swap3A_783 : i32 to index
        %swap3A_785 = arith.index_cast %add3A_782 : i32 to index
        %swap3A_786 = arith.constant 32 : index
        %swap3A_787 = tpu.vector_load %arg7[%swap3A_784, %swap3A_785, %swap3A_786] {strides = array<i32>} : memref<4x200x64xf32, #tpu.memory_space<vmem>>, vector<1x1x16xf32>,
        %swap3A_788 = vector.shape_cast %swap3A_787 : vector<1x1x16xf32> to vector<16xf32>
        %swap3A_789 = vector.shape_cast %mul3A_780 : vector<16xf32> to vector<1x1x16xf32>
        tpu.vector_store %arg7[%swap3A_784, %swap3A_785, %swap3A_786], %swap3A_789 {strides = array<i32>} : memref<4x200x64xf32, #tpu.memory_space<vmem>>, vector<1x1x16xf32>,
        %add3A_790 = arith.constant 3 : i32
        %add3A_791 = arith.addi %mul3A_491, %add3A_790 : i32
        %get3A_792 = arith.constant 2 : i32
        %get3A_793 = arith.index_cast %get3A_792 : i32 to index
        %get3A_794 = arith.index_cast %add3A_791 : i32 to index
        %get3A_795 = arith.constant 48 : index
        %get3A_796 = tpu.vector_load %arg6[%get3A_793, %get3A_794, %get3A_795] {strides = array<i32>} : memref<4x200x64xf32, #tpu.memory_space<vmem>>, vector<1x1x16xf32>,
        %get3A_797 = vector.shape_cast %get3A_796 : vector<1x1x16xf32> to vector<16xf32>
        %mul3A_798 = arith.constant 8.000000e+00 : f32
        %mul3A_799 = vector.broadcast %mul3A_798 : f32 to vector<16xf32>
        %mul3A_800 = arith.mulf %get3A_797, %mul3A_799 : vector<16xf32>
        %add3A_801 = arith.constant 3 : i32
        %add3A_802 = arith.addi %mul3A_491, %add3A_801 : i32
        %swap3A_803 = arith.constant 2 : i32
        %swap3A_804 = arith.index_cast %swap3A_803 : i32 to index
        %swap3A_805 = arith.index_cast %add3A_802 : i32 to index
        %swap3A_806 = arith.constant 48 : index
        %swap3A_807 = tpu.vector_load %arg7[%swap3A_804, %swap3A_805, %swap3A_806] {strides = array<i32>} : memref<4x200x64xf32, #tpu.memory_space<vmem>>, vector<1x1x16xf32>,
        %swap3A_808 = vector.shape_cast %swap3A_807 : vector<1x1x16xf32> to vector<16xf32>
        %swap3A_809 = vector.shape_cast %mul3A_800 : vector<16xf32> to vector<1x1x16xf32>
        tpu.vector_store %arg7[%swap3A_804, %swap3A_805, %swap3A_806], %swap3A_809 {strides = array<i32>} : memref<4x200x64xf32, #tpu.memory_space<vmem>>, vector<1x1x16xf32>,
      }
      %scan3A_391 = arith.constant 50 : i32
      %add3A_392 = arith.constant 4 : i32
      %add3A_393 = arith.addi %add3A_352, %add3A_392 : i32
      %lt3A_394 = arith.constant 128 : i32
      %lt3A_395 = arith.cmpi slt, %add3A_393, %lt3A_394 : i32
      %convert_element_type3A_396 = arith.extui %lt3A_395 : i1 to i32
      %cond3A_397 = arith.constant 0 : i32
      %cond3A_398 = arith.cmpi ne, %convert_element_type3A_396, %cond3A_397 : i32
      scf.if %cond3A_398 {
        %add3A_489 = arith.constant 4 : i32
        %add3A_490 = arith.addi %add3A_352, %add3A_489 : i32
        %dma_start3A_491 = arith.constant 2 : i32
        %dma_start3A_492 = arith.constant 2 : i32
        %dma_start3A_493 = arith.constant 0 : i32
        %dma_start3A_494 = arith.constant 0 : i32
        %dma_start3A_495 = tpu.memref_slice %arg6[%dma_start3A_491, %dma_start3A_493, %dma_start3A_494] : memref<4x200x64xf32, #tpu.memory_space<vmem>> -> memref<1x104x64xf32, #tpu.memory_space<vmem>>
        %dma_start3A_496 = tpu.memref_squeeze %dma_start3A_495 : memref<1x104x64xf32, #tpu.memory_space<vmem>> -> memref<104x64xf32, #tpu.memory_space<vmem>>
        %dma_start3A_497 = arith.constant 0 : i32
        %dma_start3A_498 = tpu.memref_slice %arg5[%add3A_490, %dma_start3A_497] : memref<128x200xi32, #tpu.memory_space<vmem>> -> memref<1x104xi32, #tpu.memory_space<vmem>>
        %dma_start3A_499 = tpu.memref_squeeze %dma_start3A_498 : memref<1x104xi32, #tpu.memory_space<vmem>> -> memref<104xi32, #tpu.memory_space<vmem>>
        %dma_start3A_500 = arith.constant 0 : i32
        %dma_start3A_501 = arith.constant 0 : i32
        %dma_start3A_502 = tpu.memref_slice %arg3[%dma_start3A_500, %dma_start3A_501] : memref<1000000x64xf32, #tpu.memory_space<hbm>> -> memref<1000000x64xf32, #tpu.memory_space<hbm>>
        %dma_start3A_503 = tpu.memref_slice %arg8[%dma_start3A_492] : memref<4x!tpu.dma_semaphore, #tpu.memory_space<semaphore_mem>> -> memref<1x!tpu.dma_semaphore, #tpu.memory_space<semaphore_mem>>
        %dma_start3A_504 = tpu.memref_squeeze %dma_start3A_503 : memref<1x!tpu.dma_semaphore, #tpu.memory_space<semaphore_mem>> -> memref<!tpu.dma_semaphore, #tpu.memory_space<semaphore_mem>>
        tpu.enqueue_indirect_dma source(%dma_start3A_502 : memref<1000000x64xf32, #tpu.memory_space<hbm>>) target(%dma_start3A_496 : memref<104x64xf32, #tpu.memory_space<vmem>>) offsets(%dma_start3A_499 : memref<104xi32, #tpu.memory_space<vmem>>) semaphore(%dma_start3A_504 : memref<!tpu.dma_semaphore, #tpu.memory_space<semaphore_mem>>)
        %dma_start3A_505 = arith.constant 2 : i32
        %dma_start3A_506 = arith.constant 2 : i32
        %dma_start3A_507 = arith.constant 104 : i32
        %dma_start3A_508 = arith.constant 0 : i32
        %dma_start3A_509 = tpu.memref_slice %arg6[%dma_start3A_505, %dma_start3A_507, %dma_start3A_508] : memref<4x200x64xf32, #tpu.memory_space<vmem>> -> memref<1x96x64xf32, #tpu.memory_space<vmem>>
        %dma_start3A_510 = tpu.memref_squeeze %dma_start3A_509 : memref<1x96x64xf32, #tpu.memory_space<vmem>> -> memref<96x64xf32, #tpu.memory_space<vmem>>
        %dma_start3A_511 = arith.constant 104 : i32
        %dma_start3A_512 = tpu.memref_slice %arg5[%add3A_490, %dma_start3A_511] : memref<128x200xi32, #tpu.memory_space<vmem>> -> memref<1x96xi32, #tpu.memory_space<vmem>>
        %dma_start3A_513 = tpu.memref_squeeze %dma_start3A_512 : memref<1x96xi32, #tpu.memory_space<vmem>> -> memref<96xi32, #tpu.memory_space<vmem>>
        %dma_start3A_514 = arith.constant 0 : i32
        %dma_start3A_515 = arith.constant 0 : i32
        %dma_start3A_516 = tpu.memref_slice %arg3[%dma_start3A_514, %dma_start3A_515] : memref<1000000x64xf32, #tpu.memory_space<hbm>> -> memref<1000000x64xf32, #tpu.memory_space<hbm>>
        %dma_start3A_517 = tpu.memref_slice %arg8[%dma_start3A_506] : memref<4x!tpu.dma_semaphore, #tpu.memory_space<semaphore_mem>> -> memref<1x!tpu.dma_semaphore, #tpu.memory_space<semaphore_mem>>
        %dma_start3A_518 = tpu.memref_squeeze %dma_start3A_517 : memref<1x!tpu.dma_semaphore, #tpu.memory_space<semaphore_mem>> -> memref<!tpu.dma_semaphore, #tpu.memory_space<semaphore_mem>>
        tpu.enqueue_indirect_dma source(%dma_start3A_516 : memref<1000000x64xf32, #tpu.memory_space<hbm>>) target(%dma_start3A_510 : memref<96x64xf32, #tpu.memory_space<vmem>>) offsets(%dma_start3A_513 : memref<96xi32, #tpu.memory_space<vmem>>) semaphore(%dma_start3A_518 : memref<!tpu.dma_semaphore, #tpu.memory_space<semaphore_mem>>)
      } else {
      }
      %add3A_399 = arith.addi %mul3A_2, %add3A_352 : i32
      %dma_start3A_400 = arith.constant 2 : i32
      %dma_start3A_401 = arith.constant 2 : i32
      %dma_start3A_402 = arith.constant 0 : i32
      %dma_start3A_403 = arith.constant 0 : i32
      %dma_start3A_404 = tpu.memref_slice %arg7[%dma_start3A_400, %dma_start3A_402, %dma_start3A_403] : memref<4x200x64xf32, #tpu.memory_space<vmem>> -> memref<1x200x64xf32, #tpu.memory_space<vmem>>
      %dma_start3A_405 = tpu.memref_squeeze %dma_start3A_404 : memref<1x200x64xf32, #tpu.memory_space<vmem>> -> memref<200x64xf32, #tpu.memory_space<vmem>>
      %dma_start3A_406 = arith.constant 0 : i32
      %dma_start3A_407 = arith.constant 0 : i32
      %dma_start3A_408 = tpu.memref_slice %arg4[%add3A_399, %dma_start3A_406, %dma_start3A_407] : memref<4096x200x64xf32, #tpu.memory_space<hbm>> -> memref<1x200x64xf32, #tpu.memory_space<hbm>>
      %dma_start3A_409 = tpu.memref_squeeze %dma_start3A_408 : memref<1x200x64xf32, #tpu.memory_space<hbm>> -> memref<200x64xf32, #tpu.memory_space<hbm>>
      %dma_start3A_410 = tpu.memref_slice %arg9[%dma_start3A_401] : memref<4x!tpu.dma_semaphore, #tpu.memory_space<semaphore_mem>> -> memref<1x!tpu.dma_semaphore, #tpu.memory_space<semaphore_mem>>
      %dma_start3A_411 = tpu.memref_squeeze %dma_start3A_410 : memref<1x!tpu.dma_semaphore, #tpu.memory_space<semaphore_mem>> -> memref<!tpu.dma_semaphore, #tpu.memory_space<semaphore_mem>>
      %dma_start3A_412 = arith.constant 0 : i32
      %dma_start3A_413 = arith.constant 0 : i32
      %dma_start3A_414 = tpu.memref_slice %arg4[%add3A_399, %dma_start3A_412, %dma_start3A_413] : memref<4096x200x64xf32, #tpu.memory_space<hbm>> -> memref<1x200x64xf32, #tpu.memory_space<hbm>>
      %dma_start3A_415 = tpu.memref_squeeze %dma_start3A_414 : memref<1x200x64xf32, #tpu.memory_space<hbm>> -> memref<200x64xf32, #tpu.memory_space<hbm>>
      %dma_start3A_416 = arith.constant 0 : i32
      %dma_start3A_417 = arith.constant 0 : i32
      %dma_start3A_418 = tpu.memref_slice %arg7[%dma_start3A_400, %dma_start3A_416, %dma_start3A_417] : memref<4x200x64xf32, #tpu.memory_space<vmem>> -> memref<1x200x64xf32, #tpu.memory_space<vmem>>
      %dma_start3A_419 = tpu.memref_squeeze %dma_start3A_418 : memref<1x200x64xf32, #tpu.memory_space<vmem>> -> memref<200x64xf32, #tpu.memory_space<vmem>>
      tpu.enqueue_dma source(%dma_start3A_419 : memref<200x64xf32, #tpu.memory_space<vmem>>) target(%dma_start3A_415 : memref<200x64xf32, #tpu.memory_space<hbm>>) target_semaphore(%dma_start3A_411 : memref<!tpu.dma_semaphore, #tpu.memory_space<semaphore_mem>>)
      %add3A_420 = arith.constant 3 : i32
      %add3A_421 = arith.addi %mul3A_216, %add3A_420 : i32
      %dma_wait3A_422 = arith.constant 3 : i32
      %dma_wait3A_423 = arith.constant 3 : i32
      %dma_wait3A_424 = arith.constant 0 : i32
      %dma_wait3A_425 = arith.constant 0 : i32
      %dma_wait3A_426 = tpu.memref_slice %arg6[%dma_wait3A_422, %dma_wait3A_424, %dma_wait3A_425] : memref<4x200x64xf32, #tpu.memory_space<vmem>> -> memref<1x104x64xf32, #tpu.memory_space<vmem>>
      %dma_wait3A_427 = tpu.memref_squeeze %dma_wait3A_426 : memref<1x104x64xf32, #tpu.memory_space<vmem>> -> memref<104x64xf32, #tpu.memory_space<vmem>>
      %dma_wait3A_428 = arith.constant 0 : i32
      %dma_wait3A_429 = tpu.memref_slice %arg5[%add3A_421, %dma_wait3A_428] : memref<128x200xi32, #tpu.memory_space<vmem>> -> memref<1x104xi32, #tpu.memory_space<vmem>>
      %dma_wait3A_430 = tpu.memref_squeeze %dma_wait3A_429 : memref<1x104xi32, #tpu.memory_space<vmem>> -> memref<104xi32, #tpu.memory_space<vmem>>
      %dma_wait3A_431 = arith.constant 0 : i32
      %dma_wait3A_432 = arith.constant 0 : i32
      %dma_wait3A_433 = tpu.memref_slice %arg3[%dma_wait3A_431, %dma_wait3A_432] : memref<1000000x64xf32, #tpu.memory_space<hbm>> -> memref<1000000x64xf32, #tpu.memory_space<hbm>>
      %dma_wait3A_434 = tpu.memref_slice %arg8[%dma_wait3A_423] : memref<4x!tpu.dma_semaphore, #tpu.memory_space<semaphore_mem>> -> memref<1x!tpu.dma_semaphore, #tpu.memory_space<semaphore_mem>>
      %dma_wait3A_435 = tpu.memref_squeeze %dma_wait3A_434 : memref<1x!tpu.dma_semaphore, #tpu.memory_space<semaphore_mem>> -> memref<!tpu.dma_semaphore, #tpu.memory_space<semaphore_mem>>
      tpu.wait_indirect_dma semaphore(%dma_wait3A_435 : memref<!tpu.dma_semaphore, #tpu.memory_space<semaphore_mem>>) src(%dma_wait3A_433 : memref<1000000x64xf32, #tpu.memory_space<hbm>>) dst(%dma_wait3A_427 : memref<104x64xf32, #tpu.memory_space<vmem>>)
      %dma_wait3A_436 = arith.constant 3 : i32
      %dma_wait3A_437 = arith.constant 3 : i32
      %dma_wait3A_438 = arith.constant 104 : i32
      %dma_wait3A_439 = arith.constant 0 : i32
      %dma_wait3A_440 = tpu.memref_slice %arg6[%dma_wait3A_436, %dma_wait3A_438, %dma_wait3A_439] : memref<4x200x64xf32, #tpu.memory_space<vmem>> -> memref<1x96x64xf32, #tpu.memory_space<vmem>>
      %dma_wait3A_441 = tpu.memref_squeeze %dma_wait3A_440 : memref<1x96x64xf32, #tpu.memory_space<vmem>> -> memref<96x64xf32, #tpu.memory_space<vmem>>
      %dma_wait3A_442 = arith.constant 104 : i32
      %dma_wait3A_443 = tpu.memref_slice %arg5[%add3A_421, %dma_wait3A_442] : memref<128x200xi32, #tpu.memory_space<vmem>> -> memref<1x96xi32, #tpu.memory_space<vmem>>
      %dma_wait3A_444 = tpu.memref_squeeze %dma_wait3A_443 : memref<1x96xi32, #tpu.memory_space<vmem>> -> memref<96xi32, #tpu.memory_space<vmem>>
      %dma_wait3A_445 = arith.constant 0 : i32
      %dma_wait3A_446 = arith.constant 0 : i32
      %dma_wait3A_447 = tpu.memref_slice %arg3[%dma_wait3A_445, %dma_wait3A_446] : memref<1000000x64xf32, #tpu.memory_space<hbm>> -> memref<1000000x64xf32, #tpu.memory_space<hbm>>
      %dma_wait3A_448 = tpu.memref_slice %arg8[%dma_wait3A_437] : memref<4x!tpu.dma_semaphore, #tpu.memory_space<semaphore_mem>> -> memref<1x!tpu.dma_semaphore, #tpu.memory_space<semaphore_mem>>
      %dma_wait3A_449 = tpu.memref_squeeze %dma_wait3A_448 : memref<1x!tpu.dma_semaphore, #tpu.memory_space<semaphore_mem>> -> memref<!tpu.dma_semaphore, #tpu.memory_space<semaphore_mem>>
      tpu.wait_indirect_dma semaphore(%dma_wait3A_449 : memref<!tpu.dma_semaphore, #tpu.memory_space<semaphore_mem>>) src(%dma_wait3A_447 : memref<1000000x64xf32, #tpu.memory_space<hbm>>) dst(%dma_wait3A_441 : memref<96x64xf32, #tpu.memory_space<vmem>>)
      %ge3A_450 = arith.constant 4 : i32
      %ge3A_451 = arith.cmpi sge, %add3A_421, %ge3A_450 : i32
      %convert_element_type3A_452 = arith.extui %ge3A_451 : i1 to i32
      %cond3A_453 = arith.constant 0 : i32
      %cond3A_454 = arith.cmpi ne, %convert_element_type3A_452, %cond3A_453 : i32
      scf.if %cond3A_454 {
        %add3A_489 = arith.addi %mul3A_2, %add3A_421 : i32
        %sub3A = arith.constant 4 : i32
        %sub3A_490 = arith.subi %add3A_489, %sub3A : i32
        %dma_wait3A_491 = arith.constant 3 : i32
        %dma_wait3A_492 = arith.constant 3 : i32
        %dma_wait3A_493 = arith.constant 0 : i32
        %dma_wait3A_494 = arith.constant 0 : i32
        %dma_wait3A_495 = tpu.memref_slice %arg7[%dma_wait3A_491, %dma_wait3A_493, %dma_wait3A_494] : memref<4x200x64xf32, #tpu.memory_space<vmem>> -> memref<1x200x64xf32, #tpu.memory_space<vmem>>
        %dma_wait3A_496 = tpu.memref_squeeze %dma_wait3A_495 : memref<1x200x64xf32, #tpu.memory_space<vmem>> -> memref<200x64xf32, #tpu.memory_space<vmem>>
        %dma_wait3A_497 = arith.constant 0 : i32
        %dma_wait3A_498 = arith.constant 0 : i32
        %dma_wait3A_499 = tpu.memref_slice %arg4[%sub3A_490, %dma_wait3A_497, %dma_wait3A_498] : memref<4096x200x64xf32, #tpu.memory_space<hbm>> -> memref<1x200x64xf32, #tpu.memory_space<hbm>>
        %dma_wait3A_500 = tpu.memref_squeeze %dma_wait3A_499 : memref<1x200x64xf32, #tpu.memory_space<hbm>> -> memref<200x64xf32, #tpu.memory_space<hbm>>
        %dma_wait3A_501 = tpu.memref_slice %arg9[%dma_wait3A_492] : memref<4x!tpu.dma_semaphore, #tpu.memory_space<semaphore_mem>> -> memref<1x!tpu.dma_semaphore, #tpu.memory_space<semaphore_mem>>
        %dma_wait3A_502 = tpu.memref_squeeze %dma_wait3A_501 : memref<1x!tpu.dma_semaphore, #tpu.memory_space<semaphore_mem>> -> memref<!tpu.dma_semaphore, #tpu.memory_space<semaphore_mem>>
        %dma_wait3A_503 = arith.constant 0 : i32
        %dma_wait3A_504 = arith.constant 0 : i32
        %dma_wait3A_505 = tpu.memref_slice %arg4[%sub3A_490, %dma_wait3A_503, %dma_wait3A_504] : memref<4096x200x64xf32, #tpu.memory_space<hbm>> -> memref<1x200x64xf32, #tpu.memory_space<hbm>>
        %dma_wait3A_506 = tpu.memref_squeeze %dma_wait3A_505 : memref<1x200x64xf32, #tpu.memory_space<hbm>> -> memref<200x64xf32, #tpu.memory_space<hbm>>
        %dma_wait3A_507 = arith.constant 0 : i32
        %dma_wait3A_508 = arith.constant 0 : i32
        %dma_wait3A_509 = tpu.memref_slice %arg7[%dma_wait3A_491, %dma_wait3A_507, %dma_wait3A_508] : memref<4x200x64xf32, #tpu.memory_space<vmem>> -> memref<1x200x64xf32, #tpu.memory_space<vmem>>
        %dma_wait3A_510 = tpu.memref_squeeze %dma_wait3A_509 : memref<1x200x64xf32, #tpu.memory_space<vmem>> -> memref<200x64xf32, #tpu.memory_space<vmem>>
        tpu.wait_dma2 semaphore(%dma_wait3A_502 : memref<!tpu.dma_semaphore, #tpu.memory_space<semaphore_mem>>) src(%dma_wait3A_510 : memref<200x64xf32, #tpu.memory_space<vmem>>) dst(%dma_wait3A_506 : memref<200x64xf32, #tpu.memory_space<hbm>>)
      } else {
      }
      %scan3A_455 = arith.constant 0 : i32
      %scan3A_456 = arith.constant 0 : i32
      %scan3A_457 = arith.constant 50 : i32
      %scan3A_458 = arith.addi %scan3A_456, %scan3A_457 : i32
      %scan3A_459 = arith.constant 1 : i32
      scf.for %scan3A_489 = %scan3A_456 to %scan3A_458 step %scan3A_459  : i32 {
        %mul3A_490 = arith.constant 4 : i32
        %mul3A_491 = arith.muli %scan3A_489, %mul3A_490 : i32
        %add3A_492 = arith.constant 0 : i32
        %add3A_493 = arith.addi %mul3A_491, %add3A_492 : i32
        %get3A = arith.constant 3 : i32
        %get3A_494 = arith.index_cast %get3A : i32 to index
        %get3A_495 = arith.index_cast %add3A_493 : i32 to index
        %get3A_496 = arith.constant 0 : index
        %get3A_497 = tpu.vector_load %arg6[%get3A_494, %get3A_495, %get3A_496] {strides = array<i32>} : memref<4x200x64xf32, #tpu.memory_space<vmem>>, vector<1x1x16xf32>,
        %get3A_498 = vector.shape_cast %get3A_497 : vector<1x1x16xf32> to vector<16xf32>
        %mul3A_499 = arith.constant 8.000000e+00 : f32
        %mul3A_500 = vector.broadcast %mul3A_499 : f32 to vector<16xf32>
        %mul3A_501 = arith.mulf %get3A_498, %mul3A_500 : vector<16xf32>
        %add3A_502 = arith.constant 0 : i32
        %add3A_503 = arith.addi %mul3A_491, %add3A_502 : i32
        %swap3A = arith.constant 3 : i32
        %swap3A_504 = arith.index_cast %swap3A : i32 to index
        %swap3A_505 = arith.index_cast %add3A_503 : i32 to index
        %swap3A_506 = arith.constant 0 : index
        %swap3A_507 = tpu.vector_load %arg7[%swap3A_504, %swap3A_505, %swap3A_506] {strides = array<i32>} : memref<4x200x64xf32, #tpu.memory_space<vmem>>, vector<1x1x16xf32>,
        %swap3A_508 = vector.shape_cast %swap3A_507 : vector<1x1x16xf32> to vector<16xf32>
        %swap3A_509 = vector.shape_cast %mul3A_501 : vector<16xf32> to vector<1x1x16xf32>
        tpu.vector_store %arg7[%swap3A_504, %swap3A_505, %swap3A_506], %swap3A_509 {strides = array<i32>} : memref<4x200x64xf32, #tpu.memory_space<vmem>>, vector<1x1x16xf32>,
        %add3A_510 = arith.constant 0 : i32
        %add3A_511 = arith.addi %mul3A_491, %add3A_510 : i32
        %get3A_512 = arith.constant 3 : i32
        %get3A_513 = arith.index_cast %get3A_512 : i32 to index
        %get3A_514 = arith.index_cast %add3A_511 : i32 to index
        %get3A_515 = arith.constant 16 : index
        %get3A_516 = tpu.vector_load %arg6[%get3A_513, %get3A_514, %get3A_515] {strides = array<i32>} : memref<4x200x64xf32, #tpu.memory_space<vmem>>, vector<1x1x16xf32>,
        %get3A_517 = vector.shape_cast %get3A_516 : vector<1x1x16xf32> to vector<16xf32>
        %mul3A_518 = arith.constant 8.000000e+00 : f32
        %mul3A_519 = vector.broadcast %mul3A_518 : f32 to vector<16xf32>
        %mul3A_520 = arith.mulf %get3A_517, %mul3A_519 : vector<16xf32>
        %add3A_521 = arith.constant 0 : i32
        %add3A_522 = arith.addi %mul3A_491, %add3A_521 : i32
        %swap3A_523 = arith.constant 3 : i32
        %swap3A_524 = arith.index_cast %swap3A_523 : i32 to index
        %swap3A_525 = arith.index_cast %add3A_522 : i32 to index
        %swap3A_526 = arith.constant 16 : index
        %swap3A_527 = tpu.vector_load %arg7[%swap3A_524, %swap3A_525, %swap3A_526] {strides = array<i32>} : memref<4x200x64xf32, #tpu.memory_space<vmem>>, vector<1x1x16xf32>,
        %swap3A_528 = vector.shape_cast %swap3A_527 : vector<1x1x16xf32> to vector<16xf32>
        %swap3A_529 = vector.shape_cast %mul3A_520 : vector<16xf32> to vector<1x1x16xf32>
        tpu.vector_store %arg7[%swap3A_524, %swap3A_525, %swap3A_526], %swap3A_529 {strides = array<i32>} : memref<4x200x64xf32, #tpu.memory_space<vmem>>, vector<1x1x16xf32>,
        %add3A_530 = arith.constant 0 : i32
        %add3A_531 = arith.addi %mul3A_491, %add3A_530 : i32
        %get3A_532 = arith.constant 3 : i32
        %get3A_533 = arith.index_cast %get3A_532 : i32 to index
        %get3A_534 = arith.index_cast %add3A_531 : i32 to index
        %get3A_535 = arith.constant 32 : index
        %get3A_536 = tpu.vector_load %arg6[%get3A_533, %get3A_534, %get3A_535] {strides = array<i32>} : memref<4x200x64xf32, #tpu.memory_space<vmem>>, vector<1x1x16xf32>,
        %get3A_537 = vector.shape_cast %get3A_536 : vector<1x1x16xf32> to vector<16xf32>
        %mul3A_538 = arith.constant 8.000000e+00 : f32
        %mul3A_539 = vector.broadcast %mul3A_538 : f32 to vector<16xf32>
        %mul3A_540 = arith.mulf %get3A_537, %mul3A_539 : vector<16xf32>
        %add3A_541 = arith.constant 0 : i32
        %add3A_542 = arith.addi %mul3A_491, %add3A_541 : i32
        %swap3A_543 = arith.constant 3 : i32
        %swap3A_544 = arith.index_cast %swap3A_543 : i32 to index
        %swap3A_545 = arith.index_cast %add3A_542 : i32 to index
        %swap3A_546 = arith.constant 32 : index
        %swap3A_547 = tpu.vector_load %arg7[%swap3A_544, %swap3A_545, %swap3A_546] {strides = array<i32>} : memref<4x200x64xf32, #tpu.memory_space<vmem>>, vector<1x1x16xf32>,
        %swap3A_548 = vector.shape_cast %swap3A_547 : vector<1x1x16xf32> to vector<16xf32>
        %swap3A_549 = vector.shape_cast %mul3A_540 : vector<16xf32> to vector<1x1x16xf32>
        tpu.vector_store %arg7[%swap3A_544, %swap3A_545, %swap3A_546], %swap3A_549 {strides = array<i32>} : memref<4x200x64xf32, #tpu.memory_space<vmem>>, vector<1x1x16xf32>,
        %add3A_550 = arith.constant 0 : i32
        %add3A_551 = arith.addi %mul3A_491, %add3A_550 : i32
        %get3A_552 = arith.constant 3 : i32
        %get3A_553 = arith.index_cast %get3A_552 : i32 to index
        %get3A_554 = arith.index_cast %add3A_551 : i32 to index
        %get3A_555 = arith.constant 48 : index
        %get3A_556 = tpu.vector_load %arg6[%get3A_553, %get3A_554, %get3A_555] {strides = array<i32>} : memref<4x200x64xf32, #tpu.memory_space<vmem>>, vector<1x1x16xf32>,
        %get3A_557 = vector.shape_cast %get3A_556 : vector<1x1x16xf32> to vector<16xf32>
        %mul3A_558 = arith.constant 8.000000e+00 : f32
        %mul3A_559 = vector.broadcast %mul3A_558 : f32 to vector<16xf32>
        %mul3A_560 = arith.mulf %get3A_557, %mul3A_559 : vector<16xf32>
        %add3A_561 = arith.constant 0 : i32
        %add3A_562 = arith.addi %mul3A_491, %add3A_561 : i32
        %swap3A_563 = arith.constant 3 : i32
        %swap3A_564 = arith.index_cast %swap3A_563 : i32 to index
        %swap3A_565 = arith.index_cast %add3A_562 : i32 to index
        %swap3A_566 = arith.constant 48 : index
        %swap3A_567 = tpu.vector_load %arg7[%swap3A_564, %swap3A_565, %swap3A_566] {strides = array<i32>} : memref<4x200x64xf32, #tpu.memory_space<vmem>>, vector<1x1x16xf32>,
        %swap3A_568 = vector.shape_cast %swap3A_567 : vector<1x1x16xf32> to vector<16xf32>
        %swap3A_569 = vector.shape_cast %mul3A_560 : vector<16xf32> to vector<1x1x16xf32>
        tpu.vector_store %arg7[%swap3A_564, %swap3A_565, %swap3A_566], %swap3A_569 {strides = array<i32>} : memref<4x200x64xf32, #tpu.memory_space<vmem>>, vector<1x1x16xf32>,
        %add3A_570 = arith.constant 1 : i32
        %add3A_571 = arith.addi %mul3A_491, %add3A_570 : i32
        %get3A_572 = arith.constant 3 : i32
        %get3A_573 = arith.index_cast %get3A_572 : i32 to index
        %get3A_574 = arith.index_cast %add3A_571 : i32 to index
        %get3A_575 = arith.constant 0 : index
        %get3A_576 = tpu.vector_load %arg6[%get3A_573, %get3A_574, %get3A_575] {strides = array<i32>} : memref<4x200x64xf32, #tpu.memory_space<vmem>>, vector<1x1x16xf32>,
        %get3A_577 = vector.shape_cast %get3A_576 : vector<1x1x16xf32> to vector<16xf32>
        %mul3A_578 = arith.constant 8.000000e+00 : f32
        %mul3A_579 = vector.broadcast %mul3A_578 : f32 to vector<16xf32>
        %mul3A_580 = arith.mulf %get3A_577, %mul3A_579 : vector<16xf32>
        %add3A_581 = arith.constant 1 : i32
        %add3A_582 = arith.addi %mul3A_491, %add3A_581 : i32
        %swap3A_583 = arith.constant 3 : i32
        %swap3A_584 = arith.index_cast %swap3A_583 : i32 to index
        %swap3A_585 = arith.index_cast %add3A_582 : i32 to index
        %swap3A_586 = arith.constant 0 : index
        %swap3A_587 = tpu.vector_load %arg7[%swap3A_584, %swap3A_585, %swap3A_586] {strides = array<i32>} : memref<4x200x64xf32, #tpu.memory_space<vmem>>, vector<1x1x16xf32>,
        %swap3A_588 = vector.shape_cast %swap3A_587 : vector<1x1x16xf32> to vector<16xf32>
        %swap3A_589 = vector.shape_cast %mul3A_580 : vector<16xf32> to vector<1x1x16xf32>
        tpu.vector_store %arg7[%swap3A_584, %swap3A_585, %swap3A_586], %swap3A_589 {strides = array<i32>} : memref<4x200x64xf32, #tpu.memory_space<vmem>>, vector<1x1x16xf32>,
        %add3A_590 = arith.constant 1 : i32
        %add3A_591 = arith.addi %mul3A_491, %add3A_590 : i32
        %get3A_592 = arith.constant 3 : i32
        %get3A_593 = arith.index_cast %get3A_592 : i32 to index
        %get3A_594 = arith.index_cast %add3A_591 : i32 to index
        %get3A_595 = arith.constant 16 : index
        %get3A_596 = tpu.vector_load %arg6[%get3A_593, %get3A_594, %get3A_595] {strides = array<i32>} : memref<4x200x64xf32, #tpu.memory_space<vmem>>, vector<1x1x16xf32>,
        %get3A_597 = vector.shape_cast %get3A_596 : vector<1x1x16xf32> to vector<16xf32>
        %mul3A_598 = arith.constant 8.000000e+00 : f32
        %mul3A_599 = vector.broadcast %mul3A_598 : f32 to vector<16xf32>
        %mul3A_600 = arith.mulf %get3A_597, %mul3A_599 : vector<16xf32>
        %add3A_601 = arith.constant 1 : i32
        %add3A_602 = arith.addi %mul3A_491, %add3A_601 : i32
        %swap3A_603 = arith.constant 3 : i32
        %swap3A_604 = arith.index_cast %swap3A_603 : i32 to index
        %swap3A_605 = arith.index_cast %add3A_602 : i32 to index
        %swap3A_606 = arith.constant 16 : index
        %swap3A_607 = tpu.vector_load %arg7[%swap3A_604, %swap3A_605, %swap3A_606] {strides = array<i32>} : memref<4x200x64xf32, #tpu.memory_space<vmem>>, vector<1x1x16xf32>,
        %swap3A_608 = vector.shape_cast %swap3A_607 : vector<1x1x16xf32> to vector<16xf32>
        %swap3A_609 = vector.shape_cast %mul3A_600 : vector<16xf32> to vector<1x1x16xf32>
        tpu.vector_store %arg7[%swap3A_604, %swap3A_605, %swap3A_606], %swap3A_609 {strides = array<i32>} : memref<4x200x64xf32, #tpu.memory_space<vmem>>, vector<1x1x16xf32>,
        %add3A_610 = arith.constant 1 : i32
        %add3A_611 = arith.addi %mul3A_491, %add3A_610 : i32
        %get3A_612 = arith.constant 3 : i32
        %get3A_613 = arith.index_cast %get3A_612 : i32 to index
        %get3A_614 = arith.index_cast %add3A_611 : i32 to index
        %get3A_615 = arith.constant 32 : index
        %get3A_616 = tpu.vector_load %arg6[%get3A_613, %get3A_614, %get3A_615] {strides = array<i32>} : memref<4x200x64xf32, #tpu.memory_space<vmem>>, vector<1x1x16xf32>,
        %get3A_617 = vector.shape_cast %get3A_616 : vector<1x1x16xf32> to vector<16xf32>
        %mul3A_618 = arith.constant 8.000000e+00 : f32
        %mul3A_619 = vector.broadcast %mul3A_618 : f32 to vector<16xf32>
        %mul3A_620 = arith.mulf %get3A_617, %mul3A_619 : vector<16xf32>
        %add3A_621 = arith.constant 1 : i32
        %add3A_622 = arith.addi %mul3A_491, %add3A_621 : i32
        %swap3A_623 = arith.constant 3 : i32
        %swap3A_624 = arith.index_cast %swap3A_623 : i32 to index
        %swap3A_625 = arith.index_cast %add3A_622 : i32 to index
        %swap3A_626 = arith.constant 32 : index
        %swap3A_627 = tpu.vector_load %arg7[%swap3A_624, %swap3A_625, %swap3A_626] {strides = array<i32>} : memref<4x200x64xf32, #tpu.memory_space<vmem>>, vector<1x1x16xf32>,
        %swap3A_628 = vector.shape_cast %swap3A_627 : vector<1x1x16xf32> to vector<16xf32>
        %swap3A_629 = vector.shape_cast %mul3A_620 : vector<16xf32> to vector<1x1x16xf32>
        tpu.vector_store %arg7[%swap3A_624, %swap3A_625, %swap3A_626], %swap3A_629 {strides = array<i32>} : memref<4x200x64xf32, #tpu.memory_space<vmem>>, vector<1x1x16xf32>,
        %add3A_630 = arith.constant 1 : i32
        %add3A_631 = arith.addi %mul3A_491, %add3A_630 : i32
        %get3A_632 = arith.constant 3 : i32
        %get3A_633 = arith.index_cast %get3A_632 : i32 to index
        %get3A_634 = arith.index_cast %add3A_631 : i32 to index
        %get3A_635 = arith.constant 48 : index
        %get3A_636 = tpu.vector_load %arg6[%get3A_633, %get3A_634, %get3A_635] {strides = array<i32>} : memref<4x200x64xf32, #tpu.memory_space<vmem>>, vector<1x1x16xf32>,
        %get3A_637 = vector.shape_cast %get3A_636 : vector<1x1x16xf32> to vector<16xf32>
        %mul3A_638 = arith.constant 8.000000e+00 : f32
        %mul3A_639 = vector.broadcast %mul3A_638 : f32 to vector<16xf32>
        %mul3A_640 = arith.mulf %get3A_637, %mul3A_639 : vector<16xf32>
        %add3A_641 = arith.constant 1 : i32
        %add3A_642 = arith.addi %mul3A_491, %add3A_641 : i32
        %swap3A_643 = arith.constant 3 : i32
        %swap3A_644 = arith.index_cast %swap3A_643 : i32 to index
        %swap3A_645 = arith.index_cast %add3A_642 : i32 to index
        %swap3A_646 = arith.constant 48 : index
        %swap3A_647 = tpu.vector_load %arg7[%swap3A_644, %swap3A_645, %swap3A_646] {strides = array<i32>} : memref<4x200x64xf32, #tpu.memory_space<vmem>>, vector<1x1x16xf32>,
        %swap3A_648 = vector.shape_cast %swap3A_647 : vector<1x1x16xf32> to vector<16xf32>
        %swap3A_649 = vector.shape_cast %mul3A_640 : vector<16xf32> to vector<1x1x16xf32>
        tpu.vector_store %arg7[%swap3A_644, %swap3A_645, %swap3A_646], %swap3A_649 {strides = array<i32>} : memref<4x200x64xf32, #tpu.memory_space<vmem>>, vector<1x1x16xf32>,
        %add3A_650 = arith.constant 2 : i32
        %add3A_651 = arith.addi %mul3A_491, %add3A_650 : i32
        %get3A_652 = arith.constant 3 : i32
        %get3A_653 = arith.index_cast %get3A_652 : i32 to index
        %get3A_654 = arith.index_cast %add3A_651 : i32 to index
        %get3A_655 = arith.constant 0 : index
        %get3A_656 = tpu.vector_load %arg6[%get3A_653, %get3A_654, %get3A_655] {strides = array<i32>} : memref<4x200x64xf32, #tpu.memory_space<vmem>>, vector<1x1x16xf32>,
        %get3A_657 = vector.shape_cast %get3A_656 : vector<1x1x16xf32> to vector<16xf32>
        %mul3A_658 = arith.constant 8.000000e+00 : f32
        %mul3A_659 = vector.broadcast %mul3A_658 : f32 to vector<16xf32>
        %mul3A_660 = arith.mulf %get3A_657, %mul3A_659 : vector<16xf32>
        %add3A_661 = arith.constant 2 : i32
        %add3A_662 = arith.addi %mul3A_491, %add3A_661 : i32
        %swap3A_663 = arith.constant 3 : i32
        %swap3A_664 = arith.index_cast %swap3A_663 : i32 to index
        %swap3A_665 = arith.index_cast %add3A_662 : i32 to index
        %swap3A_666 = arith.constant 0 : index
        %swap3A_667 = tpu.vector_load %arg7[%swap3A_664, %swap3A_665, %swap3A_666] {strides = array<i32>} : memref<4x200x64xf32, #tpu.memory_space<vmem>>, vector<1x1x16xf32>,
        %swap3A_668 = vector.shape_cast %swap3A_667 : vector<1x1x16xf32> to vector<16xf32>
        %swap3A_669 = vector.shape_cast %mul3A_660 : vector<16xf32> to vector<1x1x16xf32>
        tpu.vector_store %arg7[%swap3A_664, %swap3A_665, %swap3A_666], %swap3A_669 {strides = array<i32>} : memref<4x200x64xf32, #tpu.memory_space<vmem>>, vector<1x1x16xf32>,
        %add3A_670 = arith.constant 2 : i32
        %add3A_671 = arith.addi %mul3A_491, %add3A_670 : i32
        %get3A_672 = arith.constant 3 : i32
        %get3A_673 = arith.index_cast %get3A_672 : i32 to index
        %get3A_674 = arith.index_cast %add3A_671 : i32 to index
        %get3A_675 = arith.constant 16 : index
        %get3A_676 = tpu.vector_load %arg6[%get3A_673, %get3A_674, %get3A_675] {strides = array<i32>} : memref<4x200x64xf32, #tpu.memory_space<vmem>>, vector<1x1x16xf32>,
        %get3A_677 = vector.shape_cast %get3A_676 : vector<1x1x16xf32> to vector<16xf32>
        %mul3A_678 = arith.constant 8.000000e+00 : f32
        %mul3A_679 = vector.broadcast %mul3A_678 : f32 to vector<16xf32>
        %mul3A_680 = arith.mulf %get3A_677, %mul3A_679 : vector<16xf32>
        %add3A_681 = arith.constant 2 : i32
        %add3A_682 = arith.addi %mul3A_491, %add3A_681 : i32
        %swap3A_683 = arith.constant 3 : i32
        %swap3A_684 = arith.index_cast %swap3A_683 : i32 to index
        %swap3A_685 = arith.index_cast %add3A_682 : i32 to index
        %swap3A_686 = arith.constant 16 : index
        %swap3A_687 = tpu.vector_load %arg7[%swap3A_684, %swap3A_685, %swap3A_686] {strides = array<i32>} : memref<4x200x64xf32, #tpu.memory_space<vmem>>, vector<1x1x16xf32>,
        %swap3A_688 = vector.shape_cast %swap3A_687 : vector<1x1x16xf32> to vector<16xf32>
        %swap3A_689 = vector.shape_cast %mul3A_680 : vector<16xf32> to vector<1x1x16xf32>
        tpu.vector_store %arg7[%swap3A_684, %swap3A_685, %swap3A_686], %swap3A_689 {strides = array<i32>} : memref<4x200x64xf32, #tpu.memory_space<vmem>>, vector<1x1x16xf32>,
        %add3A_690 = arith.constant 2 : i32
        %add3A_691 = arith.addi %mul3A_491, %add3A_690 : i32
        %get3A_692 = arith.constant 3 : i32
        %get3A_693 = arith.index_cast %get3A_692 : i32 to index
        %get3A_694 = arith.index_cast %add3A_691 : i32 to index
        %get3A_695 = arith.constant 32 : index
        %get3A_696 = tpu.vector_load %arg6[%get3A_693, %get3A_694, %get3A_695] {strides = array<i32>} : memref<4x200x64xf32, #tpu.memory_space<vmem>>, vector<1x1x16xf32>,
        %get3A_697 = vector.shape_cast %get3A_696 : vector<1x1x16xf32> to vector<16xf32>
        %mul3A_698 = arith.constant 8.000000e+00 : f32
        %mul3A_699 = vector.broadcast %mul3A_698 : f32 to vector<16xf32>
        %mul3A_700 = arith.mulf %get3A_697, %mul3A_699 : vector<16xf32>
        %add3A_701 = arith.constant 2 : i32
        %add3A_702 = arith.addi %mul3A_491, %add3A_701 : i32
        %swap3A_703 = arith.constant 3 : i32
        %swap3A_704 = arith.index_cast %swap3A_703 : i32 to index
        %swap3A_705 = arith.index_cast %add3A_702 : i32 to index
        %swap3A_706 = arith.constant 32 : index
        %swap3A_707 = tpu.vector_load %arg7[%swap3A_704, %swap3A_705, %swap3A_706] {strides = array<i32>} : memref<4x200x64xf32, #tpu.memory_space<vmem>>, vector<1x1x16xf32>,
        %swap3A_708 = vector.shape_cast %swap3A_707 : vector<1x1x16xf32> to vector<16xf32>
        %swap3A_709 = vector.shape_cast %mul3A_700 : vector<16xf32> to vector<1x1x16xf32>
        tpu.vector_store %arg7[%swap3A_704, %swap3A_705, %swap3A_706], %swap3A_709 {strides = array<i32>} : memref<4x200x64xf32, #tpu.memory_space<vmem>>, vector<1x1x16xf32>,
        %add3A_710 = arith.constant 2 : i32
        %add3A_711 = arith.addi %mul3A_491, %add3A_710 : i32
        %get3A_712 = arith.constant 3 : i32
        %get3A_713 = arith.index_cast %get3A_712 : i32 to index
        %get3A_714 = arith.index_cast %add3A_711 : i32 to index
        %get3A_715 = arith.constant 48 : index
        %get3A_716 = tpu.vector_load %arg6[%get3A_713, %get3A_714, %get3A_715] {strides = array<i32>} : memref<4x200x64xf32, #tpu.memory_space<vmem>>, vector<1x1x16xf32>,
        %get3A_717 = vector.shape_cast %get3A_716 : vector<1x1x16xf32> to vector<16xf32>
        %mul3A_718 = arith.constant 8.000000e+00 : f32
        %mul3A_719 = vector.broadcast %mul3A_718 : f32 to vector<16xf32>
        %mul3A_720 = arith.mulf %get3A_717, %mul3A_719 : vector<16xf32>
        %add3A_721 = arith.constant 2 : i32
        %add3A_722 = arith.addi %mul3A_491, %add3A_721 : i32
        %swap3A_723 = arith.constant 3 : i32
        %swap3A_724 = arith.index_cast %swap3A_723 : i32 to index
        %swap3A_725 = arith.index_cast %add3A_722 : i32 to index
        %swap3A_726 = arith.constant 48 : index
        %swap3A_727 = tpu.vector_load %arg7[%swap3A_724, %swap3A_725, %swap3A_726] {strides = array<i32>} : memref<4x200x64xf32, #tpu.memory_space<vmem>>, vector<1x1x16xf32>,
        %swap3A_728 = vector.shape_cast %swap3A_727 : vector<1x1x16xf32> to vector<16xf32>
        %swap3A_729 = vector.shape_cast %mul3A_720 : vector<16xf32> to vector<1x1x16xf32>
        tpu.vector_store %arg7[%swap3A_724, %swap3A_725, %swap3A_726], %swap3A_729 {strides = array<i32>} : memref<4x200x64xf32, #tpu.memory_space<vmem>>, vector<1x1x16xf32>,
        %add3A_730 = arith.constant 3 : i32
        %add3A_731 = arith.addi %mul3A_491, %add3A_730 : i32
        %get3A_732 = arith.constant 3 : i32
        %get3A_733 = arith.index_cast %get3A_732 : i32 to index
        %get3A_734 = arith.index_cast %add3A_731 : i32 to index
        %get3A_735 = arith.constant 0 : index
        %get3A_736 = tpu.vector_load %arg6[%get3A_733, %get3A_734, %get3A_735] {strides = array<i32>} : memref<4x200x64xf32, #tpu.memory_space<vmem>>, vector<1x1x16xf32>,
        %get3A_737 = vector.shape_cast %get3A_736 : vector<1x1x16xf32> to vector<16xf32>
        %mul3A_738 = arith.constant 8.000000e+00 : f32
        %mul3A_739 = vector.broadcast %mul3A_738 : f32 to vector<16xf32>
        %mul3A_740 = arith.mulf %get3A_737, %mul3A_739 : vector<16xf32>
        %add3A_741 = arith.constant 3 : i32
        %add3A_742 = arith.addi %mul3A_491, %add3A_741 : i32
        %swap3A_743 = arith.constant 3 : i32
        %swap3A_744 = arith.index_cast %swap3A_743 : i32 to index
        %swap3A_745 = arith.index_cast %add3A_742 : i32 to index
        %swap3A_746 = arith.constant 0 : index
        %swap3A_747 = tpu.vector_load %arg7[%swap3A_744, %swap3A_745, %swap3A_746] {strides = array<i32>} : memref<4x200x64xf32, #tpu.memory_space<vmem>>, vector<1x1x16xf32>,
        %swap3A_748 = vector.shape_cast %swap3A_747 : vector<1x1x16xf32> to vector<16xf32>
        %swap3A_749 = vector.shape_cast %mul3A_740 : vector<16xf32> to vector<1x1x16xf32>
        tpu.vector_store %arg7[%swap3A_744, %swap3A_745, %swap3A_746], %swap3A_749 {strides = array<i32>} : memref<4x200x64xf32, #tpu.memory_space<vmem>>, vector<1x1x16xf32>,
        %add3A_750 = arith.constant 3 : i32
        %add3A_751 = arith.addi %mul3A_491, %add3A_750 : i32
        %get3A_752 = arith.constant 3 : i32
        %get3A_753 = arith.index_cast %get3A_752 : i32 to index
        %get3A_754 = arith.index_cast %add3A_751 : i32 to index
        %get3A_755 = arith.constant 16 : index
        %get3A_756 = tpu.vector_load %arg6[%get3A_753, %get3A_754, %get3A_755] {strides = array<i32>} : memref<4x200x64xf32, #tpu.memory_space<vmem>>, vector<1x1x16xf32>,
        %get3A_757 = vector.shape_cast %get3A_756 : vector<1x1x16xf32> to vector<16xf32>
        %mul3A_758 = arith.constant 8.000000e+00 : f32
        %mul3A_759 = vector.broadcast %mul3A_758 : f32 to vector<16xf32>
        %mul3A_760 = arith.mulf %get3A_757, %mul3A_759 : vector<16xf32>
        %add3A_761 = arith.constant 3 : i32
        %add3A_762 = arith.addi %mul3A_491, %add3A_761 : i32
        %swap3A_763 = arith.constant 3 : i32
        %swap3A_764 = arith.index_cast %swap3A_763 : i32 to index
        %swap3A_765 = arith.index_cast %add3A_762 : i32 to index
        %swap3A_766 = arith.constant 16 : index
        %swap3A_767 = tpu.vector_load %arg7[%swap3A_764, %swap3A_765, %swap3A_766] {strides = array<i32>} : memref<4x200x64xf32, #tpu.memory_space<vmem>>, vector<1x1x16xf32>,
        %swap3A_768 = vector.shape_cast %swap3A_767 : vector<1x1x16xf32> to vector<16xf32>
        %swap3A_769 = vector.shape_cast %mul3A_760 : vector<16xf32> to vector<1x1x16xf32>
        tpu.vector_store %arg7[%swap3A_764, %swap3A_765, %swap3A_766], %swap3A_769 {strides = array<i32>} : memref<4x200x64xf32, #tpu.memory_space<vmem>>, vector<1x1x16xf32>,
        %add3A_770 = arith.constant 3 : i32
        %add3A_771 = arith.addi %mul3A_491, %add3A_770 : i32
        %get3A_772 = arith.constant 3 : i32
        %get3A_773 = arith.index_cast %get3A_772 : i32 to index
        %get3A_774 = arith.index_cast %add3A_771 : i32 to index
        %get3A_775 = arith.constant 32 : index
        %get3A_776 = tpu.vector_load %arg6[%get3A_773, %get3A_774, %get3A_775] {strides = array<i32>} : memref<4x200x64xf32, #tpu.memory_space<vmem>>, vector<1x1x16xf32>,
        %get3A_777 = vector.shape_cast %get3A_776 : vector<1x1x16xf32> to vector<16xf32>
        %mul3A_778 = arith.constant 8.000000e+00 : f32
        %mul3A_779 = vector.broadcast %mul3A_778 : f32 to vector<16xf32>
        %mul3A_780 = arith.mulf %get3A_777, %mul3A_779 : vector<16xf32>
        %add3A_781 = arith.constant 3 : i32
        %add3A_782 = arith.addi %mul3A_491, %add3A_781 : i32
        %swap3A_783 = arith.constant 3 : i32
        %swap3A_784 = arith.index_cast %swap3A_783 : i32 to index
        %swap3A_785 = arith.index_cast %add3A_782 : i32 to index
        %swap3A_786 = arith.constant 32 : index
        %swap3A_787 = tpu.vector_load %arg7[%swap3A_784, %swap3A_785, %swap3A_786] {strides = array<i32>} : memref<4x200x64xf32, #tpu.memory_space<vmem>>, vector<1x1x16xf32>,
        %swap3A_788 = vector.shape_cast %swap3A_787 : vector<1x1x16xf32> to vector<16xf32>
        %swap3A_789 = vector.shape_cast %mul3A_780 : vector<16xf32> to vector<1x1x16xf32>
        tpu.vector_store %arg7[%swap3A_784, %swap3A_785, %swap3A_786], %swap3A_789 {strides = array<i32>} : memref<4x200x64xf32, #tpu.memory_space<vmem>>, vector<1x1x16xf32>,
        %add3A_790 = arith.constant 3 : i32
        %add3A_791 = arith.addi %mul3A_491, %add3A_790 : i32
        %get3A_792 = arith.constant 3 : i32
        %get3A_793 = arith.index_cast %get3A_792 : i32 to index
        %get3A_794 = arith.index_cast %add3A_791 : i32 to index
        %get3A_795 = arith.constant 48 : index
        %get3A_796 = tpu.vector_load %arg6[%get3A_793, %get3A_794, %get3A_795] {strides = array<i32>} : memref<4x200x64xf32, #tpu.memory_space<vmem>>, vector<1x1x16xf32>,
        %get3A_797 = vector.shape_cast %get3A_796 : vector<1x1x16xf32> to vector<16xf32>
        %mul3A_798 = arith.constant 8.000000e+00 : f32
        %mul3A_799 = vector.broadcast %mul3A_798 : f32 to vector<16xf32>
        %mul3A_800 = arith.mulf %get3A_797, %mul3A_799 : vector<16xf32>
        %add3A_801 = arith.constant 3 : i32
        %add3A_802 = arith.addi %mul3A_491, %add3A_801 : i32
        %swap3A_803 = arith.constant 3 : i32
        %swap3A_804 = arith.index_cast %swap3A_803 : i32 to index
        %swap3A_805 = arith.index_cast %add3A_802 : i32 to index
        %swap3A_806 = arith.constant 48 : index
        %swap3A_807 = tpu.vector_load %arg7[%swap3A_804, %swap3A_805, %swap3A_806] {strides = array<i32>} : memref<4x200x64xf32, #tpu.memory_space<vmem>>, vector<1x1x16xf32>,
        %swap3A_808 = vector.shape_cast %swap3A_807 : vector<1x1x16xf32> to vector<16xf32>
        %swap3A_809 = vector.shape_cast %mul3A_800 : vector<16xf32> to vector<1x1x16xf32>
        tpu.vector_store %arg7[%swap3A_804, %swap3A_805, %swap3A_806], %swap3A_809 {strides = array<i32>} : memref<4x200x64xf32, #tpu.memory_space<vmem>>, vector<1x1x16xf32>,
      }
      %scan3A_460 = arith.constant 50 : i32
      %add3A_461 = arith.constant 4 : i32
      %add3A_462 = arith.addi %add3A_421, %add3A_461 : i32
      %lt3A_463 = arith.constant 128 : i32
      %lt3A_464 = arith.cmpi slt, %add3A_462, %lt3A_463 : i32
      %convert_element_type3A_465 = arith.extui %lt3A_464 : i1 to i32
      %cond3A_466 = arith.constant 0 : i32
      %cond3A_467 = arith.cmpi ne, %convert_element_type3A_465, %cond3A_466 : i32
      scf.if %cond3A_467 {
        %add3A_489 = arith.constant 4 : i32
        %add3A_490 = arith.addi %add3A_421, %add3A_489 : i32
        %dma_start3A_491 = arith.constant 3 : i32
        %dma_start3A_492 = arith.constant 3 : i32
        %dma_start3A_493 = arith.constant 0 : i32
        %dma_start3A_494 = arith.constant 0 : i32
        %dma_start3A_495 = tpu.memref_slice %arg6[%dma_start3A_491, %dma_start3A_493, %dma_start3A_494] : memref<4x200x64xf32, #tpu.memory_space<vmem>> -> memref<1x104x64xf32, #tpu.memory_space<vmem>>
        %dma_start3A_496 = tpu.memref_squeeze %dma_start3A_495 : memref<1x104x64xf32, #tpu.memory_space<vmem>> -> memref<104x64xf32, #tpu.memory_space<vmem>>
        %dma_start3A_497 = arith.constant 0 : i32
        %dma_start3A_498 = tpu.memref_slice %arg5[%add3A_490, %dma_start3A_497] : memref<128x200xi32, #tpu.memory_space<vmem>> -> memref<1x104xi32, #tpu.memory_space<vmem>>
        %dma_start3A_499 = tpu.memref_squeeze %dma_start3A_498 : memref<1x104xi32, #tpu.memory_space<vmem>> -> memref<104xi32, #tpu.memory_space<vmem>>
        %dma_start3A_500 = arith.constant 0 : i32
        %dma_start3A_501 = arith.constant 0 : i32
        %dma_start3A_502 = tpu.memref_slice %arg3[%dma_start3A_500, %dma_start3A_501] : memref<1000000x64xf32, #tpu.memory_space<hbm>> -> memref<1000000x64xf32, #tpu.memory_space<hbm>>
        %dma_start3A_503 = tpu.memref_slice %arg8[%dma_start3A_492] : memref<4x!tpu.dma_semaphore, #tpu.memory_space<semaphore_mem>> -> memref<1x!tpu.dma_semaphore, #tpu.memory_space<semaphore_mem>>
        %dma_start3A_504 = tpu.memref_squeeze %dma_start3A_503 : memref<1x!tpu.dma_semaphore, #tpu.memory_space<semaphore_mem>> -> memref<!tpu.dma_semaphore, #tpu.memory_space<semaphore_mem>>
        tpu.enqueue_indirect_dma source(%dma_start3A_502 : memref<1000000x64xf32, #tpu.memory_space<hbm>>) target(%dma_start3A_496 : memref<104x64xf32, #tpu.memory_space<vmem>>) offsets(%dma_start3A_499 : memref<104xi32, #tpu.memory_space<vmem>>) semaphore(%dma_start3A_504 : memref<!tpu.dma_semaphore, #tpu.memory_space<semaphore_mem>>)
        %dma_start3A_505 = arith.constant 3 : i32
        %dma_start3A_506 = arith.constant 3 : i32
        %dma_start3A_507 = arith.constant 104 : i32
        %dma_start3A_508 = arith.constant 0 : i32
        %dma_start3A_509 = tpu.memref_slice %arg6[%dma_start3A_505, %dma_start3A_507, %dma_start3A_508] : memref<4x200x64xf32, #tpu.memory_space<vmem>> -> memref<1x96x64xf32, #tpu.memory_space<vmem>>
        %dma_start3A_510 = tpu.memref_squeeze %dma_start3A_509 : memref<1x96x64xf32, #tpu.memory_space<vmem>> -> memref<96x64xf32, #tpu.memory_space<vmem>>
        %dma_start3A_511 = arith.constant 104 : i32
        %dma_start3A_512 = tpu.memref_slice %arg5[%add3A_490, %dma_start3A_511] : memref<128x200xi32, #tpu.memory_space<vmem>> -> memref<1x96xi32, #tpu.memory_space<vmem>>
        %dma_start3A_513 = tpu.memref_squeeze %dma_start3A_512 : memref<1x96xi32, #tpu.memory_space<vmem>> -> memref<96xi32, #tpu.memory_space<vmem>>
        %dma_start3A_514 = arith.constant 0 : i32
        %dma_start3A_515 = arith.constant 0 : i32
        %dma_start3A_516 = tpu.memref_slice %arg3[%dma_start3A_514, %dma_start3A_515] : memref<1000000x64xf32, #tpu.memory_space<hbm>> -> memref<1000000x64xf32, #tpu.memory_space<hbm>>
        %dma_start3A_517 = tpu.memref_slice %arg8[%dma_start3A_506] : memref<4x!tpu.dma_semaphore, #tpu.memory_space<semaphore_mem>> -> memref<1x!tpu.dma_semaphore, #tpu.memory_space<semaphore_mem>>
        %dma_start3A_518 = tpu.memref_squeeze %dma_start3A_517 : memref<1x!tpu.dma_semaphore, #tpu.memory_space<semaphore_mem>> -> memref<!tpu.dma_semaphore, #tpu.memory_space<semaphore_mem>>
        tpu.enqueue_indirect_dma source(%dma_start3A_516 : memref<1000000x64xf32, #tpu.memory_space<hbm>>) target(%dma_start3A_510 : memref<96x64xf32, #tpu.memory_space<vmem>>) offsets(%dma_start3A_513 : memref<96xi32, #tpu.memory_space<vmem>>) semaphore(%dma_start3A_518 : memref<!tpu.dma_semaphore, #tpu.memory_space<semaphore_mem>>)
      } else {
      }
      %add3A_468 = arith.addi %mul3A_2, %add3A_421 : i32
      %dma_start3A_469 = arith.constant 3 : i32
      %dma_start3A_470 = arith.constant 3 : i32
      %dma_start3A_471 = arith.constant 0 : i32
      %dma_start3A_472 = arith.constant 0 : i32
      %dma_start3A_473 = tpu.memref_slice %arg7[%dma_start3A_469, %dma_start3A_471, %dma_start3A_472] : memref<4x200x64xf32, #tpu.memory_space<vmem>> -> memref<1x200x64xf32, #tpu.memory_space<vmem>>
      %dma_start3A_474 = tpu.memref_squeeze %dma_start3A_473 : memref<1x200x64xf32, #tpu.memory_space<vmem>> -> memref<200x64xf32, #tpu.memory_space<vmem>>
      %dma_start3A_475 = arith.constant 0 : i32
      %dma_start3A_476 = arith.constant 0 : i32
      %dma_start3A_477 = tpu.memref_slice %arg4[%add3A_468, %dma_start3A_475, %dma_start3A_476] : memref<4096x200x64xf32, #tpu.memory_space<hbm>> -> memref<1x200x64xf32, #tpu.memory_space<hbm>>
      %dma_start3A_478 = tpu.memref_squeeze %dma_start3A_477 : memref<1x200x64xf32, #tpu.memory_space<hbm>> -> memref<200x64xf32, #tpu.memory_space<hbm>>
      %dma_start3A_479 = tpu.memref_slice %arg9[%dma_start3A_470] : memref<4x!tpu.dma_semaphore, #tpu.memory_space<semaphore_mem>> -> memref<1x!tpu.dma_semaphore, #tpu.memory_space<semaphore_mem>>
      %dma_start3A_480 = tpu.memref_squeeze %dma_start3A_479 : memref<1x!tpu.dma_semaphore, #tpu.memory_space<semaphore_mem>> -> memref<!tpu.dma_semaphore, #tpu.memory_space<semaphore_mem>>
      %dma_start3A_481 = arith.constant 0 : i32
      %dma_start3A_482 = arith.constant 0 : i32
      %dma_start3A_483 = tpu.memref_slice %arg4[%add3A_468, %dma_start3A_481, %dma_start3A_482] : memref<4096x200x64xf32, #tpu.memory_space<hbm>> -> memref<1x200x64xf32, #tpu.memory_space<hbm>>
      %dma_start3A_484 = tpu.memref_squeeze %dma_start3A_483 : memref<1x200x64xf32, #tpu.memory_space<hbm>> -> memref<200x64xf32, #tpu.memory_space<hbm>>
      %dma_start3A_485 = arith.constant 0 : i32
      %dma_start3A_486 = arith.constant 0 : i32
      %dma_start3A_487 = tpu.memref_slice %arg7[%dma_start3A_469, %dma_start3A_485, %dma_start3A_486] : memref<4x200x64xf32, #tpu.memory_space<vmem>> -> memref<1x200x64xf32, #tpu.memory_space<vmem>>
      %dma_start3A_488 = tpu.memref_squeeze %dma_start3A_487 : memref<1x200x64xf32, #tpu.memory_space<vmem>> -> memref<200x64xf32, #tpu.memory_space<vmem>>
      tpu.enqueue_dma source(%dma_start3A_488 : memref<200x64xf32, #tpu.memory_space<vmem>>) target(%dma_start3A_484 : memref<200x64xf32, #tpu.memory_space<hbm>>) target_semaphore(%dma_start3A_480 : memref<!tpu.dma_semaphore, #tpu.memory_space<semaphore_mem>>)
    }
    %scan3A_126 = arith.constant 32 : i32
    %add3A_127 = arith.constant 124 : i32
    %add3A_128 = arith.addi %mul3A_2, %add3A_127 : i32
    %dma_wait3A = arith.constant 0 : i32
    %dma_wait3A_129 = arith.constant 0 : i32
    %dma_wait3A_130 = arith.constant 0 : i32
    %dma_wait3A_131 = arith.constant 0 : i32
    %dma_wait3A_132 = tpu.memref_slice %arg7[%dma_wait3A, %dma_wait3A_130, %dma_wait3A_131] : memref<4x200x64xf32, #tpu.memory_space<vmem>> -> memref<1x200x64xf32, #tpu.memory_space<vmem>>
    %dma_wait3A_133 = tpu.memref_squeeze %dma_wait3A_132 : memref<1x200x64xf32, #tpu.memory_space<vmem>> -> memref<200x64xf32, #tpu.memory_space<vmem>>
    %dma_wait3A_134 = arith.constant 0 : i32
    %dma_wait3A_135 = arith.constant 0 : i32
    %dma_wait3A_136 = tpu.memref_slice %arg4[%add3A_128, %dma_wait3A_134, %dma_wait3A_135] : memref<4096x200x64xf32, #tpu.memory_space<hbm>> -> memref<1x200x64xf32, #tpu.memory_space<hbm>>
    %dma_wait3A_137 = tpu.memref_squeeze %dma_wait3A_136 : memref<1x200x64xf32, #tpu.memory_space<hbm>> -> memref<200x64xf32, #tpu.memory_space<hbm>>
    %dma_wait3A_138 = tpu.memref_slice %arg9[%dma_wait3A_129] : memref<4x!tpu.dma_semaphore, #tpu.memory_space<semaphore_mem>> -> memref<1x!tpu.dma_semaphore, #tpu.memory_space<semaphore_mem>>
    %dma_wait3A_139 = tpu.memref_squeeze %dma_wait3A_138 : memref<1x!tpu.dma_semaphore, #tpu.memory_space<semaphore_mem>> -> memref<!tpu.dma_semaphore, #tpu.memory_space<semaphore_mem>>
    %dma_wait3A_140 = arith.constant 0 : i32
    %dma_wait3A_141 = arith.constant 0 : i32
    %dma_wait3A_142 = tpu.memref_slice %arg4[%add3A_128, %dma_wait3A_140, %dma_wait3A_141] : memref<4096x200x64xf32, #tpu.memory_space<hbm>> -> memref<1x200x64xf32, #tpu.memory_space<hbm>>
    %dma_wait3A_143 = tpu.memref_squeeze %dma_wait3A_142 : memref<1x200x64xf32, #tpu.memory_space<hbm>> -> memref<200x64xf32, #tpu.memory_space<hbm>>
    %dma_wait3A_144 = arith.constant 0 : i32
    %dma_wait3A_145 = arith.constant 0 : i32
    %dma_wait3A_146 = tpu.memref_slice %arg7[%dma_wait3A, %dma_wait3A_144, %dma_wait3A_145] : memref<4x200x64xf32, #tpu.memory_space<vmem>> -> memref<1x200x64xf32, #tpu.memory_space<vmem>>
    %dma_wait3A_147 = tpu.memref_squeeze %dma_wait3A_146 : memref<1x200x64xf32, #tpu.memory_space<vmem>> -> memref<200x64xf32, #tpu.memory_space<vmem>>
    tpu.wait_dma2 semaphore(%dma_wait3A_139 : memref<!tpu.dma_semaphore, #tpu.memory_space<semaphore_mem>>) src(%dma_wait3A_147 : memref<200x64xf32, #tpu.memory_space<vmem>>) dst(%dma_wait3A_143 : memref<200x64xf32, #tpu.memory_space<hbm>>)
    %add3A_148 = arith.constant 125 : i32
    %add3A_149 = arith.addi %mul3A_2, %add3A_148 : i32
    %dma_wait3A_150 = arith.constant 1 : i32
    %dma_wait3A_151 = arith.constant 1 : i32
    %dma_wait3A_152 = arith.constant 0 : i32
    %dma_wait3A_153 = arith.constant 0 : i32
    %dma_wait3A_154 = tpu.memref_slice %arg7[%dma_wait3A_150, %dma_wait3A_152, %dma_wait3A_153] : memref<4x200x64xf32, #tpu.memory_space<vmem>> -> memref<1x200x64xf32, #tpu.memory_space<vmem>>
    %dma_wait3A_155 = tpu.memref_squeeze %dma_wait3A_154 : memref<1x200x64xf32, #tpu.memory_space<vmem>> -> memref<200x64xf32, #tpu.memory_space<vmem>>
    %dma_wait3A_156 = arith.constant 0 : i32
    %dma_wait3A_157 = arith.constant 0 : i32
    %dma_wait3A_158 = tpu.memref_slice %arg4[%add3A_149, %dma_wait3A_156, %dma_wait3A_157] : memref<4096x200x64xf32, #tpu.memory_space<hbm>> -> memref<1x200x64xf32, #tpu.memory_space<hbm>>
    %dma_wait3A_159 = tpu.memref_squeeze %dma_wait3A_158 : memref<1x200x64xf32, #tpu.memory_space<hbm>> -> memref<200x64xf32, #tpu.memory_space<hbm>>
    %dma_wait3A_160 = tpu.memref_slice %arg9[%dma_wait3A_151] : memref<4x!tpu.dma_semaphore, #tpu.memory_space<semaphore_mem>> -> memref<1x!tpu.dma_semaphore, #tpu.memory_space<semaphore_mem>>
    %dma_wait3A_161 = tpu.memref_squeeze %dma_wait3A_160 : memref<1x!tpu.dma_semaphore, #tpu.memory_space<semaphore_mem>> -> memref<!tpu.dma_semaphore, #tpu.memory_space<semaphore_mem>>
    %dma_wait3A_162 = arith.constant 0 : i32
    %dma_wait3A_163 = arith.constant 0 : i32
    %dma_wait3A_164 = tpu.memref_slice %arg4[%add3A_149, %dma_wait3A_162, %dma_wait3A_163] : memref<4096x200x64xf32, #tpu.memory_space<hbm>> -> memref<1x200x64xf32, #tpu.memory_space<hbm>>
    %dma_wait3A_165 = tpu.memref_squeeze %dma_wait3A_164 : memref<1x200x64xf32, #tpu.memory_space<hbm>> -> memref<200x64xf32, #tpu.memory_space<hbm>>
    %dma_wait3A_166 = arith.constant 0 : i32
    %dma_wait3A_167 = arith.constant 0 : i32
    %dma_wait3A_168 = tpu.memref_slice %arg7[%dma_wait3A_150, %dma_wait3A_166, %dma_wait3A_167] : memref<4x200x64xf32, #tpu.memory_space<vmem>> -> memref<1x200x64xf32, #tpu.memory_space<vmem>>
    %dma_wait3A_169 = tpu.memref_squeeze %dma_wait3A_168 : memref<1x200x64xf32, #tpu.memory_space<vmem>> -> memref<200x64xf32, #tpu.memory_space<vmem>>
    tpu.wait_dma2 semaphore(%dma_wait3A_161 : memref<!tpu.dma_semaphore, #tpu.memory_space<semaphore_mem>>) src(%dma_wait3A_169 : memref<200x64xf32, #tpu.memory_space<vmem>>) dst(%dma_wait3A_165 : memref<200x64xf32, #tpu.memory_space<hbm>>)
    %add3A_170 = arith.constant 126 : i32
    %add3A_171 = arith.addi %mul3A_2, %add3A_170 : i32
    %dma_wait3A_172 = arith.constant 2 : i32
    %dma_wait3A_173 = arith.constant 2 : i32
    %dma_wait3A_174 = arith.constant 0 : i32
    %dma_wait3A_175 = arith.constant 0 : i32
    %dma_wait3A_176 = tpu.memref_slice %arg7[%dma_wait3A_172, %dma_wait3A_174, %dma_wait3A_175] : memref<4x200x64xf32, #tpu.memory_space<vmem>> -> memref<1x200x64xf32, #tpu.memory_space<vmem>>
    %dma_wait3A_177 = tpu.memref_squeeze %dma_wait3A_176 : memref<1x200x64xf32, #tpu.memory_space<vmem>> -> memref<200x64xf32, #tpu.memory_space<vmem>>
    %dma_wait3A_178 = arith.constant 0 : i32
    %dma_wait3A_179 = arith.constant 0 : i32
    %dma_wait3A_180 = tpu.memref_slice %arg4[%add3A_171, %dma_wait3A_178, %dma_wait3A_179] : memref<4096x200x64xf32, #tpu.memory_space<hbm>> -> memref<1x200x64xf32, #tpu.memory_space<hbm>>
    %dma_wait3A_181 = tpu.memref_squeeze %dma_wait3A_180 : memref<1x200x64xf32, #tpu.memory_space<hbm>> -> memref<200x64xf32, #tpu.memory_space<hbm>>
    %dma_wait3A_182 = tpu.memref_slice %arg9[%dma_wait3A_173] : memref<4x!tpu.dma_semaphore, #tpu.memory_space<semaphore_mem>> -> memref<1x!tpu.dma_semaphore, #tpu.memory_space<semaphore_mem>>
    %dma_wait3A_183 = tpu.memref_squeeze %dma_wait3A_182 : memref<1x!tpu.dma_semaphore, #tpu.memory_space<semaphore_mem>> -> memref<!tpu.dma_semaphore, #tpu.memory_space<semaphore_mem>>
    %dma_wait3A_184 = arith.constant 0 : i32
    %dma_wait3A_185 = arith.constant 0 : i32
    %dma_wait3A_186 = tpu.memref_slice %arg4[%add3A_171, %dma_wait3A_184, %dma_wait3A_185] : memref<4096x200x64xf32, #tpu.memory_space<hbm>> -> memref<1x200x64xf32, #tpu.memory_space<hbm>>
    %dma_wait3A_187 = tpu.memref_squeeze %dma_wait3A_186 : memref<1x200x64xf32, #tpu.memory_space<hbm>> -> memref<200x64xf32, #tpu.memory_space<hbm>>
    %dma_wait3A_188 = arith.constant 0 : i32
    %dma_wait3A_189 = arith.constant 0 : i32
    %dma_wait3A_190 = tpu.memref_slice %arg7[%dma_wait3A_172, %dma_wait3A_188, %dma_wait3A_189] : memref<4x200x64xf32, #tpu.memory_space<vmem>> -> memref<1x200x64xf32, #tpu.memory_space<vmem>>
    %dma_wait3A_191 = tpu.memref_squeeze %dma_wait3A_190 : memref<1x200x64xf32, #tpu.memory_space<vmem>> -> memref<200x64xf32, #tpu.memory_space<vmem>>
    tpu.wait_dma2 semaphore(%dma_wait3A_183 : memref<!tpu.dma_semaphore, #tpu.memory_space<semaphore_mem>>) src(%dma_wait3A_191 : memref<200x64xf32, #tpu.memory_space<vmem>>) dst(%dma_wait3A_187 : memref<200x64xf32, #tpu.memory_space<hbm>>)
    %add3A_192 = arith.constant 127 : i32
    %add3A_193 = arith.addi %mul3A_2, %add3A_192 : i32
    %dma_wait3A_194 = arith.constant 3 : i32
    %dma_wait3A_195 = arith.constant 3 : i32
    %dma_wait3A_196 = arith.constant 0 : i32
    %dma_wait3A_197 = arith.constant 0 : i32
    %dma_wait3A_198 = tpu.memref_slice %arg7[%dma_wait3A_194, %dma_wait3A_196, %dma_wait3A_197] : memref<4x200x64xf32, #tpu.memory_space<vmem>> -> memref<1x200x64xf32, #tpu.memory_space<vmem>>
    %dma_wait3A_199 = tpu.memref_squeeze %dma_wait3A_198 : memref<1x200x64xf32, #tpu.memory_space<vmem>> -> memref<200x64xf32, #tpu.memory_space<vmem>>
    %dma_wait3A_200 = arith.constant 0 : i32
    %dma_wait3A_201 = arith.constant 0 : i32
    %dma_wait3A_202 = tpu.memref_slice %arg4[%add3A_193, %dma_wait3A_200, %dma_wait3A_201] : memref<4096x200x64xf32, #tpu.memory_space<hbm>> -> memref<1x200x64xf32, #tpu.memory_space<hbm>>
    %dma_wait3A_203 = tpu.memref_squeeze %dma_wait3A_202 : memref<1x200x64xf32, #tpu.memory_space<hbm>> -> memref<200x64xf32, #tpu.memory_space<hbm>>
    %dma_wait3A_204 = tpu.memref_slice %arg9[%dma_wait3A_195] : memref<4x!tpu.dma_semaphore, #tpu.memory_space<semaphore_mem>> -> memref<1x!tpu.dma_semaphore, #tpu.memory_space<semaphore_mem>>
    %dma_wait3A_205 = tpu.memref_squeeze %dma_wait3A_204 : memref<1x!tpu.dma_semaphore, #tpu.memory_space<semaphore_mem>> -> memref<!tpu.dma_semaphore, #tpu.memory_space<semaphore_mem>>
    %dma_wait3A_206 = arith.constant 0 : i32
    %dma_wait3A_207 = arith.constant 0 : i32
    %dma_wait3A_208 = tpu.memref_slice %arg4[%add3A_193, %dma_wait3A_206, %dma_wait3A_207] : memref<4096x200x64xf32, #tpu.memory_space<hbm>> -> memref<1x200x64xf32, #tpu.memory_space<hbm>>
    %dma_wait3A_209 = tpu.memref_squeeze %dma_wait3A_208 : memref<1x200x64xf32, #tpu.memory_space<hbm>> -> memref<200x64xf32, #tpu.memory_space<hbm>>
    %dma_wait3A_210 = arith.constant 0 : i32
    %dma_wait3A_211 = arith.constant 0 : i32
    %dma_wait3A_212 = tpu.memref_slice %arg7[%dma_wait3A_194, %dma_wait3A_210, %dma_wait3A_211] : memref<4x200x64xf32, #tpu.memory_space<vmem>> -> memref<1x200x64xf32, #tpu.memory_space<vmem>>
    %dma_wait3A_213 = tpu.memref_squeeze %dma_wait3A_212 : memref<1x200x64xf32, #tpu.memory_space<vmem>> -> memref<200x64xf32, #tpu.memory_space<vmem>>
    tpu.wait_dma2 semaphore(%dma_wait3A_205 : memref<!tpu.dma_semaphore, #tpu.memory_space<semaphore_mem>>) src(%dma_wait3A_213 : memref<200x64xf32, #tpu.memory_space<vmem>>) dst(%dma_wait3A_209 : memref<200x64xf32, #tpu.memory_space<hbm>>)
    return
  }
}

</mosaic_0001>

<sc_bundles>
// kernel: kernel.3.cloned.1.call-start
scs
__scs_entry_jumppad:
0x0: {  	(pc) =	sbr.rel $0x88, $3  }
0x1: {  	(tag) =	ssettag $0x0;
	lr =	simm.s32 $0x1  }
0x2: {  	[smem:$0x3F9F] =	sst lr;
	_ =	strace $0xD0000000  }
0x3: {  	_ = 	snop  }
0x4: {  	_ = 	snop  }
0x5: {  	_ = 	snop  }
0x6: {  	_ = 	snop  }
0x7: {  	_ = 	snop  }
__scs_overlays_trampoline_lowered:
0x8: {  	[smem:$0x3FAE] =	sst s0  }
0x9: {  	[smem:$0x3FAF] =	sst s1  }
0xa: {  	[smem:$0x3FB0] =	sst s2  }
0xb: {  	[smem:$0x3FB1] =	sst s3  }
0xc: {  	[smem:$0x3FB2] =	sst s4  }
0xd: {  	[smem:$0x3FB3] =	sst s5  }
0xe: {  	[smem:$0x3FB4] =	sst s6  }
0xf: {  	[smem:$0x3FB5] =	sst s7  }
0x10: {  	[smem:$0x3FB6] =	sst s8  }
0x11: {  	[smem:$0x3FB7] =	sst s9;
	s0 =	simm.s32 @!p0 $0x0  }
0x12: {  	s1 =	sld [smem:$0x3F9D];
	s0 =	simm.s32 @p0 $0x1  }
0x13: {  	[smem:$0x3FB8] =	sst s0;
	s0 =	simm.s32 @!p1 $0x0  }
0x14: {  	s2 =	sld [smem:$0x3F9C];
	s0 =	simm.s32 @p1 $0x1  }
0x15: {  	[smem:$0x3FB9] =	sst s0;
	s0 =	simm.s32 @!p2 $0x0  }
0x16: {  	s3 =	sld [smem:$0x3FDB];
	s0 =	simm.s32 @p2 $0x1  }
0x17: {  	s4 =	simm.s32 $0x1BF5;
	[smem:$0x3FBB] =	sst s0  }
0x18: {  	s0 =	sld [smem:$0x3F9E];
	_ =	swait.ge [sflag:s4], $0x0  }
0x19: {  	s7 =	sld [smem:$0x3F9F]  }
0x1a: {  	s8 =	sadd.s32 $0xFFFFE003, lr  }
0x1b: {  	s9 =	sadd.s32 $0xFFFFFEF7, lr;
	s5 =	simm.s32 $0xFFFFFFFF;
	p2 =	slt.u32 s8, $0xFFFFF086  }
0x1c: {  	p1 =	slt.u32 s9, $0xF7A;
	s5 =	simm.s32 @!p2 $0x0  }
0x1d: {  	s5 =	simm.s32 @p1 $0x1;
	p0 =	seq.s32 s7, s2  }
0x1e: {  	s7 =	smul.u32 @!p0 $0xF7A, s2;
	p2 =	seq.s32 @!p0 s5, $0x0  }
0x1f: {  	s9 =	smul.u32 $0xF7A, s1;
	s8 =	simm.s32 @!p0 $0x1BF5;
	p2 =	por !p2, p0  }
0x20: {  	[sflag:s8] =	ssyncset.s32 @!p0 $0xFFFFF086;
	s6 =	sadd.s32 @!p0 s3, s7;
	s7 =	simm.s32 @!p0 $0x108  }
0x21: {  	s3 =	sadd.s32 s3, s9;
	s6 =	sadd.s32 @!p0 $0x88, s6;
	s7 =	simm.s32 @p2 $0x1082  }
0x22: {  	[simem:s7], [sflag:s8] =	dma.local @!p0 [hbm:s6], $0xF7A  }
0x23: {  	s9 =	sor.u32 $0xD0000000, s2;
	s6 =	simm.s32 $0x108;
	_ =	swait.ge @!p0 [sflag:s8], $0x0  }
0x24: {  	s3 =	sadd.s32 $0x88, s3;
	s6 =	simm.s32 @!p1 $0x1082;
	[sflag:s4] =	ssyncset.s32 $0xFFFFF086  }
0x25: {  	[simem:s6], [sflag:s4] =	dma.local [hbm:s3], $0xF7A  }
0x26: {  	[smem:$0x3F9F] =	sst s1;
	(tag) =	ssettag s2;
	_ =	strace s9  }
0x27: {  	s1 =	sld [smem:$0x3FAF]  }
0x28: {  	s2 =	sld [smem:$0x3FB0]  }
0x29: {  	s4 =	sld [smem:$0x3FB2]  }
0x2a: {  	p0 =	seq.s32 s5, $0x0;
	s5 =	sld [smem:$0x3FB3]  }
0x2b: {  	s6 =	sld [smem:$0x3FB4]  }
0x2c: {  	s7 =	sld [smem:$0x3FB5]  }
0x2d: {  	s3 =	simm.s32 $0x108;
	s8 =	sld [smem:$0x3FB6]  }
0x2e: {  	s3 =	simm.s32 @!p0 $0x1082;
	s9 =	sld [smem:$0x3FB7]  }
0x2f: {  	lr =	sadd.s32 s0, s3;
	s0 =	sld [smem:$0x3FAE]  }
0x30: {  	s3 =	sld [smem:$0x3FB1]  }
0x31: {  	[smem:$0x3FBA] =	sst s10  }
0x32: {  	s10 =	sld [smem:$0x3FB8];
	_ =	sdelay $0x3  }
0x33: {  	p0 =	seq.s32 s10, $0x1;
	s10 =	sld [smem:$0x3FBA];
	_ =	sdelay $0x3  }
0x34: {  	[smem:$0x3FBA] =	sst s10  }
0x35: {  	s10 =	sld [smem:$0x3FB9];
	_ =	sdelay $0x3  }
0x36: {  	p1 =	seq.s32 s10, $0x1;
	s10 =	sld [smem:$0x3FBA];
	_ =	sdelay $0x3  }
0x37: {  	[smem:$0x3FBA] =	sst s10  }
0x38: {  	s10 =	sld [smem:$0x3FBB]  }
0x39: {  	_ = 	snop;
	(pc) =	sbr.ind lr, $3  }
0x3a: {  	_ = 	snop  }
0x3b: {  	_ = 	snop  }
0x3c: {  	p2 =	seq.s32 s10, $0x1;
	s10 =	sld [smem:$0x3FBA]  }
0x3d: {  	_ =	shalt  }
0x3e: {  	_ =	shalt  }
0x3f: {  	_ =	shalt  }
0x40: {  	_ =	shalt  }
0x41: {  	_ =	shalt  }
0x42: {  	_ =	shalt  }
0x43: {  	_ =	shalt  }
0x44: {  	_ =	shalt  }
0x45: {  	_ =	shalt  }
0x46: {  	_ =	shalt  }
0x47: {  	_ =	shalt  }
0x48: {  	_ =	shalt  }
0x49: {  	_ =	shalt  }
0x4a: {  	_ =	shalt  }
0x4b: {  	_ =	shalt  }
0x4c: {  	_ =	shalt  }
0x4d: {  	_ =	shalt  }
0x4e: {  	_ =	shalt  }
0x4f: {  	_ =	shalt  }
0x50: {  	_ =	shalt  }
0x51: {  	_ =	shalt  }
0x52: {  	_ =	shalt  }
0x53: {  	_ =	shalt  }
0x54: {  	_ =	shalt  }
0x55: {  	_ =	shalt  }
0x56: {  	_ =	shalt  }
0x57: {  	_ =	shalt  }
0x58: {  	_ =	shalt  }
0x59: {  	_ =	shalt  }
0x5a: {  	_ =	shalt  }
0x5b: {  	_ =	shalt  }
0x5c: {  	_ =	shalt  }
0x5d: {  	_ =	shalt  }
0x5e: {  	_ =	shalt  }
0x5f: {  	_ =	shalt  }
0x60: {  	_ =	shalt  }
0x61: {  	_ =	shalt  }
0x62: {  	_ =	shalt  }
0x63: {  	_ =	shalt  }
0x64: {  	_ =	shalt  }
0x65: {  	_ =	shalt  }
0x66: {  	_ =	shalt  }
0x67: {  	_ =	shalt  }
0x68: {  	_ =	shalt  }
0x69: {  	_ =	shalt  }
0x6a: {  	_ =	shalt  }
0x6b: {  	_ =	shalt  }
0x6c: {  	_ =	shalt  }
0x6d: {  	_ =	shalt  }
0x6e: {  	_ =	shalt  }
0x6f: {  	_ =	shalt  }
0x70: {  	_ =	shalt  }
0x71: {  	_ =	shalt  }
0x72: {  	_ =	shalt  }
0x73: {  	_ =	shalt  }
0x74: {  	_ =	shalt  }
0x75: {  	_ =	shalt  }
0x76: {  	_ =	shalt  }
0x77: {  	_ =	shalt  }
0x78: {  	_ =	shalt  }
0x79: {  	_ =	shalt  }
0x7a: {  	_ =	shalt  }
0x7b: {  	_ =	shalt  }
0x7c: {  	_ =	shalt  }
0x7d: {  	_ =	shalt  }
0x7e: {  	_ =	shalt  }
0x7f: {  	_ =	shalt  }
0x80: {  	_ =	shalt  }
0x81: {  	_ =	shalt  }
0x82: {  	_ =	shalt  }
0x83: {  	_ =	shalt  }
0x84: {  	_ =	shalt  }
0x85: {  	_ =	shalt  }
0x86: {  	_ =	shalt  }
0x87: {  	_ =	shalt  }
.Lfunc_end0:
.L_simem_size_0:
called_computation.1_lowered:
.L_overlay_start_0:
0x88: {  	s2 =	sld [smem:$0x3FD9]  }
0x89: {  	s3 =	sld [smem:$0x3FFE];
	_ =	sdelay $0x1  }
0x8a: {  	s1 =	srdreg.scid  }
0x8b: {  	s0 =	sand.u32 $0x1, s1  }
0x8c: {  	s17 =	sshll.u32 s0, $0xA;
	s2 =	sadd.s32 s3, s2  }
0x8d: {  	s2 =	sadd.s32 s2, s17  }
0x8e: {  	[smem:$0x3FC6] =	sst s2  }
0x8f: {  	_ = 	snop  }
0x90: {  	s2 =	sld [smem:$0x3FD0];
	(tm) =	ssettm $0x1  }
0x91: {  	s18 =	sld [smem:$0x3FFB];
	_ =	sdelay $0x3  }
0x92: {  	_ =	strace s18  }
0x93: {  	s3 =	sld [smem:$0x3FFC];
	_ =	sdelay $0x3  }
0x94: {  	_ =	strace s3  }
0x95: {  	s3 =	sld [smem:$0x3FFD];
	_ =	sdelay $0x3  }
0x96: {  	_ =	strace s3  }
0x97: {  	_ =	strace $0x8FFFFFFF  }
0x98: {  	s19 =	sld [smem:$0x3FDB];
	_ =	sdelay $0x1  }
0x99: {  	s4 =	simm.s32 $_scs_section_size  }
0x9a: {  	s5 =	simm.s32 $_size__tile_overlayer_lowered;
	s6 =	simm.s32 $_tile_overlayer_lowered  }
0x9b: {  	s22 =	simm.s32 $0x1BFF;
	s21 =	sshll.u32 s6, $0x1;
	s3 =	sadd.s32 s4, s19  }
0x9c: {  	s7 =	simm.s32 $0x0;
	s20 =	sshll.u32 s5, $0x1;
	s5 =	sadd.s32 s21, s3  }
0x9d: {  	[timem:s7], [sflag:s22] =	dma.local [hbm:s5], s20  }
0x9e: {  	_ =	swait.ge [sflag:s22], s20  }
0x9f: {  	s4 =	ssub.s32 $0x0, s20;
	[sflag:s22] =	ssyncset.done $0x0  }
0xa0: {  	[sflag:s22] =	ssyncadd.s32 s4;
	_ =	sdelay $0x1  }
0xa1: {  	s23 =	simm.s32 $0x1B8B  }
0xa2: {  	_ =	swait.ge [sflag:s23], $0x1  }
0xa3: {  	[sflag:s23] =	ssyncset.done $0x0  }
0xa4: {  	s25 =	simm.s32 $0x1B8E;
	s24 =	sld [smem:$0x3FFE];
	[sflag:s23] =	ssyncadd.s32 $0xFFFFFFFF  }
0xa5: {  	s26 =	simm.s32 $execute0_lowered;
	[smem:$0x3FD2] =	sst s25  }
0xa6: {  	s5 =	sshll.u32 s26, $0x1;
	_ =	strace $0x80000046;
	[dreg:$0x1] =	wrdreg $0xFFFFFFFF  }
0xa7: {  	s28 =	simm.s32 $_size_execute0_lowered;
	s3 =	sadd.s32 s3, s5;
	[dreg:$0x0] =	wrdreg $0x0  }
0xa8: {  	s5 =	sshll.u32 s28, $0x1;
	[dreg:$0x2] =	wrdreg s3  }
0xa9: {  	[dreg:$0x3] =	wrdreg s5  }
0xaa: {  	[dreg:$0x4] =	wrdreg $0xC0  }
0xab: {  	_ =	task [dreg:s7], $0x5FFFF  }
0xac: {  	[dreg:$0x1] =	wrdreg $0xFFFFFFFF  }
0xad: {  	[dreg:$0x0] =	wrdreg $0x60  }
0xae: {  	[dreg:$0x2] =	wrdreg s24  }
0xaf: {  	[dreg:$0x3] =	wrdreg s2  }
0xb0: {  	[dreg:$0x4] =	wrdreg $0x9  }
0xb1: {  	_ =	task.clear_ibuf [dreg:s7], $0x5FFFF;
	_ =	strace $0x90000046  }
0xb2: {  	s29 =	simm.s32 $0x9;
	_ =	strace $0x80000048  }
0xb3: {  	_ =	swait.ge [sflag:s29], $0x1  }
0xb4: {  	[sflag:s29] =	ssyncadd.s32 $0xFFFFFFFF  }
0xb5: {  	_ =	strace $0x90000048  }
0xb6: {  	_ =	sfence  }
0xb7: {  	s30 =	sld [smem:$0x0];
	_ =	sdelay $0x2  }
0xb8: {  	s31 =	sshll.u32 s1, $0xD;
	s1 =	sshrl.u32 s1, $0x2  }
0xb9: {  	s3 =	sand.u32 $0x4000, s31;
	s1 =	sadd.s32 s1, s30  }
0xba: {  	s0 =	sor.u32 s3, s0;
	s1 =	sshll.u32 s1, $0x11  }
0xbb: {  	s0 =	sor.u32 s1, s0  }
0xbc: {  	s0 =	sadd.s32 $0x8F2B, s0  }
0xbd: {  	[sflag:s0] =	ssyncadd.remote.s32 $0x1  }
0xbe: {  	_ =	sfence.sel $0xFFFF  }
0xbf: {  	[dreg:$0x0] =	wrdreg $0xFFFFFFFF;
	(pc) =	sbr.abs _section_cstart, $3  }
0xc0: {  	[dreg:$0x1] =	wrdreg $0xFFFFFFFF  }
0xc1: {  	_ =	task.clear_ibuf [dreg:s7], $0x2FFFF;
	_ =	strace $0x9FFFFFFF  }
0xc2: {  	(tm) =	ssettm $0x7FFFFFFF  }
0xc3: {  	_ =	shalt  }
tec
execute0_lowered:
.L_overlay_start_1:
0x0: {  	(tag) =	ssettag $0x1  }
0x1: {  	s0 =	srdreg.scid;
	s1 =	rddreg [dreg:$0x0]  }
0x2: {  	s3 =	stileid.u32;
	s2 =	rddreg [dreg:$0x1]  }
0x3: {  	s8 =	simm.s32 $0x9;
	s9 =	simm.s32 $0x68;
	s11 =	simm.s32 $0x60  }
0x4: {  	s23 =	simm.s32 $0x2C0;
	s24 =	simm.s32 $0x11400;
	s25 =	simm.s32 $0x1  }
0x5: {  	s26 =	simm.s32 $0x12C00;
	s28 =	simm.s32 $0x2;
	s29 =	simm.s32 $0x15E00  }
0x6: {  	s30 =	simm.s32 $0x3;
	s31 =	simm.s32 $0x19000;
	s10 =	simm.s32 $0x5  }
0x7: {  	s12 =	simm.s32 $0x6;
	s13 =	simm.s32 $0x7;
	s0 =	sand.u32 $0x1, s0  }
0x8: {  	s14 =	simm.s32 $0x8;
	s3 =	sshll.u32 s3, $0x8;
	s4 =	sshll.u32 s0, $0x7  }
0x9: {  	s0 =	ssub.s32 $0x2, s0;
	s3 =	sor.u32 s4, s3;
	s4 =	simm.s32 $0x0  }
0xa: {  	s6 =	sshrl.u32 s0, $0x1;
	s5 =	smul.u32 $0x19, s3;
	[smem:$0x7FF] =	sst s4  }
0xb: {  	s15 =	simm.s32 $0x0;
	s0 =	ssub.s32 s0, s6;
	_ =	strace $0x80000047  }
0xc: {  	s7 =	sadd.s32 s5, s1;
	s5 =	sadd.s32 $0xF42E00, s1;
	s1 =	simm.s32 $0x4  }
0xd: {  	s6 =	sadd.s32 $0xA00, s7;
	s7 =	smax.u32 s0, $0x1;
	s0 =	simm.s32 $0x1C200  }
.LBB2_1:
0xe: {  	[tilespmem:s4], [sflag:$0x9] =	stream.linear.gather [hbm4b:s6+s4], $0x6400, $0x38;
	[tilespmem:$0x1F400] =	vst v63  }
0xf: {  	_ =	swait.ge [sflag:s8], $0x6400  }
0x10: {  	[sflag:s8] =	ssyncset.done $0x0  }
0x11: {  	s16 =	simm.s32 $0x6400;
	[sflag:s8] =	ssyncadd.s32 $0xFFFF9C00  }
0x12: {  	[tilespmem:s16], [sflag:$0x1] =	stream.indirect.gather [hbm4b:s5+s9], $0x40, s4, s9, $0xb8;
	[tilespmem:$0x1F400] =	vst v63  }
0x13: {  	s19 =	simm.s32 $0x7E00  }
0x14: {  	[tilespmem:s19], [sflag:$0x1] =	stream.indirect.gather [hbm4b:s5+s11], $0x40, s9, s11, $0xb8;
	[tilespmem:$0x1F400] =	vst v63  }
0x15: {  	s20 =	simm.s32 $0xC8;
	s17 =	simm.s32 $0x9600  }
0x16: {  	[tilespmem:s17], [sflag:$0x2] =	stream.indirect.gather [hbm4b:s5+s9], $0x40, s20, s9, $0xb8;
	[tilespmem:$0x1F400] =	vst v63  }
0x17: {  	s21 =	simm.s32 $0x130;
	s22 =	simm.s32 $0xB000  }
0x18: {  	[tilespmem:s22], [sflag:$0x2] =	stream.indirect.gather [hbm4b:s5+s11], $0x40, s21, s11, $0xb8;
	[tilespmem:$0x1F400] =	vst v63  }
0x19: {  	s18 =	simm.s32 $0xC800;
	s17 =	simm.s32 $0x190  }
0x1a: {  	[tilespmem:s18], [sflag:$0x3] =	stream.indirect.gather [hbm4b:s5+s9], $0x40, s17, s9, $0xb8;
	[tilespmem:$0x1F400] =	vst v63  }
0x1b: {  	s19 =	simm.s32 $0x1F8;
	s20 =	simm.s32 $0xE200  }
0x1c: {  	[tilespmem:s20], [sflag:$0x3] =	stream.indirect.gather [hbm4b:s5+s11], $0x40, s19, s11, $0xb8;
	[tilespmem:$0x1F400] =	vst v63  }
0x1d: {  	s21 =	simm.s32 $0x258;
	s22 =	simm.s32 $0xFA00  }
0x1e: {  	[tilespmem:s22], [sflag:$0x4] =	stream.indirect.gather [hbm4b:s5+s9], $0x40, s21, s9, $0xb8;
	[tilespmem:$0x1F400] =	vst v63  }
0x1f: {  	s16 =	simm.s32 $0x0  }
0x20: {  	[tilespmem:s24], [sflag:$0x4] =	stream.indirect.gather [hbm4b:s5+s11], $0x40, s23, s11, $0xb8;
	[tilespmem:$0x1F400] =	vst v63  }
.LBB2_2:
0x21: {  	_ =	swait.ge [sflag:s25], $0x1A00  }
0x22: {  	[sflag:s25] =	ssyncset.done $0x0  }
0x23: {  	[sflag:s25] =	ssyncadd.s32 $0xFFFFE600  }
0x24: {  	_ =	swait.ge [sflag:s25], $0x1800  }
0x25: {  	p1 =	seq.s32 s16, $0x0;
	[sflag:s25] =	ssyncset.done $0x0  }
0x26: {  	s17 =	simm.s32 @!p1 $0x5;
	[sflag:s25] =	ssyncadd.s32 $0xFFFFE800  }
0x27: {  	_ =	swait.ge @!p1 [sflag:s17], $0x3200  }
0x28: {  	[sflag:s17] =	ssyncset.done @!p1 $0x0  }
0x29: {  	[sflag:s17] =	ssyncadd.s32 @!p1 $0xFFFFCE00;
	s17 =	simm.s32 $0x0  }
0x2a: {  	v0 =	vld [tilespmem:s17+$0x64F0]  }
0x2b: {  	v1 =	vld [tilespmem:s17+$0x6400]  }
0x2c: {  	v2 =	vld [tilespmem:s17+$0x6410]  }
0x2d: {  	v3 =	vld [tilespmem:s17+$0x6420]  }
0x2e: {  	v6 =	vld [tilespmem:s17+$0x6450]  }
0x2f: {  	v4 =	vld [tilespmem:s17+$0x6430];
	v0 =	vmul.f32 $8.000000000e+00, v0  }
0x30: {  	v5 =	vld [tilespmem:s17+$0x6440];
	v1 =	vmul.f32 $8.000000000e+00, v1  }
0x31: {  	v7 =	vld [tilespmem:s17+$0x6460];
	[tilespmem:s17+$0x12CF0] =	vst v0;
	v0 =	vmul.f32 $8.000000000e+00, v2  }
0x32: {  	v8 =	vld [tilespmem:s17+$0x6470];
	[tilespmem:s17+$0x12C00] =	vst v1;
	v1 =	vmul.f32 $8.000000000e+00, v3  }
0x33: {  	v2 =	vmul.f32 $8.000000000e+00, v6;
	[tilespmem:s17+$0x12C10] =	vst v0  }
0x34: {  	v9 =	vld [tilespmem:s17+$0x6480];
	v0 =	vmul.f32 $8.000000000e+00, v4;
	[tilespmem:s17+$0x12C20] =	vst v1  }
0x35: {  	v4 =	vld [tilespmem:s17+$0x6490];
	v1 =	vmul.f32 $8.000000000e+00, v5;
	[tilespmem:s17+$0x12C50] =	vst v2  }
0x36: {  	v3 =	vmul.f32 $8.000000000e+00, v7;
	[tilespmem:s17+$0x12C30] =	vst v0;
	v0 =	vld [tilespmem:s17+$0x64A0]  }
0x37: {  	v5 =	vmul.f32 $8.000000000e+00, v8;
	[tilespmem:s17+$0x12C40] =	vst v1;
	v1 =	vld [tilespmem:s17+$0x64B0]  }
0x38: {  	v2 =	vld [tilespmem:s17+$0x64C0];
	[tilespmem:s17+$0x12C60] =	vst v3  }
0x39: {  	v3 =	vld [tilespmem:s17+$0x64D0];
	[tilespmem:s17+$0x12C70] =	vst v5;
	v5 =	vmul.f32 $8.000000000e+00, v9  }
0x3a: {  	s18 =	sshll.u32 s16, $0x2;
	s19 =	simm.s32 $0x100;
	s20 =	simm.s32 $0x800;
	v6 =	vmul.f32 $8.000000000e+00, v4;
	v4 =	vld [tilespmem:s17+$0x64E0]  }
.LBB2_3:
0x3b: {  	p0 =	sne.s32 s20, $0xC400;
	v7 =	vld [tilespmem:s19+$0x64F0];
	[tilespmem:s17+$0x12C80] =	vst v5;
	v0 =	vmul.f32 $8.000000000e+00, v0  }
0x3c: {  	v5 =	vld [tilespmem:s19+$0x6400];
	[tilespmem:s17+$0x12C90] =	vst v6;
	v1 =	vmul.f32 $8.000000000e+00, v1  }
0x3d: {  	v6 =	vld [tilespmem:s19+$0x6410];
	[tilespmem:s17+$0x12CA0] =	vst v0;
	v0 =	vmul.f32 $8.000000000e+00, v2  }
0x3e: {  	v2 =	vld [tilespmem:s19+$0x6420];
	[tilespmem:s17+$0x12CB0] =	vst v1;
	v1 =	vmul.f32 $8.000000000e+00, v3  }
0x3f: {  	v3 =	vld [tilespmem:s19+$0x6430];
	[tilespmem:s17+$0x12CC0] =	vst v0;
	v0 =	vmul.f32 $8.000000000e+00, v4  }
0x40: {  	v4 =	vld [tilespmem:s19+$0x6440];
	v7 =	vmul.f32 $8.000000000e+00, v7;
	[tilespmem:s17+$0x12CD0] =	vst v1  }
0x41: {  	v1 =	vmul.f32 $8.000000000e+00, v5;
	v5 =	vld [tilespmem:s19+$0x6450];
	[tilespmem:s17+$0x12CE0] =	vst v0;
	s17 =	smov.u32 s19  }
0x42: {  	v0 =	vmul.f32 $8.000000000e+00, v6;
	v6 =	vld [tilespmem:s17+$0x6460];
	[tilespmem:s17+$0x12CF0] =	vst v7  }
0x43: {  	[tilespmem:s17+$0x12C00] =	vst v1;
	v1 =	vmul.f32 $8.000000000e+00, v2;
	v2 =	vld [tilespmem:s17+$0x6470]  }
0x44: {  	[tilespmem:s17+$0x12C10] =	vst v0;
	v0 =	vmul.f32 $8.000000000e+00, v3;
	v3 =	vld [tilespmem:s17+$0x6480]  }
0x45: {  	[tilespmem:s17+$0x12C20] =	vst v1;
	v1 =	vmul.f32 $8.000000000e+00, v4;
	v4 =	vld [tilespmem:s17+$0x6490]  }
.Ltmp0:
0x46: {  	[tilespmem:s17+$0x12C30] =	vst v0;
	v5 =	vmul.f32 $8.000000000e+00, v5;
	v0 =	vld [tilespmem:s17+$0x64A0];
	(pc) =	sbr.rel @p0 .LBB2_3-.Ltmp0, $4  }
0x47: {  	[tilespmem:s17+$0x12C40] =	vst v1;
	v6 =	vmul.f32 $8.000000000e+00, v6;
	v1 =	vld [tilespmem:s17+$0x64B0]  }
0x48: {  	[tilespmem:s17+$0x12C50] =	vst v5;
	v7 =	vmul.f32 $8.000000000e+00, v2;
	v2 =	vld [tilespmem:s17+$0x64C0]  }
0x49: {  	[tilespmem:s17+$0x12C60] =	vst v6;
	v5 =	vmul.f32 $8.000000000e+00, v3;
	v3 =	vld [tilespmem:s17+$0x64D0]  }
0x4a: {  	s19 =	sshra.s32 s20, $0x2;
	s20 =	sadd.s32 $0x400, s20;
	[tilespmem:s17+$0x12C70] =	vst v7;
	v6 =	vmul.f32 $8.000000000e+00, v4;
	v4 =	vld [tilespmem:s17+$0x64E0]  }
0x4b: {  	v7 =	vld [tilespmem:s19+$0x64F0];
	[tilespmem:s17+$0x12C80] =	vst v5;
	v0 =	vmul.f32 $8.000000000e+00, v0  }
0x4c: {  	v5 =	vld [tilespmem:s19+$0x6400];
	[tilespmem:s17+$0x12C90] =	vst v6;
	v1 =	vmul.f32 $8.000000000e+00, v1  }
0x4d: {  	v6 =	vld [tilespmem:s19+$0x6410];
	[tilespmem:s17+$0x12CA0] =	vst v0;
	v2 =	vmul.f32 $8.000000000e+00, v2  }
0x4e: {  	v0 =	vld [tilespmem:s19+$0x6420];
	[tilespmem:s17+$0x12CB0] =	vst v1;
	v3 =	vmul.f32 $8.000000000e+00, v3  }
0x4f: {  	v1 =	vld [tilespmem:s19+$0x6430];
	[tilespmem:s17+$0x12CC0] =	vst v2;
	v4 =	vmul.f32 $8.000000000e+00, v4  }
0x50: {  	v2 =	vld [tilespmem:s19+$0x6440];
	[tilespmem:s17+$0x12CD0] =	vst v3;
	v7 =	vmul.f32 $8.000000000e+00, v7  }
0x51: {  	v3 =	vld [tilespmem:s19+$0x6450];
	[tilespmem:s17+$0x12CE0] =	vst v4;
	v4 =	vmul.f32 $8.000000000e+00, v5  }
0x52: {  	v5 =	vld [tilespmem:s19+$0x6460];
	[tilespmem:s19+$0x12CF0] =	vst v7;
	v6 =	vmul.f32 $8.000000000e+00, v6  }
0x53: {  	[tilespmem:s19+$0x12C00] =	vst v4;
	v4 =	vld [tilespmem:s19+$0x6470];
	v0 =	vmul.f32 $8.000000000e+00, v0  }
0x54: {  	[tilespmem:s19+$0x12C10] =	vst v6;
	v6 =	vld [tilespmem:s19+$0x6480];
	v1 =	vmul.f32 $8.000000000e+00, v1  }
0x55: {  	[tilespmem:s19+$0x12C20] =	vst v0;
	v0 =	vld [tilespmem:s19+$0x6490];
	v2 =	vmul.f32 $8.000000000e+00, v2  }
0x56: {  	[tilespmem:s19+$0x12C30] =	vst v1;
	v1 =	vld [tilespmem:s19+$0x64A0];
	v3 =	vmul.f32 $8.000000000e+00, v3  }
0x57: {  	[tilespmem:s19+$0x12C40] =	vst v2;
	v2 =	vld [tilespmem:s19+$0x64B0];
	v5 =	vmul.f32 $8.000000000e+00, v5  }
0x58: {  	[tilespmem:s19+$0x12C50] =	vst v3;
	v3 =	vld [tilespmem:s19+$0x64C0];
	v4 =	vmul.f32 $8.000000000e+00, v4  }
0x59: {  	[tilespmem:s19+$0x12C60] =	vst v5;
	v5 =	vld [tilespmem:s19+$0x64D0];
	v6 =	vmul.f32 $8.000000000e+00, v6  }
0x5a: {  	[tilespmem:s19+$0x12C70] =	vst v4;
	v0 =	vmul.f32 $8.000000000e+00, v0;
	v4 =	vld [tilespmem:s19+$0x64E0]  }
0x5b: {  	[tilespmem:s19+$0x12C80] =	vst v6;
	v1 =	vmul.f32 $8.000000000e+00, v1  }
0x5c: {  	[tilespmem:s19+$0x12C90] =	vst v0;
	v0 =	vmul.f32 $8.000000000e+00, v2  }
0x5d: {  	p0 =	seq.s32 s16, $0x1F;
	[tilespmem:s19+$0x12CA0] =	vst v1;
	v1 =	vmul.f32 $8.000000000e+00, v3  }
0x5e: {  	s17 =	smul.u32 @!p0 $0xC80, s16;
	[tilespmem:s19+$0x12CB0] =	vst v0;
	v0 =	vmul.f32 $8.000000000e+00, v5  }
0x5f: {  	[tilespmem:s19+$0x12CC0] =	vst v1;
	v1 =	vmul.f32 $8.000000000e+00, v4  }
0x60: {  	s17 =	sshra.s32 @!p0 s17, $0x2;
	[tilespmem:s19+$0x12CD0] =	vst v0  }
0x61: {  	s20 =	simm.s32 @!p0 $0x68;
	s21 =	simm.s32 @!p0 $0x6400;
	[tilespmem:s19+$0x12CE0] =	vst v1;
	s19 =	sadd.s32 @!p0 $0x320, s17  }
0x62: {  	[tilespmem:s21], [sflag:$0x1] =	stream.indirect.gather @!p0 [hbm4b:s5+s20], $0x40, s19, s20, $0xb8;
	[tilespmem:$0x1F400] =	vst v63  }
0x63: {  	s22 =	simm.s32 @!p0 $0x7E00;
	s20 =	sadd.s32 s3, s18  }
0x64: {  	s19 =	sadd.s32 @!p0 $0x388, s17;
	s21 =	simm.s32 @!p0 $0x60;
	s20 =	smul.u32 $0x640, s20  }
0x65: {  	[tilespmem:s22], [sflag:$0x1] =	stream.indirect.gather @!p0 [hbm4b:s5+s21], $0x40, s19, s21, $0xb8;
	[tilespmem:$0x1F400] =	vst v63  }
0x66: {  	s22 =	sadd.s32 s2, s20  }
0x67: {  	[hbm4b:s22+s4] =	stream.linear.scatter [tilespmem:s26], [sflag:$0x5], $0x3200, $0x38;
	[tilespmem:$0x1F400] =	vst v63  }
0x68: {  	_ =	swait.ge [sflag:s28], $0x1A00  }
0x69: {  	[sflag:s28] =	ssyncset.done $0x0  }
0x6a: {  	[sflag:s28] =	ssyncadd.s32 $0xFFFFE600  }
0x6b: {  	_ =	swait.ge [sflag:s28], $0x1800  }
0x6c: {  	[sflag:s28] =	ssyncset.done $0x0  }
0x6d: {  	s19 =	simm.s32 @!p1 $0x6;
	[sflag:s28] =	ssyncadd.s32 $0xFFFFE800  }
0x6e: {  	_ =	swait.ge @!p1 [sflag:s19], $0x3200  }
0x6f: {  	[sflag:s19] =	ssyncset.done @!p1 $0x0  }
0x70: {  	s20 =	simm.s32 $0x0;
	[sflag:s19] =	ssyncadd.s32 @!p1 $0xFFFFCE00  }
0x71: {  	v0 =	vld [tilespmem:s20+$0x96F0]  }
0x72: {  	v1 =	vld [tilespmem:s20+$0x9600]  }
0x73: {  	v2 =	vld [tilespmem:s20+$0x9610]  }
0x74: {  	v3 =	vld [tilespmem:s20+$0x9620]  }
0x75: {  	v6 =	vld [tilespmem:s20+$0x9650]  }
0x76: {  	v4 =	vld [tilespmem:s20+$0x9630];
	v0 =	vmul.f32 $8.000000000e+00, v0  }
0x77: {  	v5 =	vld [tilespmem:s20+$0x9640];
	v1 =	vmul.f32 $8.000000000e+00, v1  }
0x78: {  	v7 =	vld [tilespmem:s20+$0x9660];
	[tilespmem:s20+$0x15EF0] =	vst v0;
	v0 =	vmul.f32 $8.000000000e+00, v2  }
0x79: {  	v8 =	vld [tilespmem:s20+$0x9670];
	[tilespmem:s20+$0x15E00] =	vst v1;
	v1 =	vmul.f32 $8.000000000e+00, v3  }
0x7a: {  	v2 =	vmul.f32 $8.000000000e+00, v6;
	[tilespmem:s20+$0x15E10] =	vst v0  }
0x7b: {  	v9 =	vld [tilespmem:s20+$0x9680];
	v0 =	vmul.f32 $8.000000000e+00, v4;
	[tilespmem:s20+$0x15E20] =	vst v1  }
0x7c: {  	v4 =	vld [tilespmem:s20+$0x9690];
	v1 =	vmul.f32 $8.000000000e+00, v5;
	[tilespmem:s20+$0x15E50] =	vst v2  }
0x7d: {  	v3 =	vmul.f32 $8.000000000e+00, v7;
	[tilespmem:s20+$0x15E30] =	vst v0;
	v0 =	vld [tilespmem:s20+$0x96A0]  }
0x7e: {  	v5 =	vmul.f32 $8.000000000e+00, v8;
	[tilespmem:s20+$0x15E40] =	vst v1;
	v1 =	vld [tilespmem:s20+$0x96B0]  }
0x7f: {  	v2 =	vld [tilespmem:s20+$0x96C0];
	[tilespmem:s20+$0x15E60] =	vst v3  }
0x80: {  	v3 =	vld [tilespmem:s20+$0x96D0];
	[tilespmem:s20+$0x15E70] =	vst v5;
	v5 =	vmul.f32 $8.000000000e+00, v9  }
0x81: {  	s21 =	simm.s32 $0x100;
	s22 =	simm.s32 $0x800;
	s19 =	sor.u32 $0x1, s18;
	v6 =	vmul.f32 $8.000000000e+00, v4;
	v4 =	vld [tilespmem:s20+$0x96E0]  }
.LBB2_5:
0x82: {  	p2 =	sne.s32 s22, $0xC400;
	v7 =	vld [tilespmem:s21+$0x96F0];
	[tilespmem:s20+$0x15E80] =	vst v5;
	v0 =	vmul.f32 $8.000000000e+00, v0  }
0x83: {  	v5 =	vld [tilespmem:s21+$0x9600];
	[tilespmem:s20+$0x15E90] =	vst v6;
	v1 =	vmul.f32 $8.000000000e+00, v1  }
0x84: {  	v6 =	vld [tilespmem:s21+$0x9610];
	[tilespmem:s20+$0x15EA0] =	vst v0;
	v0 =	vmul.f32 $8.000000000e+00, v2  }
0x85: {  	v2 =	vld [tilespmem:s21+$0x9620];
	[tilespmem:s20+$0x15EB0] =	vst v1;
	v1 =	vmul.f32 $8.000000000e+00, v3  }
0x86: {  	v3 =	vld [tilespmem:s21+$0x9630];
	[tilespmem:s20+$0x15EC0] =	vst v0;
	v0 =	vmul.f32 $8.000000000e+00, v4  }
0x87: {  	v4 =	vld [tilespmem:s21+$0x9640];
	v7 =	vmul.f32 $8.000000000e+00, v7;
	[tilespmem:s20+$0x15ED0] =	vst v1  }
0x88: {  	v1 =	vmul.f32 $8.000000000e+00, v5;
	v5 =	vld [tilespmem:s21+$0x9650];
	[tilespmem:s20+$0x15EE0] =	vst v0;
	s20 =	smov.u32 s21  }
0x89: {  	v0 =	vmul.f32 $8.000000000e+00, v6;
	v6 =	vld [tilespmem:s20+$0x9660];
	[tilespmem:s20+$0x15EF0] =	vst v7  }
0x8a: {  	[tilespmem:s20+$0x15E00] =	vst v1;
	v1 =	vmul.f32 $8.000000000e+00, v2;
	v2 =	vld [tilespmem:s20+$0x9670]  }
0x8b: {  	[tilespmem:s20+$0x15E10] =	vst v0;
	v0 =	vmul.f32 $8.000000000e+00, v3;
	v3 =	vld [tilespmem:s20+$0x9680]  }
0x8c: {  	[tilespmem:s20+$0x15E20] =	vst v1;
	v1 =	vmul.f32 $8.000000000e+00, v4;
	v4 =	vld [tilespmem:s20+$0x9690]  }
.Ltmp1:
0x8d: {  	[tilespmem:s20+$0x15E30] =	vst v0;
	v5 =	vmul.f32 $8.000000000e+00, v5;
	v0 =	vld [tilespmem:s20+$0x96A0];
	(pc) =	sbr.rel @p2 .LBB2_5-.Ltmp1, $4  }
0x8e: {  	[tilespmem:s20+$0x15E40] =	vst v1;
	v6 =	vmul.f32 $8.000000000e+00, v6;
	v1 =	vld [tilespmem:s20+$0x96B0]  }
0x8f: {  	[tilespmem:s20+$0x15E50] =	vst v5;
	v7 =	vmul.f32 $8.000000000e+00, v2;
	v2 =	vld [tilespmem:s20+$0x96C0]  }
0x90: {  	[tilespmem:s20+$0x15E60] =	vst v6;
	v5 =	vmul.f32 $8.000000000e+00, v3;
	v3 =	vld [tilespmem:s20+$0x96D0]  }
0x91: {  	s21 =	sshra.s32 s22, $0x2;
	s22 =	sadd.s32 $0x400, s22;
	[tilespmem:s20+$0x15E70] =	vst v7;
	v6 =	vmul.f32 $8.000000000e+00, v4;
	v4 =	vld [tilespmem:s20+$0x96E0]  }
0x92: {  	v7 =	vld [tilespmem:s21+$0x96F0];
	[tilespmem:s20+$0x15E80] =	vst v5;
	v0 =	vmul.f32 $8.000000000e+00, v0  }
0x93: {  	v5 =	vld [tilespmem:s21+$0x9600];
	[tilespmem:s20+$0x15E90] =	vst v6;
	v1 =	vmul.f32 $8.000000000e+00, v1  }
0x94: {  	v6 =	vld [tilespmem:s21+$0x9610];
	[tilespmem:s20+$0x15EA0] =	vst v0;
	v2 =	vmul.f32 $8.000000000e+00, v2  }
0x95: {  	v0 =	vld [tilespmem:s21+$0x9620];
	[tilespmem:s20+$0x15EB0] =	vst v1;
	v3 =	vmul.f32 $8.000000000e+00, v3  }
0x96: {  	v1 =	vld [tilespmem:s21+$0x9630];
	[tilespmem:s20+$0x15EC0] =	vst v2;
	v4 =	vmul.f32 $8.000000000e+00, v4  }
0x97: {  	v2 =	vld [tilespmem:s21+$0x9640];
	[tilespmem:s20+$0x15ED0] =	vst v3;
	v7 =	vmul.f32 $8.000000000e+00, v7  }
0x98: {  	v3 =	vld [tilespmem:s21+$0x9650];
	[tilespmem:s20+$0x15EE0] =	vst v4;
	v4 =	vmul.f32 $8.000000000e+00, v5  }
0x99: {  	v5 =	vld [tilespmem:s21+$0x9660];
	[tilespmem:s21+$0x15EF0] =	vst v7;
	v6 =	vmul.f32 $8.000000000e+00, v6  }
0x9a: {  	[tilespmem:s21+$0x15E00] =	vst v4;
	v4 =	vld [tilespmem:s21+$0x9670];
	v0 =	vmul.f32 $8.000000000e+00, v0  }
0x9b: {  	[tilespmem:s21+$0x15E10] =	vst v6;
	v6 =	vld [tilespmem:s21+$0x9680];
	v1 =	vmul.f32 $8.000000000e+00, v1  }
0x9c: {  	[tilespmem:s21+$0x15E20] =	vst v0;
	v0 =	vld [tilespmem:s21+$0x9690];
	v2 =	vmul.f32 $8.000000000e+00, v2  }
0x9d: {  	[tilespmem:s21+$0x15E30] =	vst v1;
	v1 =	vld [tilespmem:s21+$0x96A0];
	v3 =	vmul.f32 $8.000000000e+00, v3  }
0x9e: {  	[tilespmem:s21+$0x15E40] =	vst v2;
	v2 =	vld [tilespmem:s21+$0x96B0];
	v5 =	vmul.f32 $8.000000000e+00, v5  }
0x9f: {  	[tilespmem:s21+$0x15E50] =	vst v3;
	v3 =	vld [tilespmem:s21+$0x96C0];
	v4 =	vmul.f32 $8.000000000e+00, v4  }
0xa0: {  	[tilespmem:s21+$0x15E60] =	vst v5;
	v5 =	vld [tilespmem:s21+$0x96D0];
	v6 =	vmul.f32 $8.000000000e+00, v6  }
0xa1: {  	[tilespmem:s21+$0x15E70] =	vst v4;
	v0 =	vmul.f32 $8.000000000e+00, v0;
	v4 =	vld [tilespmem:s21+$0x96E0]  }
0xa2: {  	[tilespmem:s21+$0x15E80] =	vst v6;
	v1 =	vmul.f32 $8.000000000e+00, v1  }
0xa3: {  	[tilespmem:s21+$0x15E90] =	vst v0;
	v0 =	vmul.f32 $8.000000000e+00, v2  }
0xa4: {  	[tilespmem:s21+$0x15EA0] =	vst v1;
	v1 =	vmul.f32 $8.000000000e+00, v3  }
0xa5: {  	[tilespmem:s21+$0x15EB0] =	vst v0;
	v0 =	vmul.f32 $8.000000000e+00, v5  }
0xa6: {  	[tilespmem:s21+$0x15EC0] =	vst v1;
	v1 =	vmul.f32 $8.000000000e+00, v4  }
0xa7: {  	s22 =	simm.s32 @!p0 $0x9600;
	s19 =	sadd.s32 s3, s19;
	[tilespmem:s21+$0x15ED0] =	vst v0  }
0xa8: {  	s19 =	smul.u32 $0x640, s19;
	s20 =	sadd.s32 @!p0 $0x3E8, s17;
	[tilespmem:s21+$0x15EE0] =	vst v1;
	s21 =	simm.s32 @!p0 $0x68  }
0xa9: {  	[tilespmem:s22], [sflag:$0x2] =	stream.indirect.gather @!p0 [hbm4b:s5+s21], $0x40, s20, s21, $0xb8;
	[tilespmem:$0x1F400] =	vst v63  }
0xaa: {  	s20 =	sadd.s32 @!p0 $0x450, s17;
	s21 =	simm.s32 @!p0 $0x60;
	s22 =	simm.s32 @!p0 $0xB000  }
0xab: {  	[tilespmem:s22], [sflag:$0x2] =	stream.indirect.gather @!p0 [hbm4b:s5+s21], $0x40, s20, s21, $0xb8;
	[tilespmem:$0x1F400] =	vst v63  }
0xac: {  	s19 =	sadd.s32 s2, s19  }
0xad: {  	[hbm4b:s19+s4] =	stream.linear.scatter [tilespmem:s29], [sflag:$0x6], $0x3200, $0x38;
	[tilespmem:$0x1F400] =	vst v63  }
0xae: {  	_ =	swait.ge [sflag:s30], $0x1A00  }
0xaf: {  	[sflag:s30] =	ssyncset.done $0x0  }
0xb0: {  	[sflag:s30] =	ssyncadd.s32 $0xFFFFE600  }
0xb1: {  	_ =	swait.ge [sflag:s30], $0x1800  }
0xb2: {  	[sflag:s30] =	ssyncset.done $0x0  }
0xb3: {  	s19 =	simm.s32 @!p1 $0x7;
	[sflag:s30] =	ssyncadd.s32 $0xFFFFE800  }
0xb4: {  	_ =	swait.ge @!p1 [sflag:s19], $0x3200  }
0xb5: {  	[sflag:s19] =	ssyncset.done @!p1 $0x0  }
0xb6: {  	s20 =	simm.s32 $0x0;
	[sflag:s19] =	ssyncadd.s32 @!p1 $0xFFFFCE00  }
0xb7: {  	v0 =	vld [tilespmem:s20+$0xC8F0]  }
0xb8: {  	v1 =	vld [tilespmem:s20+$0xC800]  }
0xb9: {  	v2 =	vld [tilespmem:s20+$0xC810]  }
0xba: {  	v3 =	vld [tilespmem:s20+$0xC820]  }
0xbb: {  	v6 =	vld [tilespmem:s20+$0xC850]  }
0xbc: {  	v4 =	vld [tilespmem:s20+$0xC830];
	v0 =	vmul.f32 $8.000000000e+00, v0  }
0xbd: {  	v5 =	vld [tilespmem:s20+$0xC840];
	v1 =	vmul.f32 $8.000000000e+00, v1  }
0xbe: {  	v7 =	vld [tilespmem:s20+$0xC860];
	[tilespmem:s20+$0x190F0] =	vst v0;
	v0 =	vmul.f32 $8.000000000e+00, v2  }
0xbf: {  	v8 =	vld [tilespmem:s20+$0xC870];
	[tilespmem:s20+$0x19000] =	vst v1;
	v1 =	vmul.f32 $8.000000000e+00, v3  }
0xc0: {  	v2 =	vmul.f32 $8.000000000e+00, v6;
	[tilespmem:s20+$0x19010] =	vst v0  }
0xc1: {  	v9 =	vld [tilespmem:s20+$0xC880];
	v0 =	vmul.f32 $8.000000000e+00, v4;
	[tilespmem:s20+$0x19020] =	vst v1  }
0xc2: {  	v4 =	vld [tilespmem:s20+$0xC890];
	v1 =	vmul.f32 $8.000000000e+00, v5;
	[tilespmem:s20+$0x19050] =	vst v2  }
0xc3: {  	v3 =	vmul.f32 $8.000000000e+00, v7;
	[tilespmem:s20+$0x19030] =	vst v0;
	v0 =	vld [tilespmem:s20+$0xC8A0]  }
0xc4: {  	v5 =	vmul.f32 $8.000000000e+00, v8;
	[tilespmem:s20+$0x19040] =	vst v1;
	v1 =	vld [tilespmem:s20+$0xC8B0]  }
0xc5: {  	v2 =	vld [tilespmem:s20+$0xC8C0];
	[tilespmem:s20+$0x19060] =	vst v3  }
0xc6: {  	v3 =	vld [tilespmem:s20+$0xC8D0];
	[tilespmem:s20+$0x19070] =	vst v5;
	v5 =	vmul.f32 $8.000000000e+00, v9  }
0xc7: {  	s21 =	simm.s32 $0x100;
	s22 =	simm.s32 $0x800;
	s19 =	sor.u32 $0x2, s18;
	v6 =	vmul.f32 $8.000000000e+00, v4;
	v4 =	vld [tilespmem:s20+$0xC8E0]  }
.LBB2_7:
0xc8: {  	p2 =	sne.s32 s22, $0xC400;
	v7 =	vld [tilespmem:s21+$0xC8F0];
	[tilespmem:s20+$0x19080] =	vst v5;
	v0 =	vmul.f32 $8.000000000e+00, v0  }
0xc9: {  	v5 =	vld [tilespmem:s21+$0xC800];
	[tilespmem:s20+$0x19090] =	vst v6;
	v1 =	vmul.f32 $8.000000000e+00, v1  }
0xca: {  	v6 =	vld [tilespmem:s21+$0xC810];
	[tilespmem:s20+$0x190A0] =	vst v0;
	v0 =	vmul.f32 $8.000000000e+00, v2  }
0xcb: {  	v2 =	vld [tilespmem:s21+$0xC820];
	[tilespmem:s20+$0x190B0] =	vst v1;
	v1 =	vmul.f32 $8.000000000e+00, v3  }
0xcc: {  	v3 =	vld [tilespmem:s21+$0xC830];
	[tilespmem:s20+$0x190C0] =	vst v0;
	v0 =	vmul.f32 $8.000000000e+00, v4  }
0xcd: {  	v4 =	vld [tilespmem:s21+$0xC840];
	v7 =	vmul.f32 $8.000000000e+00, v7;
	[tilespmem:s20+$0x190D0] =	vst v1  }
0xce: {  	v1 =	vmul.f32 $8.000000000e+00, v5;
	v5 =	vld [tilespmem:s21+$0xC850];
	[tilespmem:s20+$0x190E0] =	vst v0;
	s20 =	smov.u32 s21  }
0xcf: {  	v0 =	vmul.f32 $8.000000000e+00, v6;
	v6 =	vld [tilespmem:s20+$0xC860];
	[tilespmem:s20+$0x190F0] =	vst v7  }
0xd0: {  	[tilespmem:s20+$0x19000] =	vst v1;
	v1 =	vmul.f32 $8.000000000e+00, v2;
	v2 =	vld [tilespmem:s20+$0xC870]  }
0xd1: {  	[tilespmem:s20+$0x19010] =	vst v0;
	v0 =	vmul.f32 $8.000000000e+00, v3;
	v3 =	vld [tilespmem:s20+$0xC880]  }
0xd2: {  	[tilespmem:s20+$0x19020] =	vst v1;
	v1 =	vmul.f32 $8.000000000e+00, v4;
	v4 =	vld [tilespmem:s20+$0xC890]  }
.Ltmp2:
0xd3: {  	[tilespmem:s20+$0x19030] =	vst v0;
	v5 =	vmul.f32 $8.000000000e+00, v5;
	v0 =	vld [tilespmem:s20+$0xC8A0];
	(pc) =	sbr.rel @p2 .LBB2_7-.Ltmp2, $4  }
0xd4: {  	[tilespmem:s20+$0x19040] =	vst v1;
	v6 =	vmul.f32 $8.000000000e+00, v6;
	v1 =	vld [tilespmem:s20+$0xC8B0]  }
0xd5: {  	[tilespmem:s20+$0x19050] =	vst v5;
	v7 =	vmul.f32 $8.000000000e+00, v2;
	v2 =	vld [tilespmem:s20+$0xC8C0]  }
0xd6: {  	[tilespmem:s20+$0x19060] =	vst v6;
	v5 =	vmul.f32 $8.000000000e+00, v3;
	v3 =	vld [tilespmem:s20+$0xC8D0]  }
0xd7: {  	s21 =	sshra.s32 s22, $0x2;
	s22 =	sadd.s32 $0x400, s22;
	[tilespmem:s20+$0x19070] =	vst v7;
	v6 =	vmul.f32 $8.000000000e+00, v4;
	v4 =	vld [tilespmem:s20+$0xC8E0]  }
0xd8: {  	v7 =	vld [tilespmem:s21+$0xC8F0];
	[tilespmem:s20+$0x19080] =	vst v5;
	v0 =	vmul.f32 $8.000000000e+00, v0  }
0xd9: {  	v5 =	vld [tilespmem:s21+$0xC800];
	[tilespmem:s20+$0x19090] =	vst v6;
	v1 =	vmul.f32 $8.000000000e+00, v1  }
0xda: {  	v6 =	vld [tilespmem:s21+$0xC810];
	[tilespmem:s20+$0x190A0] =	vst v0;
	v2 =	vmul.f32 $8.000000000e+00, v2  }
0xdb: {  	v0 =	vld [tilespmem:s21+$0xC820];
	[tilespmem:s20+$0x190B0] =	vst v1;
	v3 =	vmul.f32 $8.000000000e+00, v3  }
0xdc: {  	v1 =	vld [tilespmem:s21+$0xC830];
	[tilespmem:s20+$0x190C0] =	vst v2;
	v4 =	vmul.f32 $8.000000000e+00, v4  }
0xdd: {  	v2 =	vld [tilespmem:s21+$0xC840];
	[tilespmem:s20+$0x190D0] =	vst v3;
	v7 =	vmul.f32 $8.000000000e+00, v7  }
0xde: {  	v3 =	vld [tilespmem:s21+$0xC850];
	[tilespmem:s20+$0x190E0] =	vst v4;
	v4 =	vmul.f32 $8.000000000e+00, v5  }
0xdf: {  	v5 =	vld [tilespmem:s21+$0xC860];
	[tilespmem:s21+$0x190F0] =	vst v7;
	v6 =	vmul.f32 $8.000000000e+00, v6  }
0xe0: {  	[tilespmem:s21+$0x19000] =	vst v4;
	v4 =	vld [tilespmem:s21+$0xC870];
	v0 =	vmul.f32 $8.000000000e+00, v0  }
0xe1: {  	[tilespmem:s21+$0x19010] =	vst v6;
	v6 =	vld [tilespmem:s21+$0xC880];
	v1 =	vmul.f32 $8.000000000e+00, v1  }
0xe2: {  	[tilespmem:s21+$0x19020] =	vst v0;
	v0 =	vld [tilespmem:s21+$0xC890];
	v2 =	vmul.f32 $8.000000000e+00, v2  }
0xe3: {  	[tilespmem:s21+$0x19030] =	vst v1;
	v1 =	vld [tilespmem:s21+$0xC8A0];
	v3 =	vmul.f32 $8.000000000e+00, v3  }
0xe4: {  	[tilespmem:s21+$0x19040] =	vst v2;
	v2 =	vld [tilespmem:s21+$0xC8B0];
	v5 =	vmul.f32 $8.000000000e+00, v5  }
0xe5: {  	[tilespmem:s21+$0x19050] =	vst v3;
	v3 =	vld [tilespmem:s21+$0xC8C0];
	v4 =	vmul.f32 $8.000000000e+00, v4  }
0xe6: {  	[tilespmem:s21+$0x19060] =	vst v5;
	v5 =	vld [tilespmem:s21+$0xC8D0];
	v6 =	vmul.f32 $8.000000000e+00, v6  }
0xe7: {  	[tilespmem:s21+$0x19070] =	vst v4;
	v0 =	vmul.f32 $8.000000000e+00, v0;
	v4 =	vld [tilespmem:s21+$0xC8E0]  }
0xe8: {  	[tilespmem:s21+$0x19080] =	vst v6;
	v1 =	vmul.f32 $8.000000000e+00, v1  }
0xe9: {  	[tilespmem:s21+$0x19090] =	vst v0;
	v0 =	vmul.f32 $8.000000000e+00, v2  }
0xea: {  	[tilespmem:s21+$0x190A0] =	vst v1;
	v1 =	vmul.f32 $8.000000000e+00, v3  }
0xeb: {  	[tilespmem:s21+$0x190B0] =	vst v0;
	v0 =	vmul.f32 $8.000000000e+00, v5  }
0xec: {  	[tilespmem:s21+$0x190C0] =	vst v1;
	v1 =	vmul.f32 $8.000000000e+00, v4  }
0xed: {  	s22 =	simm.s32 @!p0 $0xC800;
	s19 =	sadd.s32 s3, s19;
	[tilespmem:s21+$0x190D0] =	vst v0  }
0xee: {  	s19 =	smul.u32 $0x640, s19;
	s20 =	sadd.s32 @!p0 $0x4B0, s17;
	[tilespmem:s21+$0x190E0] =	vst v1;
	s21 =	simm.s32 @!p0 $0x68  }
0xef: {  	[tilespmem:s22], [sflag:$0x3] =	stream.indirect.gather @!p0 [hbm4b:s5+s21], $0x40, s20, s21, $0xb8;
	[tilespmem:$0x1F400] =	vst v63  }
0xf0: {  	s20 =	sadd.s32 @!p0 $0x518, s17;
	s21 =	simm.s32 @!p0 $0x60;
	s22 =	simm.s32 @!p0 $0xE200  }
0xf1: {  	[tilespmem:s22], [sflag:$0x3] =	stream.indirect.gather @!p0 [hbm4b:s5+s21], $0x40, s20, s21, $0xb8;
	[tilespmem:$0x1F400] =	vst v63  }
0xf2: {  	s19 =	sadd.s32 s2, s19  }
0xf3: {  	[hbm4b:s19+s4] =	stream.linear.scatter [tilespmem:s31], [sflag:$0x7], $0x3200, $0x38;
	[tilespmem:$0x1F400] =	vst v63  }
0xf4: {  	_ =	swait.ge [sflag:s1], $0x1A00  }
0xf5: {  	[sflag:s1] =	ssyncset.done $0x0  }
0xf6: {  	[sflag:s1] =	ssyncadd.s32 $0xFFFFE600  }
0xf7: {  	_ =	swait.ge [sflag:s1], $0x1800  }
0xf8: {  	[sflag:s1] =	ssyncset.done $0x0  }
0xf9: {  	s19 =	simm.s32 @!p1 $0x8;
	[sflag:s1] =	ssyncadd.s32 $0xFFFFE800  }
0xfa: {  	_ =	swait.ge @!p1 [sflag:s19], $0x3200  }
0xfb: {  	[sflag:s19] =	ssyncset.done @!p1 $0x0  }
0xfc: {  	[sflag:s19] =	ssyncadd.s32 @!p1 $0xFFFFCE00;
	s19 =	simm.s32 $0x0  }
0xfd: {  	v0 =	vld [tilespmem:s19+$0xFAF0]  }
0xfe: {  	v1 =	vld [tilespmem:s19+$0xFA00]  }
0xff: {  	v2 =	vld [tilespmem:s19+$0xFA10]  }
0x100: {  	v3 =	vld [tilespmem:s19+$0xFA20]  }
0x101: {  	v6 =	vld [tilespmem:s19+$0xFA50]  }
0x102: {  	v4 =	vld [tilespmem:s19+$0xFA30];
	v0 =	vmul.f32 $8.000000000e+00, v0  }
0x103: {  	v5 =	vld [tilespmem:s19+$0xFA40];
	v1 =	vmul.f32 $8.000000000e+00, v1  }
0x104: {  	v7 =	vld [tilespmem:s19+$0xFA60];
	[tilespmem:s19+$0x1C2F0] =	vst v0;
	v0 =	vmul.f32 $8.000000000e+00, v2  }
0x105: {  	v8 =	vld [tilespmem:s19+$0xFA70];
	[tilespmem:s19+$0x1C200] =	vst v1;
	v1 =	vmul.f32 $8.000000000e+00, v3  }
0x106: {  	v2 =	vmul.f32 $8.000000000e+00, v6;
	[tilespmem:s19+$0x1C210] =	vst v0  }
0x107: {  	v9 =	vld [tilespmem:s19+$0xFA80];
	v0 =	vmul.f32 $8.000000000e+00, v4;
	[tilespmem:s19+$0x1C220] =	vst v1  }
0x108: {  	v4 =	vld [tilespmem:s19+$0xFA90];
	v1 =	vmul.f32 $8.000000000e+00, v5;
	[tilespmem:s19+$0x1C250] =	vst v2  }
0x109: {  	v3 =	vmul.f32 $8.000000000e+00, v7;
	[tilespmem:s19+$0x1C230] =	vst v0;
	v0 =	vld [tilespmem:s19+$0xFAA0]  }
0x10a: {  	v5 =	vmul.f32 $8.000000000e+00, v8;
	[tilespmem:s19+$0x1C240] =	vst v1;
	v1 =	vld [tilespmem:s19+$0xFAB0]  }
0x10b: {  	v2 =	vld [tilespmem:s19+$0xFAC0];
	[tilespmem:s19+$0x1C260] =	vst v3  }
0x10c: {  	v3 =	vld [tilespmem:s19+$0xFAD0];
	[tilespmem:s19+$0x1C270] =	vst v5;
	v5 =	vmul.f32 $8.000000000e+00, v9  }
0x10d: {  	s18 =	sor.u32 $0x3, s18;
	s20 =	simm.s32 $0x100;
	s21 =	simm.s32 $0x800;
	v6 =	vmul.f32 $8.000000000e+00, v4;
	v4 =	vld [tilespmem:s19+$0xFAE0]  }
.LBB2_9:
0x10e: {  	p1 =	sne.s32 s21, $0xC400;
	v7 =	vld [tilespmem:s20+$0xFAF0];
	[tilespmem:s19+$0x1C280] =	vst v5;
	v0 =	vmul.f32 $8.000000000e+00, v0  }
0x10f: {  	v5 =	vld [tilespmem:s20+$0xFA00];
	[tilespmem:s19+$0x1C290] =	vst v6;
	v1 =	vmul.f32 $8.000000000e+00, v1  }
0x110: {  	v6 =	vld [tilespmem:s20+$0xFA10];
	[tilespmem:s19+$0x1C2A0] =	vst v0;
	v0 =	vmul.f32 $8.000000000e+00, v2  }
0x111: {  	v2 =	vld [tilespmem:s20+$0xFA20];
	[tilespmem:s19+$0x1C2B0] =	vst v1;
	v1 =	vmul.f32 $8.000000000e+00, v3  }
0x112: {  	v3 =	vld [tilespmem:s20+$0xFA30];
	[tilespmem:s19+$0x1C2C0] =	vst v0;
	v0 =	vmul.f32 $8.000000000e+00, v4  }
0x113: {  	v4 =	vld [tilespmem:s20+$0xFA40];
	v7 =	vmul.f32 $8.000000000e+00, v7;
	[tilespmem:s19+$0x1C2D0] =	vst v1  }
0x114: {  	v1 =	vmul.f32 $8.000000000e+00, v5;
	v5 =	vld [tilespmem:s20+$0xFA50];
	[tilespmem:s19+$0x1C2E0] =	vst v0;
	s19 =	smov.u32 s20  }
0x115: {  	v0 =	vmul.f32 $8.000000000e+00, v6;
	v6 =	vld [tilespmem:s19+$0xFA60];
	[tilespmem:s19+$0x1C2F0] =	vst v7  }
0x116: {  	[tilespmem:s19+$0x1C200] =	vst v1;
	v1 =	vmul.f32 $8.000000000e+00, v2;
	v2 =	vld [tilespmem:s19+$0xFA70]  }
0x117: {  	[tilespmem:s19+$0x1C210] =	vst v0;
	v0 =	vmul.f32 $8.000000000e+00, v3;
	v3 =	vld [tilespmem:s19+$0xFA80]  }
0x118: {  	[tilespmem:s19+$0x1C220] =	vst v1;
	v1 =	vmul.f32 $8.000000000e+00, v4;
	v4 =	vld [tilespmem:s19+$0xFA90]  }
.Ltmp3:
0x119: {  	[tilespmem:s19+$0x1C230] =	vst v0;
	v5 =	vmul.f32 $8.000000000e+00, v5;
	v0 =	vld [tilespmem:s19+$0xFAA0];
	(pc) =	sbr.rel @p1 .LBB2_9-.Ltmp3, $4  }
0x11a: {  	[tilespmem:s19+$0x1C240] =	vst v1;
	v6 =	vmul.f32 $8.000000000e+00, v6;
	v1 =	vld [tilespmem:s19+$0xFAB0]  }
0x11b: {  	[tilespmem:s19+$0x1C250] =	vst v5;
	v7 =	vmul.f32 $8.000000000e+00, v2;
	v2 =	vld [tilespmem:s19+$0xFAC0]  }
0x11c: {  	[tilespmem:s19+$0x1C260] =	vst v6;
	v5 =	vmul.f32 $8.000000000e+00, v3;
	v3 =	vld [tilespmem:s19+$0xFAD0]  }
0x11d: {  	s20 =	sshra.s32 s21, $0x2;
	s21 =	sadd.s32 $0x400, s21;
	[tilespmem:s19+$0x1C270] =	vst v7;
	v6 =	vmul.f32 $8.000000000e+00, v4;
	v4 =	vld [tilespmem:s19+$0xFAE0]  }
0x11e: {  	v7 =	vld [tilespmem:s20+$0xFAF0];
	[tilespmem:s19+$0x1C280] =	vst v5;
	v0 =	vmul.f32 $8.000000000e+00, v0  }
0x11f: {  	v5 =	vld [tilespmem:s20+$0xFA00];
	[tilespmem:s19+$0x1C290] =	vst v6;
	v1 =	vmul.f32 $8.000000000e+00, v1  }
0x120: {  	v6 =	vld [tilespmem:s20+$0xFA10];
	[tilespmem:s19+$0x1C2A0] =	vst v0;
	v2 =	vmul.f32 $8.000000000e+00, v2  }
0x121: {  	v0 =	vld [tilespmem:s20+$0xFA20];
	[tilespmem:s19+$0x1C2B0] =	vst v1;
	v3 =	vmul.f32 $8.000000000e+00, v3  }
0x122: {  	v1 =	vld [tilespmem:s20+$0xFA30];
	[tilespmem:s19+$0x1C2C0] =	vst v2;
	v4 =	vmul.f32 $8.000000000e+00, v4  }
0x123: {  	v2 =	vld [tilespmem:s20+$0xFA40];
	[tilespmem:s19+$0x1C2D0] =	vst v3;
	v7 =	vmul.f32 $8.000000000e+00, v7  }
0x124: {  	v3 =	vld [tilespmem:s20+$0xFA50];
	[tilespmem:s19+$0x1C2E0] =	vst v4;
	v50 =	vmul.f32 $8.000000000e+00, v5  }
0x125: {  	v51 =	vld [tilespmem:s20+$0xFA60];
	[tilespmem:s20+$0x1C2F0] =	vst v7;
	v6 =	vmul.f32 $8.000000000e+00, v6  }
0x126: {  	v52 =	vld [tilespmem:s20+$0xFA70];
	[tilespmem:s20+$0x1C200] =	vst v50;
	v0 =	vmul.f32 $8.000000000e+00, v0  }
0x127: {  	v53 =	vld [tilespmem:s20+$0xFA80];
	[tilespmem:s20+$0x1C210] =	vst v6;
	v1 =	vmul.f32 $8.000000000e+00, v1  }
0x128: {  	v54 =	vld [tilespmem:s20+$0xFA90];
	[tilespmem:s20+$0x1C220] =	vst v0;
	v2 =	vmul.f32 $8.000000000e+00, v2  }
0x129: {  	v55 =	vld [tilespmem:s20+$0xFAA0];
	[tilespmem:s20+$0x1C230] =	vst v1;
	v3 =	vmul.f32 $8.000000000e+00, v3  }
0x12a: {  	v56 =	vld [tilespmem:s20+$0xFAB0];
	[tilespmem:s20+$0x1C240] =	vst v2;
	v5 =	vmul.f32 $8.000000000e+00, v51  }
0x12b: {  	v57 =	vld [tilespmem:s20+$0xFAC0];
	v4 =	vmul.f32 $8.000000000e+00, v52;
	[tilespmem:s20+$0x1C250] =	vst v3  }
0x12c: {  	v58 =	vld [tilespmem:s20+$0xFAD0];
	v6 =	vmul.f32 $8.000000000e+00, v53;
	[tilespmem:s20+$0x1C260] =	vst v5  }
0x12d: {  	v59 =	vld [tilespmem:s20+$0xFAE0];
	v0 =	vmul.f32 $8.000000000e+00, v54;
	[tilespmem:s20+$0x1C270] =	vst v4  }
0x12e: {  	v1 =	vmul.f32 $8.000000000e+00, v55;
	[tilespmem:s20+$0x1C280] =	vst v6  }
0x12f: {  	v60 =	vmul.f32 $8.000000000e+00, v56;
	[tilespmem:s20+$0x1C290] =	vst v0  }
0x130: {  	v61 =	vmul.f32 $8.000000000e+00, v57;
	[tilespmem:s20+$0x1C2A0] =	vst v1  }
0x131: {  	v62 =	vmul.f32 $8.000000000e+00, v58;
	[tilespmem:s20+$0x1C2B0] =	vst v60  }
0x132: {  	v63 =	vmul.f32 $8.000000000e+00, v59;
	[tilespmem:s20+$0x1C2C0] =	vst v61  }
0x133: {  	s21 =	simm.s32 @!p0 $0xFA00;
	[tilespmem:s20+$0x1C2D0] =	vst v62  }
0x134: {  	s16 =	sadd.s32 $0x1, s16;
	s19 =	sadd.s32 @!p0 $0x578, s17;
	[tilespmem:s20+$0x1C2E0] =	vst v63;
	s20 =	simm.s32 @!p0 $0x68  }
0x135: {  	[tilespmem:s21], [sflag:$0x4] =	stream.indirect.gather @!p0 [hbm4b:s5+s20], $0x40, s19, s20, $0xb8;
	[tilespmem:$0x1F400] =	vst v63  }
0x136: {  	s17 =	sadd.s32 @!p0 $0x5E0, s17;
	s19 =	simm.s32 @!p0 $0x60;
	s20 =	simm.s32 @!p0 $0x11400  }
0x137: {  	[tilespmem:s20], [sflag:$0x4] =	stream.indirect.gather @!p0 [hbm4b:s5+s19], $0x40, s17, s19, $0xb8;
	[tilespmem:$0x1F400] =	vst v63  }
0x138: {  	p0 =	sne.s32 s16, $0x20  }
.Ltmp4:
0x139: {  	s18 =	sadd.s32 s3, s18;
	(pc) =	sbr.rel @p0 .LBB2_2-.Ltmp4, $3  }
0x13a: {  	s18 =	smul.u32 $0x640, s18;
	_ =	sdelay $0x1  }
0x13b: {  	s22 =	sadd.s32 s2, s18  }
0x13c: {  	[hbm4b:s22+s4] =	stream.linear.scatter [tilespmem:s0], [sflag:$0x8], $0x3200, $0x38;
	[tilespmem:$0x1F400] =	vst v63  }
0x13d: {  	_ =	swait.ge [sflag:s10], $0x3200  }
0x13e: {  	[sflag:s10] =	ssyncset.done $0x0  }
0x13f: {  	[sflag:s10] =	ssyncadd.s32 $0xFFFFCE00  }
0x140: {  	_ =	swait.ge [sflag:s12], $0x3200  }
0x141: {  	[sflag:s12] =	ssyncset.done $0x0  }
0x142: {  	s15 =	sadd.s32 $0x1, s15;
	[sflag:s12] =	ssyncadd.s32 $0xFFFFCE00  }
0x143: {  	p0 =	sne.s32 s15, s7;
	_ =	swait.ge [sflag:s13], $0x3200  }
.Ltmp5:
0x144: {  	[sflag:s13] =	ssyncset.done $0x0;
	(pc) =	sbr.rel @p0 .LBB2_1-.Ltmp5, $4  }
0x145: {  	[sflag:s13] =	ssyncadd.s32 $0xFFFFCE00  }
0x146: {  	_ =	swait.ge [sflag:s14], $0x3200  }
0x147: {  	[sflag:s14] =	ssyncset.done $0x0  }
0x148: {  	[sflag:s14] =	ssyncadd.s32 $0xFFFFCE00  }
0x149: {  	_ =	sfence.sel $0x180000  }
0x14a: {  	[bflag:$0x0] =	sbarrier.arrive $0xFFFF  }
0x14b: {  	_ =	strace $0x90000047  }
0x14c: {  	s0 =	stileid.u32;
	[bflag:$0x2] =	sbarrier.arrive $0xFFFF  }
0x14d: {  	p0 =	sne.s32 s0, $0x0;
	s0 =	rddreg [dreg:$0x2]  }
0x14e: {  	s0 =	sadd.s32 @!p0 $0x100000, s0  }
0x14f: {  	[sflag:s0] =	ssyncadd.tile.s32 @!p0 $0x1;
	_ =	shalt  }
.Lfunc_end2:
_tile_overlayer_lowered:
.L_overlay_start_2:
0x150: {  	(tag) =	ssettag $0x2  }
0x151: {  	s0 =	rddreg [dreg:$0x0];
	s2 =	stileid.u32  }
0x152: {  	s1 =	rddreg [dreg:$0x1];
	p0 =	sne.s32 s2, $0x0  }
0x153: {  	s3 =	rddreg [dreg:$0x2];
	[bflag:$0x3] =	sbarrier.arrive $0xFFFF;
	s2 =	simm.s32 @!p0 $0x1C09  }
0x154: {  	[timem:s3], [sflag:s2] =	dma.local @!p0 [hbm:s0], s1  }
0x155: {  	s0 =	simm.s32 @!p0 $0x9  }
0x156: {  	_ =	swait.ge @!p0 [sflag:s0], s1  }
0x157: {  	s1 =	ssub.s32 @!p0 $0x0, s1;
	[sflag:s0] =	ssyncset.done @!p0 $0x0  }
0x158: {  	[sflag:s0] =	ssyncadd.s32 @!p0 s1  }
0x159: {  	[bflag:$0x3] =	sbarrier.arrive $0xFFFF  }
0x15a: {  	_ =	shalt  }

// kernel: sparse-core-data-format-call.cloned.1.call-start
scs
called_computation_lowered:
.L_overlay_start_0:
0x0: {  	s2 =	sld [smem:$0x3FD9]  }
0x1: {  	s3 =	sld [smem:$0x3FFE];
	_ =	sdelay $0x1  }
0x2: {  	s1 =	srdreg.scid  }
0x3: {  	s0 =	sand.u32 $0x1, s1  }
0x4: {  	s18 =	sshll.u32 s0, $0xA;
	s2 =	sadd.s32 s3, s2  }
0x5: {  	s2 =	sadd.s32 s2, s18  }
0x6: {  	[smem:$0x3FC6] =	sst s2  }
0x7: {  	_ = 	snop  }
0x8: {  	s2 =	sld [smem:$0x3FD0];
	(tm) =	ssettm $0x1  }
0x9: {  	s19 =	sld [smem:$0x3FFB];
	_ =	sdelay $0x3  }
0xa: {  	_ =	strace s19  }
0xb: {  	s3 =	sld [smem:$0x3FFC];
	_ =	sdelay $0x3  }
0xc: {  	_ =	strace s3  }
0xd: {  	s3 =	sld [smem:$0x3FFD];
	_ =	sdelay $0x3  }
0xe: {  	_ =	strace s3  }
0xf: {  	_ =	strace $0x8FFFFFFF  }
0x10: {  	s20 =	sld [smem:$0x3FDB];
	_ =	sdelay $0x1  }
0x11: {  	s4 =	simm.s32 $_scs_section_size  }
0x12: {  	s5 =	simm.s32 $_size__tile_overlayer_lowered;
	s6 =	simm.s32 $_tile_overlayer_lowered  }
0x13: {  	s23 =	simm.s32 $0x1BFF;
	s22 =	sshll.u32 s6, $0x1;
	s3 =	sadd.s32 s4, s20  }
0x14: {  	s7 =	simm.s32 $0x0;
	s21 =	sshll.u32 s5, $0x1;
	s5 =	sadd.s32 s22, s3  }
0x15: {  	[timem:s7], [sflag:s23] =	dma.local [hbm:s5], s21  }
0x16: {  	_ =	swait.ge [sflag:s23], s21  }
0x17: {  	s4 =	ssub.s32 $0x0, s21;
	[sflag:s23] =	ssyncset.done $0x0  }
0x18: {  	[sflag:s23] =	ssyncadd.s32 s4;
	_ =	sdelay $0x1  }
0x19: {  	s24 =	simm.s32 $0x1B8B  }
0x1a: {  	_ =	swait.ge [sflag:s24], $0x1  }
0x1b: {  	[sflag:s24] =	ssyncset.done $0x0  }
0x1c: {  	s26 =	simm.s32 $0x1B8E;
	s25 =	sld [smem:$0x3FFE];
	[sflag:s24] =	ssyncadd.s32 $0xFFFFFFFF  }
0x1d: {  	s27 =	simm.s32 $execute0_lowered;
	[smem:$0x3FD2] =	sst s26  }
0x1e: {  	s5 =	sshll.u32 s27, $0x1;
	_ =	strace $0x80000049;
	[dreg:$0x1] =	wrdreg $0xFFFFFFFF  }
0x1f: {  	s28 =	simm.s32 $_size_execute0_lowered;
	s3 =	sadd.s32 s3, s5;
	[dreg:$0x0] =	wrdreg $0x0  }
0x20: {  	s5 =	sshll.u32 s28, $0x1;
	[dreg:$0x2] =	wrdreg s3  }
0x21: {  	[dreg:$0x3] =	wrdreg s5  }
0x22: {  	[dreg:$0x4] =	wrdreg $0xC0  }
0x23: {  	_ =	task [dreg:s7], $0x5FFFF  }
0x24: {  	[dreg:$0x1] =	wrdreg $0xFFFFFFFF  }
0x25: {  	[dreg:$0x0] =	wrdreg $0x60  }
0x26: {  	[dreg:$0x2] =	wrdreg s25  }
0x27: {  	[dreg:$0x3] =	wrdreg s2  }
0x28: {  	[dreg:$0x4] =	wrdreg $0x9  }
0x29: {  	_ =	task.clear_ibuf [dreg:s7], $0x5FFFF;
	_ =	strace $0x90000049  }
0x2a: {  	s29 =	simm.s32 $0x9;
	_ =	strace $0x8000004B  }
0x2b: {  	_ =	swait.ge [sflag:s29], $0x1  }
0x2c: {  	[sflag:s29] =	ssyncadd.s32 $0xFFFFFFFF  }
0x2d: {  	_ =	strace $0x9000004B  }
0x2e: {  	_ =	sfence  }
0x2f: {  	s30 =	sld [smem:$0x0];
	_ =	sdelay $0x2  }
0x30: {  	s31 =	sshll.u32 s1, $0xD;
	s1 =	sshrl.u32 s1, $0x2  }
0x31: {  	s3 =	sand.u32 $0x4000, s31;
	s1 =	sadd.s32 s1, s30  }
0x32: {  	s0 =	sor.u32 s3, s0;
	s1 =	sshll.u32 s1, $0x11  }
0x33: {  	s0 =	sor.u32 s1, s0  }
0x34: {  	s0 =	sadd.s32 $0x8F2B, s0  }
0x35: {  	[sflag:s0] =	ssyncadd.remote.s32 $0x1  }
0x36: {  	_ =	sfence.sel $0xFFFF  }
0x37: {  	[dreg:$0x0] =	wrdreg $0xFFFFFFFF;
	(pc) =	sbr.abs _section_cstart, $3  }
0x38: {  	[dreg:$0x1] =	wrdreg $0xFFFFFFFF  }
0x39: {  	_ =	task.clear_ibuf [dreg:s7], $0x2FFFF;
	_ =	strace $0x9FFFFFFF  }
0x3a: {  	(tm) =	ssettm $0x7FFFFFFF  }
0x3b: {  	_ =	shalt  }
tec
execute0_lowered:
.L_overlay_start_1:
0x0: {  	(tag) =	ssettag $0x1  }
0x1: {  	s0 =	srdreg.scid  }
0x2: {  	s1 =	sshll.u32 s0, $0x4  }
0x3: {  	s0 =	stileid.u32;
	s1 =	sand.u32 $0x10, s1  }
0x4: {  	s1 =	sor.u32 s0, s1  }
0x5: {  	s6 =	rddreg [dreg:$0x0];
	s4 =	simm.s32 $0x1;
	s2 =	sshll.u32 s1, $0x7  }
0x6: {  	s7 =	simm.s32 $0x2;
	s12 =	simm.s32 $0x0;
	s1 =	ssub.s32 $0x1000, s2  }
0x7: {  	s8 =	simm.s32 $0x8000;
	s13 =	simm.s32 $0x0;
	s3 =	sand.u32 $0xF80, s1  }
0x8: {  	s9 =	simm.s32 $0x0;
	s5 =	sshrl.u32 s1, $0xC;
	p0 =	sne.s32 s3, $0x0  }
.Ltmp0:
0x9: {  	s1 =	rddreg [dreg:$0x2];
	s4 =	simm.s32 @!p0 $0x0;
	(pc) =	sbr.rel .LBB1_1-.Ltmp0, $4  }
0xa: {  	s11 =	simm.s32 $0x0;
	s3 =	rddreg [dreg:$0x1];
	s5 =	sadd.s32 s4, s5  }
0xb: {  	_ =	strace $0x8000004A;
	s4 =	simm.s32 $0x1;
	s5 =	smul.u32 $0xC8, s5  }
0xc: {  	s6 =	sadd.s32 $0xA00, s6;
	s10 =	smov.u32 s2;
	[sflag:s4] =	ssyncpa.u1 $0x0  }
0xd: {  	p0 =	por $0x0, $0x0;
	[sflag:s7] =	ssyncpa.u1 $0x0;
	s7 =	sor.u32 $0x1, s5  }
.LBB1_4:
0xe: {  	s16 =	sshll.u32 s13, $0x3;
	s17 =	sand.u32 $0x78, s13  }
0xf: {  	s30 =	sand.u32 $0x7E00, s13;
	s12 =	sshll.u32 s12, $0xF;
	s16 =	sand.u32 $0xC00, s16  }
0x10: {  	[tilespmem:s15+$0x810 ss:$0x81] =	vst.msk $0xffff, v2;
	s31 =	sand.u32 $0x7, s13;
	s16 =	sor.u32 s17, s16;
	s17 =	sadd.s32 s3, s30  }
0x11: {  	[tilespmem:s15+$0x1020 ss:$0x81] =	vst.msk $0xffff, v0;
	s13 =	sshll.u32 s31, $0x12;
	s12 =	sadd.s32 s12, s17;
	s16 =	sshrl.u32 s16, $0x3  }
0x12: {  	[tilespmem:s15+$0x0 ss:$0x81] =	vst.msk $0xffff, v1;
	s13 =	sor.u32 $0x400, s13;
	s12 =	sadd.s32 s16, s12  }
0x13: {  	[hbm4b:s12+s13] =	stream.strided.scatter [tilespmem:s14], [sflag:$0x2], $0x2000, s8, s13, $0x20;
	[tilespmem:$0x8080] =	vst v63  }
.LBB1_5:
0x14: {  	s14 =	sadd.s32 $0x1, s9  }
0x15: {  	s12 =	sadd.s32 $0x1000, s10;
	s16 =	smov.u32 s10;
	p2 =	sgt.s32 s14, $0xC7  }
0x16: {  	s16 =	smov.u32 @p2 s12  }
0x17: {  	s14 =	simm.s32 @p2 $0x0;
	p2 =	sgt.s32 s16, $0xFFF  }
0x18: {  	s16 =	smov.u32 @p2 s2;
	p2 =	sne.s32 s11, s7  }
.Ltmp1:
0x19: {  	p1 =	slt.u32 s11, $0x2;
	(pc) =	sbr.rel @!p2 .LBB1_6-.Ltmp1, $4  }
0x1a: {  	s15 =	simm.s32 @!p1 $0x2  }
0x1b: {  	s13 =	smov.u32 s10;
	p0 =	por !p0, !p0;
	_ =	swait.ge @!p1 [sflag:s15], $0x2000  }
0x1c: {  	s12 =	smov.u32 s9;
	[sflag:s15] =	ssyncset.done @!p1 $0x0;
	s9 =	smov.u32 s14  }
0x1d: {  	s11 =	sadd.s32 $0x1, s11;
	[sflag:s15] =	ssyncadd.s32 @!p1 $0xFFFFE000;
	s10 =	smov.u32 s16  }
.LBB1_1:
0x1e: {  	p1 =	sge.u32 s11, s5  }
0x1f: {  	s14 =	sand.u32 @!p1 $0x1FFFFFF, s9  }
0x20: {  	s15 =	smulhi.u32 @!p1 $0x147AE15, s14;
	_ =	sdelay $0x1  }
0x21: {  	s15 =	smul.u32 @!p1 $0xC8, s15  }
0x22: {  	s16 =	sxor.u32 @!p1 $0xFFFFFFFF, s11;
	s17 =	smul.u32 @!p1 $0xC80, s10  }
0x23: {  	s31 =	sadd.s32 $0xFFFFFFFF, s11;
	s16 =	sshll.u32 @!p1 s16, $0xD;
	s14 =	ssub.s32 @!p1 s14, s15  }
0x24: {  	s15 =	sand.u32 @!p1 $0x2000, s16;
	s16 =	sadd.s32 @!p1 s6, s17;
	s14 =	sshll.u32 @!p1 s14, $0x4  }
0x25: {  	s17 =	simm.s32 @!p1 $0x6400;
	s14 =	sadd.s32 @!p1 s14, s16;
	s16 =	simm.s32 @!p1 $0x40  }
0x26: {  	[tilespmem:s15], [sflag:$0x1] =	stream.strided.gather @!p1 [hbm4b:s14+s16], $0x2000, s17, s16, $0x38;
	[tilespmem:$0x8080] =	vst v63  }
0x27: {  	p1 =	sge.u32 s31, s5  }
.Ltmp2:
0x28: {  	_ = 	snop;
	(pc) =	sbr.rel @p1 .LBB1_5-.Ltmp2, $1  }
0x29: {  	_ =	sdelay $0x3  }
0x2a: {  	s14 =	simm.s32 $0x1  }
0x2b: {  	_ =	swait.ge [sflag:s4], $0x2000;
	s14 =	simm.s32 @!p0 $0x0  }
0x2c: {  	[sflag:s4] =	ssyncset.done $0x0;
	s15 =	sshll.u32 s14, $0xD  }
0x2d: {  	[sflag:s4] =	ssyncadd.s32 $0xFFFFE000;
	s18 =	sor.u32 $0x20, s15  }
0x2e: {  	s14 =	smul.u32 $0x8100, s14;
	v3 =	vld [tilespmem:s18+$0x10]  }
0x2f: {  	s30 =	sand.u32 $0x1, s11;
	v2 =	vld [tilespmem:s18+$0xFFFFFFF0]  }
0x30: {  	s15 =	smul.u32 $0x8100, s30;
	s14 =	sshrl.u32 s14, $0x2;
	v0 =	vld [tilespmem:s18+$0x0]  }
0x31: {  	v1 =	vld [tilespmem:s18+$0xFFFFFFE0];
	s16 =	sor.u32 $0x4000, s14  }
0x32: {  	s31 =	sshrl.u32 s15, $0x2;
	s15 =	sadd.s32 $0x0, s16  }
0x33: {  	s17 =	simm.s32 $0x4;
	s18 =	sadd.s32 $0x40, s18;
	s14 =	sor.u32 $0x4000, s31;
	[tilespmem:s15+$0x1830 ss:$0x81] =	vst.msk $0xffff, v3  }
.LBB1_3:
0x34: {  	v3 =	vld [tilespmem:s18+$0x10];
	p1 =	sne.s32 s17, $0x1FC;
	[tilespmem:s15+$0x810 ss:$0x81] =	vst.msk $0xffff, v2;
	s19 =	smov.u32 s17;
	s17 =	sadd.s32 $0x4, s17  }
.Ltmp3:
0x35: {  	v2 =	vld [tilespmem:s18+$0xFFFFFFF0];
	[tilespmem:s15+$0x1020 ss:$0x81] =	vst.msk $0xffff, v0;
	(pc) =	sbr.rel @p1 .LBB1_3-.Ltmp3, $4  }
0x36: {  	v0 =	vld [tilespmem:s18+$0x0];
	[tilespmem:s15+$0x0 ss:$0x81] =	vst.msk $0xffff, v1  }
0x37: {  	s15 =	sshra.s32 s19, $0x2;
	v1 =	vld [tilespmem:s18+$0xFFFFFFE0]  }
0x38: {  	s15 =	sadd.s32 s15, s16  }
0x39: {  	s18 =	sadd.s32 $0x40, s18;
	[tilespmem:s15+$0x1830 ss:$0x81] =	vst.msk $0xffff, v3  }
.Ltmp4:
0x3a: {  	_ = 	snop;
	(pc) =	sbr.rel .LBB1_4-.Ltmp4, $1  }
0x3b: {  	_ =	sdelay $0x3  }
.LBB1_6:
0x3c: {  	_ =	sfence.sel $0x180000  }
0x3d: {  	s2 =	simm.s32 $0x1;
	[bflag:$0x0] =	sbarrier.arrive $0xFFFF  }
0x3e: {  	s31 =	simm.s32 $0x2;
	[sflag:s2] =	ssyncpa.u1 $0x1  }
0x3f: {  	[sflag:s31] =	ssyncpa.u1 $0x1  }
0x40: {  	p0 =	sne.s32 s0, $0x0;
	_ =	strace $0x9000004A  }
0x41: {  	s0 =	sadd.s32 @!p0 $0x100000, s1;
	[bflag:$0x2] =	sbarrier.arrive $0xFFFF  }
0x42: {  	[sflag:s0] =	ssyncadd.tile.s32 @!p0 $0x1;
	_ =	shalt  }
.Lfunc_end1:
_tile_overlayer_lowered:
.L_overlay_start_2:
0x43: {  	(tag) =	ssettag $0x2  }
0x44: {  	s0 =	rddreg [dreg:$0x0];
	s2 =	stileid.u32  }
0x45: {  	s1 =	rddreg [dreg:$0x1];
	p0 =	sne.s32 s2, $0x0  }
0x46: {  	s3 =	rddreg [dreg:$0x2];
	[bflag:$0x3] =	sbarrier.arrive $0xFFFF;
	s2 =	simm.s32 @!p0 $0x1C01  }
0x47: {  	[timem:s3], [sflag:s2] =	dma.local @!p0 [hbm:s0], s1  }
0x48: {  	s0 =	simm.s32 @!p0 $0x1  }
0x49: {  	_ =	swait.ge @!p0 [sflag:s0], s1  }
0x4a: {  	s1 =	ssub.s32 @!p0 $0x0, s1;
	[sflag:s0] =	ssyncset.done @!p0 $0x0  }
0x4b: {  	[sflag:s0] =	ssyncadd.s32 @!p0 s1  }
0x4c: {  	[bflag:$0x3] =	sbarrier.arrive $0xFFFF  }
0x4d: {  	_ =	shalt  }

</sc_bundles>
